<compile_context>
chip_gen: v7x
topology: tpu7x:2x2x1
jax: 0.10.2.dev20260603
libtpu: 0.0.44.dev20260713+nightly
codegen_flags: <defaults>
</compile_context>

<pallas_src>
import functools

import jax
import jax.numpy as jnp
from jax import lax
from jax.experimental import pallas as pl
from jax.experimental.pallas import tpu as pltpu
from jax.experimental.pallas import tpu_sc as plsc

N, E, D = 10000, 320000, 128
B, F = 4096, 64
GCN_UNITS, FUSION_UNITS, BASE_OUT = 128, 128, 64

NC, NS = 2, 16
NW = NC * NS
EPW = E // NW
K = 125
CHUNKS = EPW // K
ZC = 80
NZZ = N // ZC
ZZI = (NZZ + NS - 1) // NS
ZR = 200
NZC = N // ZR
ZITER = (NZC + NS - 1) // NS
BPW = B // NW

_mesh = plsc.VectorSubcoreMesh(core_axis_name="c", subcore_axis_name="s")


NPAD = 10240
DZR = 2048
NDZ = NPAD // DZR


@functools.partial(
    pl.kernel,
    out_type=jax.ShapeDtypeStruct((NC, 1, NPAD), jnp.float32),
    mesh=_mesh,
    scratch_types=[
        pltpu.VMEM((CHUNKS, K), jnp.int32),
        pltpu.VMEM((128,), jnp.float32),
        pltpu.VMEM((DZR,), jnp.float32),
        pltpu.VMEM_SHARED((NPAD,), jnp.float32),
        pltpu.SemaphoreType.DMA,
    ],
)
def _deg_kernel(dst_hbm, deg_out, dst2d, onesb, zdb, dacc, sda):
    c = lax.axis_index("c")
    s = lax.axis_index("s")
    w = c * NS + s
    z16 = jnp.zeros((16,), jnp.float32)
    o16 = jnp.ones((16,), jnp.float32)

    for k in range(8):
        onesb[pl.ds(k * 16, 16)] = o16

    def zero_body(j, _):
        zdb[pl.ds(j * 16, 16)] = z16
        return 0
    lax.fori_loop(0, DZR // 16, zero_body, 0)

    @pl.when(s < NDZ)
    def _():
        pltpu.sync_copy(zdb, dacc.at[pl.ds(s * DZR, DZR)])

    pltpu.sync_copy(dst_hbm.at[w], dst2d)

    plsc.subcore_barrier()

    def chunk_body(i, _):
        pltpu.async_copy(onesb.at[pl.ds(0, K)], dacc.at[dst2d.at[i]], sda,
                         add=True)
        return 0
    lax.fori_loop(0, CHUNKS, chunk_body, 0)

    def drain_body(i, _):
        pltpu.make_async_copy(onesb.at[pl.ds(0, K)], dacc.at[dst2d.at[i]],
                              sda).wait()
        return 0
    lax.fori_loop(0, CHUNKS, drain_body, 0)

    plsc.subcore_barrier()

    @pl.when(s < NDZ)
    def _():
        pltpu.sync_copy(dacc.at[pl.ds(s * DZR, DZR)],
                        deg_out.at[c, 0, pl.ds(s * DZR, DZR)])


HCH = CHUNKS // 2


@functools.partial(
    pl.kernel,
    out_type=jax.ShapeDtypeStruct((NC, N, D), jnp.float32),
    mesh=_mesh,
    scratch_types=[
        pltpu.VMEM((HCH, K), jnp.int32),
        pltpu.VMEM((CHUNKS, K), jnp.int32),
        pltpu.VMEM((K, D), jnp.float32),
        pltpu.VMEM((K, D), jnp.float32),
        pltpu.VMEM_SHARED((N, D), jnp.float32),
        pltpu.SemaphoreType.DMA,
        pltpu.SemaphoreType.DMA,
    ],
)
def _prop_kernel(x_hbm, src_hbm, dst_hbm, out_hbm, src2d, dst2d,
                 rows0, rows1, acc, sg0, sg1):
    c = lax.axis_index("c")
    s = lax.axis_index("s")
    w = c * NS + s
    z16 = jnp.zeros((16,), jnp.float32)

    def zzero(i, _):
        for k in range(D // 16):
            rows0[i, pl.ds(k * 16, 16)] = z16
        return 0
    lax.fori_loop(0, K, zzero, 0)

    for t in range(ZZI):
        u = t * NS + s

        @pl.when(u < NZZ)
        def _():
            pltpu.sync_copy(rows0.at[pl.ds(0, ZC)], acc.at[pl.ds(u * ZC, ZC)])

    pltpu.sync_copy(dst_hbm.at[w], dst2d)
    pltpu.sync_copy(src_hbm.at[w, pl.ds(0, HCH)], src2d)

    plsc.subcore_barrier()

    def gstart(jj, rb, sg):
        pltpu.async_copy(x_hbm.at[src2d.at[jj]], rb, sg)

    def gwait(jj, rb, sg):
        pltpu.make_async_copy(x_hbm.at[src2d.at[jj]], rb, sg).wait()

    for p in range(2):
        jbase = p * HCH

        @pl.when(jnp.bool_(p > 0))
        def _():
            pltpu.sync_copy(src_hbm.at[w, pl.ds(p * HCH, HCH)], src2d)

        gstart(0, rows0, sg0)
        gstart(1, rows1, sg1)

        def chunk_body(t, _):
            jj = 2 * t
            gwait(jj, rows0, sg0)
            pltpu.sync_copy(rows0, acc.at[dst2d.at[jbase + jj]], add=True)

            @pl.when(jj + 2 < HCH)
            def _():
                gstart(jj + 2, rows0, sg0)

            gwait(jj + 1, rows1, sg1)
            pltpu.sync_copy(rows1, acc.at[dst2d.at[jbase + jj + 1]], add=True)

            @pl.when(jj + 3 < HCH)
            def _():
                gstart(jj + 3, rows1, sg1)
            return 0
        lax.fori_loop(0, HCH // 2, chunk_body, 0)

    plsc.subcore_barrier()

    for t in range(ZITER):
        u = t * NS + s

        @pl.when(u < NZC)
        def _():
            pltpu.sync_copy(acc.at[pl.ds(u * ZR, ZR)],
                            out_hbm.at[c, pl.ds(u * ZR, ZR)])




BPC = B // NS


@functools.partial(
    pl.kernel,
    out_type=[
        jax.ShapeDtypeStruct((NC, B, D), jnp.float32),
        jax.ShapeDtypeStruct((B,), jnp.float32),
    ],
    mesh=_mesh,
    scratch_types=[
        pltpu.VMEM((HCH, K), jnp.int32),
        pltpu.VMEM((CHUNKS, K), jnp.int32),
        pltpu.VMEM((128, D), jnp.float32),
        pltpu.VMEM((128, D), jnp.float32),
        pltpu.VMEM((BPC,), jnp.float32),
        pltpu.VMEM((2, 128), jnp.int32),
        pltpu.VMEM((128,), jnp.float32),
        pltpu.VMEM_SHARED((N, D), jnp.float32),
        pltpu.SemaphoreType.DMA,
        pltpu.SemaphoreType.DMA,
    ],
)
def _prop2_kernel(x_hbm, src_hbm, dst_hbm, mid_hbm, dinv_hbm, g_out, dv_out,
                  src2d, dst2d, rows0, rows1, mv, idx2, dvb, acc, sg0, sg1):
    c = lax.axis_index("c")
    s = lax.axis_index("s")
    w = c * NS + s
    z16 = jnp.zeros((16,), jnp.float32)

    def zzero(i, _):
        for k in range(D // 16):
            rows0[i, pl.ds(k * 16, 16)] = z16
        return 0
    lax.fori_loop(0, 128, zzero, 0)

    for t in range(ZZI):
        u = t * NS + s

        @pl.when(u < NZZ)
        def _():
            pltpu.sync_copy(rows0.at[pl.ds(0, ZC)], acc.at[pl.ds(u * ZC, ZC)])

    pltpu.sync_copy(dst_hbm.at[w], dst2d)
    pltpu.sync_copy(src_hbm.at[w, pl.ds(0, HCH)], src2d)
    pltpu.sync_copy(mid_hbm.at[pl.ds(s * BPC, BPC)], mv)

    for g in range(BPC // 16):
        v = mv[pl.ds(g * 16, 16)]
        idx2[g // 8, pl.ds((g % 8) * 16, 16)] = (
            v * jnp.float32(N - 1)).astype(jnp.int32)

    plsc.subcore_barrier()

    def gstart(jj, rb, sg):
        pltpu.async_copy(x_hbm.at[src2d.at[jj]], rb.at[pl.ds(0, K)], sg)

    def gwait(jj, rb, sg):
        pltpu.make_async_copy(x_hbm.at[src2d.at[jj]], rb.at[pl.ds(0, K)],
                              sg).wait()

    for p in range(2):
        jbase = p * HCH

        @pl.when(jnp.bool_(p > 0))
        def _():
            pltpu.sync_copy(src_hbm.at[w, pl.ds(p * HCH, HCH)], src2d)

        gstart(0, rows0, sg0)
        gstart(1, rows1, sg1)

        def chunk_body(t, _):
            jj = 2 * t
            gwait(jj, rows0, sg0)
            pltpu.sync_copy(rows0.at[pl.ds(0, K)], acc.at[dst2d.at[jbase + jj]], add=True)

            @pl.when(jj + 2 < HCH)
            def _():
                gstart(jj + 2, rows0, sg0)

            gwait(jj + 1, rows1, sg1)
            pltpu.sync_copy(rows1.at[pl.ds(0, K)], acc.at[dst2d.at[jbase + jj + 1]], add=True)

            @pl.when(jj + 3 < HCH)
            def _():
                gstart(jj + 3, rows1, sg1)
            return 0
        lax.fori_loop(0, HCH // 2, chunk_body, 0)

    plsc.subcore_barrier()

    for r in range(2):
        pltpu.async_copy(acc.at[idx2.at[r]], rows0, sg0)
        pltpu.make_async_copy(acc.at[idx2.at[r]], rows0, sg0).wait()
        pltpu.sync_copy(rows0,
                        g_out.at[c, pl.ds(s * BPC + r * 128, 128)])

    @pl.when(c == 0)
    def _():
        for r in range(2):
            pltpu.async_copy(dinv_hbm.at[idx2.at[r]], dvb, sg1)
            pltpu.make_async_copy(dinv_hbm.at[idx2.at[r]], dvb, sg1).wait()
            pltpu.sync_copy(dvb, dv_out.at[pl.ds(s * BPC + r * 128, 128)])


def _t1_body(p_ref, nf_ref, dinv_ref, xt0_ref):
    deg = jnp.maximum(jnp.sum(p_ref[:, :N], axis=0), 1.0)
    dinv = lax.rsqrt(deg)
    dinv_ref[...] = dinv
    xt0_ref[...] = nf_ref[...] * dinv[:, None]


def _t2_body(p_ref, dinv_ref, w_ref, b_ref, xt1_ref):
    dinv = dinv_ref[...]
    agg = (p_ref[0] + p_ref[1]) * dinv[:, None]
    x1 = jax.nn.relu(
        jnp.dot(agg, w_ref[...], preferred_element_type=jnp.float32)
        + b_ref[...][None, :])
    xt1_ref[...] = x1 * dinv[:, None]


def _t3_body(f_ref, g0_ref, g1_ref, dvg_ref, wb_ref, bb_ref, w1_ref, b1_ref,
             wf_ref, bf_ref, wo_ref, bo_ref, out_ref):
    base = jax.nn.relu(
        jnp.dot(f_ref[...], wb_ref[...], preferred_element_type=jnp.float32)
        + bb_ref[...][None, :])
    dvg = dvg_ref[...]
    aggg = (g0_ref[...] + g1_ref[...]) * dvg[:, None]
    graph = jax.nn.relu(
        jnp.dot(aggg, w1_ref[...], preferred_element_type=jnp.float32)
        + b1_ref[...][None, :])
    fusion = jax.nn.relu(
        jnp.dot(base, wf_ref[0:BASE_OUT, :], preferred_element_type=jnp.float32)
        + jnp.dot(graph, wf_ref[BASE_OUT:, :], preferred_element_type=jnp.float32)
        + bf_ref[...][None, :])
    out_ref[...] = jax.nn.sigmoid(
        jnp.dot(fusion, wo_ref[...], preferred_element_type=jnp.float32)
        + bo_ref[...][None, :])


def kernel(movieId, features, node_features, edge_index, Wb, bb, W_gcn0,
           b_gcn0, W_gcn1, b_gcn1, Wf, bf, Wo, bo):
    src = edge_index[0].astype(jnp.int32).reshape(NW, CHUNKS, K)
    dst = edge_index[1].astype(jnp.int32).reshape(NW, CHUNKS, K)

    deg_partials = _deg_kernel(dst).reshape(NC, NPAD)

    dinv, xt0 = pl.pallas_call(
        _t1_body,
        out_shape=[
            jax.ShapeDtypeStruct((N,), jnp.float32),
            jax.ShapeDtypeStruct((N, D), jnp.float32),
        ],
    )(deg_partials, node_features)

    p = _prop_kernel(xt0, src, dst)

    xt1 = pl.pallas_call(
        _t2_body,
        out_shape=jax.ShapeDtypeStruct((N, GCN_UNITS), jnp.float32),
    )(p, dinv, W_gcn0, b_gcn0)

    g, dvg = _prop2_kernel(xt1, src, dst, movieId, dinv)

    out = pl.pallas_call(
        _t3_body,
        out_shape=jax.ShapeDtypeStruct((B, 1), jnp.float32),
    )(features, g[0], g[1], dvg, Wb, bb, W_gcn1, b_gcn1, Wf, bf, Wo, bo)
    return out

# --- scband reference (transcript-rebuilt; emitter-appended) ---
"""Pipeline reference for scband-graph-enhanced-deep-fm-64613488001680 (READ-ONLY COPY).

The authoritative reference and input builder live on the scoring server;
editing this copy changes nothing except your own understanding.
"""

import jax, jax.numpy as jnp
import numpy as np

N, E, D = 10000, 320000, 128
B, F = 4096, 64
GCN_UNITS, FUSION_UNITS, BASE_OUT = 128, 128, 64

def setup_inputs(seed: int = 0):
    key = jax.random.key(seed)
    ks = jax.random.split(key, 12)
    s = lambda k, sh: (jax.random.normal(k, sh) * 0.05).astype(jnp.float32)
    movieId = jax.random.uniform(ks[0], (B,), dtype=jnp.float32)
    features = jax.random.normal(ks[1], (B, F), dtype=jnp.float32)
    node_features = jax.random.normal(ks[2], (N, D), dtype=jnp.float32)
    edge_index = jax.random.randint(ks[3], (2, E), 0, N, dtype=jnp.int64) if jax.config.jax_enable_x64 else jax.random.randint(ks[3], (2, E), 0, N, dtype=jnp.int32)
    Wb = s(ks[4], (F, BASE_OUT)); bb = jnp.zeros((BASE_OUT,), jnp.float32)
    W_gcn0 = s(ks[5], (D, GCN_UNITS)); b_gcn0 = jnp.zeros((GCN_UNITS,), jnp.float32)
    W_gcn1 = s(ks[6], (GCN_UNITS, GCN_UNITS)); b_gcn1 = jnp.zeros((GCN_UNITS,), jnp.float32)
    Wf = s(ks[7], (BASE_OUT + GCN_UNITS, FUSION_UNITS)); bf = jnp.zeros((FUSION_UNITS,), jnp.float32)
    Wo = s(ks[8], (FUSION_UNITS, 1)); bo = jnp.zeros((1,), jnp.float32)
    return {"movieId": movieId, "features": features, "node_features": node_features,
            "edge_index": edge_index, "Wb": Wb, "bb": bb,
            "W_gcn0": W_gcn0, "b_gcn0": b_gcn0, "W_gcn1": W_gcn1, "b_gcn1": b_gcn1,
            "Wf": Wf, "bf": bf, "Wo": Wo, "bo": bo}

def reference(movieId, features, node_features, edge_index, Wb, bb,
              W_gcn0, b_gcn0, W_gcn1, b_gcn1, Wf, bf, Wo, bo):
    # base DeepFM branch (dense MLP stand-in for base_model)
    base_output = jax.nn.relu(features @ Wb + bb)
    # symmetric-normalized GCN propagation over edge list
    src = edge_index[0]
    dst = edge_index[1]
    deg = jax.ops.segment_sum(jnp.ones((E,), jnp.float32), dst, num_segments=N)
    deg = jnp.maximum(deg, 1.0)
    dinv = jax.lax.rsqrt(deg)
    norm = dinv[src] * dinv[dst]
    x = node_features
    for (W, b) in ((W_gcn0, b_gcn0), (W_gcn1, b_gcn1)):
        msg = jnp.take(x, src, axis=0) * norm[:, None]
        agg = jax.ops.segment_sum(msg, dst, num_segments=N)
        x = jax.nn.relu(agg @ W + b)
    # gather per-example graph features via movieId
    movie_idx = (movieId * (N - 1)).astype(jnp.int32)
    graph_features = jnp.take(x, movie_idx, axis=0)
    combined = jnp.concatenate([base_output, graph_features], axis=1)
    fusion = jax.nn.relu(combined @ Wf + bf)
    out = jax.nn.sigmoid(fusion @ Wo + bo)
    return out

if __name__ == "__main__":
    import jax
    _d = setup_inputs()
    print(jax.jit(kernel)(*tuple(_d.values())))

</pallas_src>

<mosaic_0001>
#map = affine_map<(d0, d1) -> (0, 0, 0)>
module attributes {stable_mosaic.version = 14 : i64} {
  func.func @_deg_kernel(%arg0: i32, %arg1: i32, %arg2: memref<32x80x125xi32, #tpu.memory_space<hbm>>, %arg3: memref<2x1x10240xf32, #tpu.memory_space<hbm>>, %arg4: memref<80x125xi32, #tpu.memory_space<vmem>>, %arg5: memref<128xf32, #tpu.memory_space<vmem>>, %arg6: memref<2048xf32, #tpu.memory_space<vmem>>, %arg7: memref<10240xf32, #tpu.memory_space<vmem_shared>>, %arg8: memref<!tpu.dma_semaphore, #tpu.memory_space<semaphore_mem>>) attributes {dimension_semantics = [#tpu.dimension_semantics<core_parallel>, #tpu.dimension_semantics<subcore_parallel>], iteration_bounds = array<i64: 2, 16>, scalar_prefetch = 0 : i64, scratch_operands = 5 : i64, tpu.core_type = #tpu.core_type<sc_vector_subcore>, window_params = [{transform_indices = #map}, {transform_indices = #map}]} {
    %mul3A = arith.constant 16 : i32
    %mul3A_0 = arith.muli %arg0, %mul3A : i32
    %add3A = arith.addi %mul3A_0, %arg1 : i32
    %broadcast_in_dim3A = arith.constant 0.000000e+00 : f32
    %broadcast_in_dim3A_1 = vector.broadcast %broadcast_in_dim3A : f32 to vector<16xf32>
    %broadcast_in_dim3A_2 = arith.constant 1.000000e+00 : f32
    %broadcast_in_dim3A_3 = vector.broadcast %broadcast_in_dim3A_2 : f32 to vector<16xf32>
    %swap3A = arith.constant 0 : index
    %swap3A_4 = tpu.vector_load %arg5[%swap3A] {strides = array<i32>} : memref<128xf32, #tpu.memory_space<vmem>>, vector<16xf32>,
    %swap3A_5 = vector.shape_cast %swap3A_4 : vector<16xf32> to vector<16xf32>
    %swap3A_6 = vector.shape_cast %broadcast_in_dim3A_3 : vector<16xf32> to vector<16xf32>
    tpu.vector_store %arg5[%swap3A], %swap3A_6 {strides = array<i32>} : memref<128xf32, #tpu.memory_space<vmem>>, vector<16xf32>,
    %swap3A_7 = arith.constant 16 : index
    %swap3A_8 = tpu.vector_load %arg5[%swap3A_7] {strides = array<i32>} : memref<128xf32, #tpu.memory_space<vmem>>, vector<16xf32>,
    %swap3A_9 = vector.shape_cast %swap3A_8 : vector<16xf32> to vector<16xf32>
    %swap3A_10 = vector.shape_cast %broadcast_in_dim3A_3 : vector<16xf32> to vector<16xf32>
    tpu.vector_store %arg5[%swap3A_7], %swap3A_10 {strides = array<i32>} : memref<128xf32, #tpu.memory_space<vmem>>, vector<16xf32>,
    %swap3A_11 = arith.constant 32 : index
    %swap3A_12 = tpu.vector_load %arg5[%swap3A_11] {strides = array<i32>} : memref<128xf32, #tpu.memory_space<vmem>>, vector<16xf32>,
    %swap3A_13 = vector.shape_cast %swap3A_12 : vector<16xf32> to vector<16xf32>
    %swap3A_14 = vector.shape_cast %broadcast_in_dim3A_3 : vector<16xf32> to vector<16xf32>
    tpu.vector_store %arg5[%swap3A_11], %swap3A_14 {strides = array<i32>} : memref<128xf32, #tpu.memory_space<vmem>>, vector<16xf32>,
    %swap3A_15 = arith.constant 48 : index
    %swap3A_16 = tpu.vector_load %arg5[%swap3A_15] {strides = array<i32>} : memref<128xf32, #tpu.memory_space<vmem>>, vector<16xf32>,
    %swap3A_17 = vector.shape_cast %swap3A_16 : vector<16xf32> to vector<16xf32>
    %swap3A_18 = vector.shape_cast %broadcast_in_dim3A_3 : vector<16xf32> to vector<16xf32>
    tpu.vector_store %arg5[%swap3A_15], %swap3A_18 {strides = array<i32>} : memref<128xf32, #tpu.memory_space<vmem>>, vector<16xf32>,
    %swap3A_19 = arith.constant 64 : index
    %swap3A_20 = tpu.vector_load %arg5[%swap3A_19] {strides = array<i32>} : memref<128xf32, #tpu.memory_space<vmem>>, vector<16xf32>,
    %swap3A_21 = vector.shape_cast %swap3A_20 : vector<16xf32> to vector<16xf32>
    %swap3A_22 = vector.shape_cast %broadcast_in_dim3A_3 : vector<16xf32> to vector<16xf32>
    tpu.vector_store %arg5[%swap3A_19], %swap3A_22 {strides = array<i32>} : memref<128xf32, #tpu.memory_space<vmem>>, vector<16xf32>,
    %swap3A_23 = arith.constant 80 : index
    %swap3A_24 = tpu.vector_load %arg5[%swap3A_23] {strides = array<i32>} : memref<128xf32, #tpu.memory_space<vmem>>, vector<16xf32>,
    %swap3A_25 = vector.shape_cast %swap3A_24 : vector<16xf32> to vector<16xf32>
    %swap3A_26 = vector.shape_cast %broadcast_in_dim3A_3 : vector<16xf32> to vector<16xf32>
    tpu.vector_store %arg5[%swap3A_23], %swap3A_26 {strides = array<i32>} : memref<128xf32, #tpu.memory_space<vmem>>, vector<16xf32>,
    %swap3A_27 = arith.constant 96 : index
    %swap3A_28 = tpu.vector_load %arg5[%swap3A_27] {strides = array<i32>} : memref<128xf32, #tpu.memory_space<vmem>>, vector<16xf32>,
    %swap3A_29 = vector.shape_cast %swap3A_28 : vector<16xf32> to vector<16xf32>
    %swap3A_30 = vector.shape_cast %broadcast_in_dim3A_3 : vector<16xf32> to vector<16xf32>
    tpu.vector_store %arg5[%swap3A_27], %swap3A_30 {strides = array<i32>} : memref<128xf32, #tpu.memory_space<vmem>>, vector<16xf32>,
    %swap3A_31 = arith.constant 112 : index
    %swap3A_32 = tpu.vector_load %arg5[%swap3A_31] {strides = array<i32>} : memref<128xf32, #tpu.memory_space<vmem>>, vector<16xf32>,
    %swap3A_33 = vector.shape_cast %swap3A_32 : vector<16xf32> to vector<16xf32>
    %swap3A_34 = vector.shape_cast %broadcast_in_dim3A_3 : vector<16xf32> to vector<16xf32>
    tpu.vector_store %arg5[%swap3A_31], %swap3A_34 {strides = array<i32>} : memref<128xf32, #tpu.memory_space<vmem>>, vector<16xf32>,
    %scan3A = arith.constant 0 : i32
    %scan3A_35 = arith.constant 0 : i32
    %scan3A_36 = arith.constant 128 : i32
    %scan3A_37 = arith.addi %scan3A_35, %scan3A_36 : i32
    %scan3A_38 = arith.constant 1 : i32
    %scan3A_39 = scf.for %scan3A_63 = %scan3A_35 to %scan3A_37 step %scan3A_38 iter_args(%scan3A_64 = %scan3A) -> (i32)  : i32 {
      %mul3A_65 = arith.constant 16 : i32
      %mul3A_66 = arith.muli %scan3A_63, %mul3A_65 : i32
      %swap3A_67 = arith.index_cast %mul3A_66 : i32 to index
      %swap3A_68 = tpu.vector_load %arg6[%swap3A_67] {strides = array<i32>} : memref<2048xf32, #tpu.memory_space<vmem>>, vector<16xf32>,
      %swap3A_69 = vector.shape_cast %swap3A_68 : vector<16xf32> to vector<16xf32>
      %swap3A_70 = vector.shape_cast %broadcast_in_dim3A_1 : vector<16xf32> to vector<16xf32>
      tpu.vector_store %arg6[%swap3A_67], %swap3A_70 {strides = array<i32>} : memref<2048xf32, #tpu.memory_space<vmem>>, vector<16xf32>,
      %scan3A_71 = arith.constant 0 : i32
      scf.yield %scan3A_71 : i32
    }
    %scan3A_40 = arith.constant 128 : i32
    %lt3A = arith.constant 5 : i32
    %lt3A_41 = arith.cmpi slt, %arg1, %lt3A : i32
    %convert_element_type3A = arith.extui %lt3A_41 : i1 to i32
    %cond3A = arith.constant 0 : i32
    %cond3A_42 = arith.cmpi ne, %convert_element_type3A, %cond3A : i32
    scf.if %cond3A_42 {
      %mul3A_63 = arith.constant 2048 : i32
      %mul3A_64 = arith.muli %arg1, %mul3A_63 : i32
      "tpu.region"() ({
        %run_scoped3A = tpu.sem_alloc : memref<!tpu.dma_semaphore, #tpu.memory_space<semaphore_mem>>
        %dma_start3A = tpu.memref_slice %arg7[%mul3A_64] : memref<10240xf32, #tpu.memory_space<vmem_shared>> -> memref<2048xf32, #tpu.memory_space<vmem_shared>>
        %dma_start3A_65 = tpu.memref_slice %arg7[%mul3A_64] : memref<10240xf32, #tpu.memory_space<vmem_shared>> -> memref<2048xf32, #tpu.memory_space<vmem_shared>>
        tpu.enqueue_dma source(%arg6 : memref<2048xf32, #tpu.memory_space<vmem>>) target(%dma_start3A_65 : memref<2048xf32, #tpu.memory_space<vmem_shared>>) target_semaphore(%run_scoped3A : memref<!tpu.dma_semaphore, #tpu.memory_space<semaphore_mem>>)
        %dma_wait3A = tpu.memref_slice %arg7[%mul3A_64] : memref<10240xf32, #tpu.memory_space<vmem_shared>> -> memref<2048xf32, #tpu.memory_space<vmem_shared>>
        %dma_wait3A_66 = tpu.memref_slice %arg7[%mul3A_64] : memref<10240xf32, #tpu.memory_space<vmem_shared>> -> memref<2048xf32, #tpu.memory_space<vmem_shared>>
        tpu.wait_dma2 semaphore(%run_scoped3A : memref<!tpu.dma_semaphore, #tpu.memory_space<semaphore_mem>>) src(%arg6 : memref<2048xf32, #tpu.memory_space<vmem>>) dst(%dma_wait3A_66 : memref<2048xf32, #tpu.memory_space<vmem_shared>>)
        tpu.yield
      }) : () -> ()
    } else {
    }
    "tpu.region"() ({
      %run_scoped3A = tpu.sem_alloc : memref<!tpu.dma_semaphore, #tpu.memory_space<semaphore_mem>>
      %dma_start3A = arith.constant 0 : i32
      %dma_start3A_63 = arith.constant 0 : i32
      %dma_start3A_64 = tpu.memref_slice %arg2[%add3A, %dma_start3A, %dma_start3A_63] : memref<32x80x125xi32, #tpu.memory_space<hbm>> -> memref<1x80x125xi32, #tpu.memory_space<hbm>>
      %dma_start3A_65 = tpu.memref_squeeze %dma_start3A_64 : memref<1x80x125xi32, #tpu.memory_space<hbm>> -> memref<80x125xi32, #tpu.memory_space<hbm>>
      %dma_start3A_66 = arith.constant 0 : i32
      %dma_start3A_67 = arith.constant 0 : i32
      %dma_start3A_68 = tpu.memref_slice %arg2[%add3A, %dma_start3A_66, %dma_start3A_67] : memref<32x80x125xi32, #tpu.memory_space<hbm>> -> memref<1x80x125xi32, #tpu.memory_space<hbm>>
      %dma_start3A_69 = tpu.memref_squeeze %dma_start3A_68 : memref<1x80x125xi32, #tpu.memory_space<hbm>> -> memref<80x125xi32, #tpu.memory_space<hbm>>
      tpu.enqueue_dma source(%dma_start3A_69 : memref<80x125xi32, #tpu.memory_space<hbm>>) target(%arg4 : memref<80x125xi32, #tpu.memory_space<vmem>>) target_semaphore(%run_scoped3A : memref<!tpu.dma_semaphore, #tpu.memory_space<semaphore_mem>>)
      %dma_wait3A = arith.constant 0 : i32
      %dma_wait3A_70 = arith.constant 0 : i32
      %dma_wait3A_71 = tpu.memref_slice %arg2[%add3A, %dma_wait3A, %dma_wait3A_70] : memref<32x80x125xi32, #tpu.memory_space<hbm>> -> memref<1x80x125xi32, #tpu.memory_space<hbm>>
      %dma_wait3A_72 = tpu.memref_squeeze %dma_wait3A_71 : memref<1x80x125xi32, #tpu.memory_space<hbm>> -> memref<80x125xi32, #tpu.memory_space<hbm>>
      %dma_wait3A_73 = arith.constant 0 : i32
      %dma_wait3A_74 = arith.constant 0 : i32
      %dma_wait3A_75 = tpu.memref_slice %arg2[%add3A, %dma_wait3A_73, %dma_wait3A_74] : memref<32x80x125xi32, #tpu.memory_space<hbm>> -> memref<1x80x125xi32, #tpu.memory_space<hbm>>
      %dma_wait3A_76 = tpu.memref_squeeze %dma_wait3A_75 : memref<1x80x125xi32, #tpu.memory_space<hbm>> -> memref<80x125xi32, #tpu.memory_space<hbm>>
      tpu.wait_dma2 semaphore(%run_scoped3A : memref<!tpu.dma_semaphore, #tpu.memory_space<semaphore_mem>>) src(%dma_wait3A_76 : memref<80x125xi32, #tpu.memory_space<hbm>>) dst(%arg4 : memref<80x125xi32, #tpu.memory_space<vmem>>)
      tpu.yield
    }) : () -> ()
    %barrier3A = arith.constant 0 : index
    tpu.barrier barrier_id(%barrier3A)
    %scan3A_43 = arith.constant 0 : i32
    %scan3A_44 = arith.constant 0 : i32
    %scan3A_45 = arith.constant 80 : i32
    %scan3A_46 = arith.addi %scan3A_44, %scan3A_45 : i32
    %scan3A_47 = arith.constant 1 : i32
    %scan3A_48 = scf.for %scan3A_63 = %scan3A_44 to %scan3A_46 step %scan3A_47 iter_args(%scan3A_64 = %scan3A_43) -> (i32)  : i32 {
      %dma_start3A = arith.constant 0 : i32
      %dma_start3A_65 = tpu.memref_slice %arg5[%dma_start3A] : memref<128xf32, #tpu.memory_space<vmem>> -> memref<125xf32, #tpu.memory_space<vmem>>
      %dma_start3A_66 = arith.constant 0 : i32
      %dma_start3A_67 = tpu.memref_slice %arg4[%scan3A_63, %dma_start3A_66] : memref<80x125xi32, #tpu.memory_space<vmem>> -> memref<1x125xi32, #tpu.memory_space<vmem>>
      %dma_start3A_68 = tpu.memref_squeeze %dma_start3A_67 : memref<1x125xi32, #tpu.memory_space<vmem>> -> memref<125xi32, #tpu.memory_space<vmem>>
      %dma_start3A_69 = arith.constant 0 : i32
      %dma_start3A_70 = tpu.memref_slice %arg7[%dma_start3A_69] : memref<10240xf32, #tpu.memory_space<vmem_shared>> -> memref<10240xf32, #tpu.memory_space<vmem_shared>>
      tpu.enqueue_indirect_dma source(%dma_start3A_65 : memref<125xf32, #tpu.memory_space<vmem>>) target(%dma_start3A_70 : memref<10240xf32, #tpu.memory_space<vmem_shared>>) offsets(%dma_start3A_68 : memref<125xi32, #tpu.memory_space<vmem>>) semaphore(%arg8 : memref<!tpu.dma_semaphore, #tpu.memory_space<semaphore_mem>>) {add = true}
      %scan3A_71 = arith.constant 0 : i32
      scf.yield %scan3A_71 : i32
    }
    %scan3A_49 = arith.constant 80 : i32
    %scan3A_50 = arith.constant 0 : i32
    %scan3A_51 = arith.constant 0 : i32
    %scan3A_52 = arith.constant 80 : i32
    %scan3A_53 = arith.addi %scan3A_51, %scan3A_52 : i32
    %scan3A_54 = arith.constant 1 : i32
    %scan3A_55 = scf.for %scan3A_63 = %scan3A_51 to %scan3A_53 step %scan3A_54 iter_args(%scan3A_64 = %scan3A_50) -> (i32)  : i32 {
      %dma_wait3A = arith.constant 0 : i32
      %dma_wait3A_65 = tpu.memref_slice %arg5[%dma_wait3A] : memref<128xf32, #tpu.memory_space<vmem>> -> memref<125xf32, #tpu.memory_space<vmem>>
      %dma_wait3A_66 = arith.constant 0 : i32
      %dma_wait3A_67 = tpu.memref_slice %arg4[%scan3A_63, %dma_wait3A_66] : memref<80x125xi32, #tpu.memory_space<vmem>> -> memref<1x125xi32, #tpu.memory_space<vmem>>
      %dma_wait3A_68 = tpu.memref_squeeze %dma_wait3A_67 : memref<1x125xi32, #tpu.memory_space<vmem>> -> memref<125xi32, #tpu.memory_space<vmem>>
      %dma_wait3A_69 = arith.constant 0 : i32
      %dma_wait3A_70 = tpu.memref_slice %arg7[%dma_wait3A_69] : memref<10240xf32, #tpu.memory_space<vmem_shared>> -> memref<10240xf32, #tpu.memory_space<vmem_shared>>
      tpu.wait_indirect_dma semaphore(%arg8 : memref<!tpu.dma_semaphore, #tpu.memory_space<semaphore_mem>>) src(%dma_wait3A_65 : memref<125xf32, #tpu.memory_space<vmem>>) dst(%dma_wait3A_70 : memref<10240xf32, #tpu.memory_space<vmem_shared>>)
      %scan3A_71 = arith.constant 0 : i32
      scf.yield %scan3A_71 : i32
    }
    %scan3A_56 = arith.constant 80 : i32
    %barrier3A_57 = arith.constant 0 : index
    tpu.barrier barrier_id(%barrier3A_57)
    %lt3A_58 = arith.constant 5 : i32
    %lt3A_59 = arith.cmpi slt, %arg1, %lt3A_58 : i32
    %convert_element_type3A_60 = arith.extui %lt3A_59 : i1 to i32
    %cond3A_61 = arith.constant 0 : i32
    %cond3A_62 = arith.cmpi ne, %convert_element_type3A_60, %cond3A_61 : i32
    scf.if %cond3A_62 {
      %mul3A_63 = arith.constant 2048 : i32
      %mul3A_64 = arith.muli %arg1, %mul3A_63 : i32
      %mul3A_65 = arith.constant 2048 : i32
      %mul3A_66 = arith.muli %arg1, %mul3A_65 : i32
      %run_scoped3A = arith.constant 0 : i32
      "tpu.region"() ({
        %run_scoped3A_67 = tpu.sem_alloc : memref<!tpu.dma_semaphore, #tpu.memory_space<semaphore_mem>>
        %dma_start3A = tpu.memref_slice %arg3[%arg0, %run_scoped3A, %mul3A_66] : memref<2x1x10240xf32, #tpu.memory_space<hbm>> -> memref<1x1x2048xf32, #tpu.memory_space<hbm>>
        %dma_start3A_68 = tpu.memref_squeeze %dma_start3A : memref<1x1x2048xf32, #tpu.memory_space<hbm>> -> memref<2048xf32, #tpu.memory_space<hbm>>
        %dma_start3A_69 = tpu.memref_slice %arg7[%mul3A_64] : memref<10240xf32, #tpu.memory_space<vmem_shared>> -> memref<2048xf32, #tpu.memory_space<vmem_shared>>
        tpu.enqueue_dma source(%dma_start3A_69 : memref<2048xf32, #tpu.memory_space<vmem_shared>>) target(%dma_start3A_68 : memref<2048xf32, #tpu.memory_space<hbm>>) target_semaphore(%run_scoped3A_67 : memref<!tpu.dma_semaphore, #tpu.memory_space<semaphore_mem>>)
        %dma_wait3A = tpu.memref_slice %arg3[%arg0, %run_scoped3A, %mul3A_66] : memref<2x1x10240xf32, #tpu.memory_space<hbm>> -> memref<1x1x2048xf32, #tpu.memory_space<hbm>>
        %dma_wait3A_70 = tpu.memref_squeeze %dma_wait3A : memref<1x1x2048xf32, #tpu.memory_space<hbm>> -> memref<2048xf32, #tpu.memory_space<hbm>>
        %dma_wait3A_71 = tpu.memref_slice %arg7[%mul3A_64] : memref<10240xf32, #tpu.memory_space<vmem_shared>> -> memref<2048xf32, #tpu.memory_space<vmem_shared>>
        tpu.wait_dma2 semaphore(%run_scoped3A_67 : memref<!tpu.dma_semaphore, #tpu.memory_space<semaphore_mem>>) src(%dma_wait3A_71 : memref<2048xf32, #tpu.memory_space<vmem_shared>>) dst(%dma_wait3A_70 : memref<2048xf32, #tpu.memory_space<hbm>>)
        tpu.yield
      }) : () -> ()
    } else {
    }
    return
  }
}

#map = affine_map<(d0, d1) -> (0, 0)>
#map1 = affine_map<(d0, d1) -> (0, 0, 0)>
#map2 = affine_map<(d0, d1) -> (0)>
module attributes {stable_mosaic.version = 14 : i64} {
  func.func @_prop2_kernel(%arg0: i32, %arg1: i32, %arg2: memref<10000x128xf32, #tpu.memory_space<hbm>>, %arg3: memref<32x80x125xi32, #tpu.memory_space<hbm>>, %arg4: memref<32x80x125xi32, #tpu.memory_space<hbm>>, %arg5: memref<4096xf32, #tpu.memory_space<hbm>>, %arg6: memref<10000xf32, #tpu.memory_space<hbm>>, %arg7: memref<2x4096x128xf32, #tpu.memory_space<hbm>>, %arg8: memref<4096xf32, #tpu.memory_space<hbm>>, %arg9: memref<40x125xi32, #tpu.memory_space<vmem>>, %arg10: memref<80x125xi32, #tpu.memory_space<vmem>>, %arg11: memref<128x128xf32, #tpu.memory_space<vmem>>, %arg12: memref<128x128xf32, #tpu.memory_space<vmem>>, %arg13: memref<256xf32, #tpu.memory_space<vmem>>, %arg14: memref<2x128xi32, #tpu.memory_space<vmem>>, %arg15: memref<128xf32, #tpu.memory_space<vmem>>, %arg16: memref<10000x128xf32, #tpu.memory_space<vmem_shared>>, %arg17: memref<!tpu.dma_semaphore, #tpu.memory_space<semaphore_mem>>, %arg18: memref<!tpu.dma_semaphore, #tpu.memory_space<semaphore_mem>>) attributes {dimension_semantics = [#tpu.dimension_semantics<core_parallel>, #tpu.dimension_semantics<subcore_parallel>], iteration_bounds = array<i64: 2, 16>, scalar_prefetch = 0 : i64, scratch_operands = 10 : i64, tpu.core_type = #tpu.core_type<sc_vector_subcore>, window_params = [{transform_indices = #map}, {transform_indices = #map1}, {transform_indices = #map1}, {transform_indices = #map2}, {transform_indices = #map2}, {transform_indices = #map1}, {transform_indices = #map2}]} {
    %mul3A = arith.constant 16 : i32
    %mul3A_0 = arith.muli %arg0, %mul3A : i32
    %add3A = arith.addi %mul3A_0, %arg1 : i32
    %broadcast_in_dim3A = arith.constant 0.000000e+00 : f32
    %broadcast_in_dim3A_1 = vector.broadcast %broadcast_in_dim3A : f32 to vector<16xf32>
    %scan3A = arith.constant 0 : i32
    %scan3A_2 = arith.constant 0 : i32
    %scan3A_3 = arith.constant 128 : i32
    %scan3A_4 = arith.addi %scan3A_2, %scan3A_3 : i32
    %scan3A_5 = arith.constant 1 : i32
    %scan3A_6 = scf.for %scan3A_364 = %scan3A_2 to %scan3A_4 step %scan3A_5 iter_args(%scan3A_365 = %scan3A) -> (i32)  : i32 {
      %swap3A_366 = arith.index_cast %scan3A_364 : i32 to index
      %swap3A_367 = arith.constant 0 : index
      %swap3A_368 = tpu.vector_load %arg11[%swap3A_366, %swap3A_367] {strides = array<i32>} : memref<128x128xf32, #tpu.memory_space<vmem>>, vector<1x16xf32>,
      %swap3A_369 = vector.shape_cast %swap3A_368 : vector<1x16xf32> to vector<16xf32>
      %swap3A_370 = vector.shape_cast %broadcast_in_dim3A_1 : vector<16xf32> to vector<1x16xf32>
      tpu.vector_store %arg11[%swap3A_366, %swap3A_367], %swap3A_370 {strides = array<i32>} : memref<128x128xf32, #tpu.memory_space<vmem>>, vector<1x16xf32>,
      %swap3A_371 = arith.index_cast %scan3A_364 : i32 to index
      %swap3A_372 = arith.constant 16 : index
      %swap3A_373 = tpu.vector_load %arg11[%swap3A_371, %swap3A_372] {strides = array<i32>} : memref<128x128xf32, #tpu.memory_space<vmem>>, vector<1x16xf32>,
      %swap3A_374 = vector.shape_cast %swap3A_373 : vector<1x16xf32> to vector<16xf32>
      %swap3A_375 = vector.shape_cast %broadcast_in_dim3A_1 : vector<16xf32> to vector<1x16xf32>
      tpu.vector_store %arg11[%swap3A_371, %swap3A_372], %swap3A_375 {strides = array<i32>} : memref<128x128xf32, #tpu.memory_space<vmem>>, vector<1x16xf32>,
      %swap3A_376 = arith.index_cast %scan3A_364 : i32 to index
      %swap3A_377 = arith.constant 32 : index
      %swap3A_378 = tpu.vector_load %arg11[%swap3A_376, %swap3A_377] {strides = array<i32>} : memref<128x128xf32, #tpu.memory_space<vmem>>, vector<1x16xf32>,
      %swap3A_379 = vector.shape_cast %swap3A_378 : vector<1x16xf32> to vector<16xf32>
      %swap3A_380 = vector.shape_cast %broadcast_in_dim3A_1 : vector<16xf32> to vector<1x16xf32>
      tpu.vector_store %arg11[%swap3A_376, %swap3A_377], %swap3A_380 {strides = array<i32>} : memref<128x128xf32, #tpu.memory_space<vmem>>, vector<1x16xf32>,
      %swap3A_381 = arith.index_cast %scan3A_364 : i32 to index
      %swap3A_382 = arith.constant 48 : index
      %swap3A_383 = tpu.vector_load %arg11[%swap3A_381, %swap3A_382] {strides = array<i32>} : memref<128x128xf32, #tpu.memory_space<vmem>>, vector<1x16xf32>,
      %swap3A_384 = vector.shape_cast %swap3A_383 : vector<1x16xf32> to vector<16xf32>
      %swap3A_385 = vector.shape_cast %broadcast_in_dim3A_1 : vector<16xf32> to vector<1x16xf32>
      tpu.vector_store %arg11[%swap3A_381, %swap3A_382], %swap3A_385 {strides = array<i32>} : memref<128x128xf32, #tpu.memory_space<vmem>>, vector<1x16xf32>,
      %swap3A_386 = arith.index_cast %scan3A_364 : i32 to index
      %swap3A_387 = arith.constant 64 : index
      %swap3A_388 = tpu.vector_load %arg11[%swap3A_386, %swap3A_387] {strides = array<i32>} : memref<128x128xf32, #tpu.memory_space<vmem>>, vector<1x16xf32>,
      %swap3A_389 = vector.shape_cast %swap3A_388 : vector<1x16xf32> to vector<16xf32>
      %swap3A_390 = vector.shape_cast %broadcast_in_dim3A_1 : vector<16xf32> to vector<1x16xf32>
      tpu.vector_store %arg11[%swap3A_386, %swap3A_387], %swap3A_390 {strides = array<i32>} : memref<128x128xf32, #tpu.memory_space<vmem>>, vector<1x16xf32>,
      %swap3A_391 = arith.index_cast %scan3A_364 : i32 to index
      %swap3A_392 = arith.constant 80 : index
      %swap3A_393 = tpu.vector_load %arg11[%swap3A_391, %swap3A_392] {strides = array<i32>} : memref<128x128xf32, #tpu.memory_space<vmem>>, vector<1x16xf32>,
      %swap3A_394 = vector.shape_cast %swap3A_393 : vector<1x16xf32> to vector<16xf32>
      %swap3A_395 = vector.shape_cast %broadcast_in_dim3A_1 : vector<16xf32> to vector<1x16xf32>
      tpu.vector_store %arg11[%swap3A_391, %swap3A_392], %swap3A_395 {strides = array<i32>} : memref<128x128xf32, #tpu.memory_space<vmem>>, vector<1x16xf32>,
      %swap3A_396 = arith.index_cast %scan3A_364 : i32 to index
      %swap3A_397 = arith.constant 96 : index
      %swap3A_398 = tpu.vector_load %arg11[%swap3A_396, %swap3A_397] {strides = array<i32>} : memref<128x128xf32, #tpu.memory_space<vmem>>, vector<1x16xf32>,
      %swap3A_399 = vector.shape_cast %swap3A_398 : vector<1x16xf32> to vector<16xf32>
      %swap3A_400 = vector.shape_cast %broadcast_in_dim3A_1 : vector<16xf32> to vector<1x16xf32>
      tpu.vector_store %arg11[%swap3A_396, %swap3A_397], %swap3A_400 {strides = array<i32>} : memref<128x128xf32, #tpu.memory_space<vmem>>, vector<1x16xf32>,
      %swap3A_401 = arith.index_cast %scan3A_364 : i32 to index
      %swap3A_402 = arith.constant 112 : index
      %swap3A_403 = tpu.vector_load %arg11[%swap3A_401, %swap3A_402] {strides = array<i32>} : memref<128x128xf32, #tpu.memory_space<vmem>>, vector<1x16xf32>,
      %swap3A_404 = vector.shape_cast %swap3A_403 : vector<1x16xf32> to vector<16xf32>
      %swap3A_405 = vector.shape_cast %broadcast_in_dim3A_1 : vector<16xf32> to vector<1x16xf32>
      tpu.vector_store %arg11[%swap3A_401, %swap3A_402], %swap3A_405 {strides = array<i32>} : memref<128x128xf32, #tpu.memory_space<vmem>>, vector<1x16xf32>,
      %scan3A_406 = arith.constant 0 : i32
      scf.yield %scan3A_406 : i32
    }
    %scan3A_7 = arith.constant 128 : i32
    %add3A_8 = arith.constant 0 : i32
    %add3A_9 = arith.addi %add3A_8, %arg1 : i32
    %lt3A = arith.constant 125 : i32
    %lt3A_10 = arith.cmpi slt, %add3A_9, %lt3A : i32
    %convert_element_type3A = arith.extui %lt3A_10 : i1 to i32
    %cond3A = arith.constant 0 : i32
    %cond3A_11 = arith.cmpi ne, %convert_element_type3A, %cond3A : i32
    scf.if %cond3A_11 {
      %mul3A_364 = arith.constant 80 : i32
      %mul3A_365 = arith.muli %add3A_9, %mul3A_364 : i32
      "tpu.region"() ({
        %run_scoped3A = tpu.sem_alloc : memref<!tpu.dma_semaphore, #tpu.memory_space<semaphore_mem>>
        %dma_start3A_366 = arith.constant 0 : i32
        %dma_start3A_367 = arith.constant 0 : i32
        %dma_start3A_368 = tpu.memref_slice %arg11[%dma_start3A_366, %dma_start3A_367] : memref<128x128xf32, #tpu.memory_space<vmem>> -> memref<80x128xf32, #tpu.memory_space<vmem>>
        %dma_start3A_369 = arith.constant 0 : i32
        %dma_start3A_370 = tpu.memref_slice %arg16[%mul3A_365, %dma_start3A_369] : memref<10000x128xf32, #tpu.memory_space<vmem_shared>> -> memref<80x128xf32, #tpu.memory_space<vmem_shared>>
        %dma_start3A_371 = arith.constant 0 : i32
        %dma_start3A_372 = tpu.memref_slice %arg16[%mul3A_365, %dma_start3A_371] : memref<10000x128xf32, #tpu.memory_space<vmem_shared>> -> memref<80x128xf32, #tpu.memory_space<vmem_shared>>
        %dma_start3A_373 = arith.constant 0 : i32
        %dma_start3A_374 = arith.constant 0 : i32
        %dma_start3A_375 = tpu.memref_slice %arg11[%dma_start3A_373, %dma_start3A_374] : memref<128x128xf32, #tpu.memory_space<vmem>> -> memref<80x128xf32, #tpu.memory_space<vmem>>
        tpu.enqueue_dma source(%dma_start3A_375 : memref<80x128xf32, #tpu.memory_space<vmem>>) target(%dma_start3A_372 : memref<80x128xf32, #tpu.memory_space<vmem_shared>>) target_semaphore(%run_scoped3A : memref<!tpu.dma_semaphore, #tpu.memory_space<semaphore_mem>>)
        %dma_wait3A_376 = arith.constant 0 : i32
        %dma_wait3A_377 = arith.constant 0 : i32
        %dma_wait3A_378 = tpu.memref_slice %arg11[%dma_wait3A_376, %dma_wait3A_377] : memref<128x128xf32, #tpu.memory_space<vmem>> -> memref<80x128xf32, #tpu.memory_space<vmem>>
        %dma_wait3A_379 = arith.constant 0 : i32
        %dma_wait3A_380 = tpu.memref_slice %arg16[%mul3A_365, %dma_wait3A_379] : memref<10000x128xf32, #tpu.memory_space<vmem_shared>> -> memref<80x128xf32, #tpu.memory_space<vmem_shared>>
        %dma_wait3A_381 = arith.constant 0 : i32
        %dma_wait3A_382 = tpu.memref_slice %arg16[%mul3A_365, %dma_wait3A_381] : memref<10000x128xf32, #tpu.memory_space<vmem_shared>> -> memref<80x128xf32, #tpu.memory_space<vmem_shared>>
        %dma_wait3A_383 = arith.constant 0 : i32
        %dma_wait3A_384 = arith.constant 0 : i32
        %dma_wait3A_385 = tpu.memref_slice %arg11[%dma_wait3A_383, %dma_wait3A_384] : memref<128x128xf32, #tpu.memory_space<vmem>> -> memref<80x128xf32, #tpu.memory_space<vmem>>
        tpu.wait_dma2 semaphore(%run_scoped3A : memref<!tpu.dma_semaphore, #tpu.memory_space<semaphore_mem>>) src(%dma_wait3A_385 : memref<80x128xf32, #tpu.memory_space<vmem>>) dst(%dma_wait3A_382 : memref<80x128xf32, #tpu.memory_space<vmem_shared>>)
        tpu.yield
      }) : () -> ()
    } else {
    }
    %add3A_12 = arith.constant 16 : i32
    %add3A_13 = arith.addi %add3A_12, %arg1 : i32
    %lt3A_14 = arith.constant 125 : i32
    %lt3A_15 = arith.cmpi slt, %add3A_13, %lt3A_14 : i32
    %convert_element_type3A_16 = arith.extui %lt3A_15 : i1 to i32
    %cond3A_17 = arith.constant 0 : i32
    %cond3A_18 = arith.cmpi ne, %convert_element_type3A_16, %cond3A_17 : i32
    scf.if %cond3A_18 {
      %mul3A_364 = arith.constant 80 : i32
      %mul3A_365 = arith.muli %add3A_13, %mul3A_364 : i32
      "tpu.region"() ({
        %run_scoped3A = tpu.sem_alloc : memref<!tpu.dma_semaphore, #tpu.memory_space<semaphore_mem>>
        %dma_start3A_366 = arith.constant 0 : i32
        %dma_start3A_367 = arith.constant 0 : i32
        %dma_start3A_368 = tpu.memref_slice %arg11[%dma_start3A_366, %dma_start3A_367] : memref<128x128xf32, #tpu.memory_space<vmem>> -> memref<80x128xf32, #tpu.memory_space<vmem>>
        %dma_start3A_369 = arith.constant 0 : i32
        %dma_start3A_370 = tpu.memref_slice %arg16[%mul3A_365, %dma_start3A_369] : memref<10000x128xf32, #tpu.memory_space<vmem_shared>> -> memref<80x128xf32, #tpu.memory_space<vmem_shared>>
        %dma_start3A_371 = arith.constant 0 : i32
        %dma_start3A_372 = tpu.memref_slice %arg16[%mul3A_365, %dma_start3A_371] : memref<10000x128xf32, #tpu.memory_space<vmem_shared>> -> memref<80x128xf32, #tpu.memory_space<vmem_shared>>
        %dma_start3A_373 = arith.constant 0 : i32
        %dma_start3A_374 = arith.constant 0 : i32
        %dma_start3A_375 = tpu.memref_slice %arg11[%dma_start3A_373, %dma_start3A_374] : memref<128x128xf32, #tpu.memory_space<vmem>> -> memref<80x128xf32, #tpu.memory_space<vmem>>
        tpu.enqueue_dma source(%dma_start3A_375 : memref<80x128xf32, #tpu.memory_space<vmem>>) target(%dma_start3A_372 : memref<80x128xf32, #tpu.memory_space<vmem_shared>>) target_semaphore(%run_scoped3A : memref<!tpu.dma_semaphore, #tpu.memory_space<semaphore_mem>>)
        %dma_wait3A_376 = arith.constant 0 : i32
        %dma_wait3A_377 = arith.constant 0 : i32
        %dma_wait3A_378 = tpu.memref_slice %arg11[%dma_wait3A_376, %dma_wait3A_377] : memref<128x128xf32, #tpu.memory_space<vmem>> -> memref<80x128xf32, #tpu.memory_space<vmem>>
        %dma_wait3A_379 = arith.constant 0 : i32
        %dma_wait3A_380 = tpu.memref_slice %arg16[%mul3A_365, %dma_wait3A_379] : memref<10000x128xf32, #tpu.memory_space<vmem_shared>> -> memref<80x128xf32, #tpu.memory_space<vmem_shared>>
        %dma_wait3A_381 = arith.constant 0 : i32
        %dma_wait3A_382 = tpu.memref_slice %arg16[%mul3A_365, %dma_wait3A_381] : memref<10000x128xf32, #tpu.memory_space<vmem_shared>> -> memref<80x128xf32, #tpu.memory_space<vmem_shared>>
        %dma_wait3A_383 = arith.constant 0 : i32
        %dma_wait3A_384 = arith.constant 0 : i32
        %dma_wait3A_385 = tpu.memref_slice %arg11[%dma_wait3A_383, %dma_wait3A_384] : memref<128x128xf32, #tpu.memory_space<vmem>> -> memref<80x128xf32, #tpu.memory_space<vmem>>
        tpu.wait_dma2 semaphore(%run_scoped3A : memref<!tpu.dma_semaphore, #tpu.memory_space<semaphore_mem>>) src(%dma_wait3A_385 : memref<80x128xf32, #tpu.memory_space<vmem>>) dst(%dma_wait3A_382 : memref<80x128xf32, #tpu.memory_space<vmem_shared>>)
        tpu.yield
      }) : () -> ()
    } else {
    }
    %add3A_19 = arith.constant 32 : i32
    %add3A_20 = arith.addi %add3A_19, %arg1 : i32
    %lt3A_21 = arith.constant 125 : i32
    %lt3A_22 = arith.cmpi slt, %add3A_20, %lt3A_21 : i32
    %convert_element_type3A_23 = arith.extui %lt3A_22 : i1 to i32
    %cond3A_24 = arith.constant 0 : i32
    %cond3A_25 = arith.cmpi ne, %convert_element_type3A_23, %cond3A_24 : i32
    scf.if %cond3A_25 {
      %mul3A_364 = arith.constant 80 : i32
      %mul3A_365 = arith.muli %add3A_20, %mul3A_364 : i32
      "tpu.region"() ({
        %run_scoped3A = tpu.sem_alloc : memref<!tpu.dma_semaphore, #tpu.memory_space<semaphore_mem>>
        %dma_start3A_366 = arith.constant 0 : i32
        %dma_start3A_367 = arith.constant 0 : i32
        %dma_start3A_368 = tpu.memref_slice %arg11[%dma_start3A_366, %dma_start3A_367] : memref<128x128xf32, #tpu.memory_space<vmem>> -> memref<80x128xf32, #tpu.memory_space<vmem>>
        %dma_start3A_369 = arith.constant 0 : i32
        %dma_start3A_370 = tpu.memref_slice %arg16[%mul3A_365, %dma_start3A_369] : memref<10000x128xf32, #tpu.memory_space<vmem_shared>> -> memref<80x128xf32, #tpu.memory_space<vmem_shared>>
        %dma_start3A_371 = arith.constant 0 : i32
        %dma_start3A_372 = tpu.memref_slice %arg16[%mul3A_365, %dma_start3A_371] : memref<10000x128xf32, #tpu.memory_space<vmem_shared>> -> memref<80x128xf32, #tpu.memory_space<vmem_shared>>
        %dma_start3A_373 = arith.constant 0 : i32
        %dma_start3A_374 = arith.constant 0 : i32
        %dma_start3A_375 = tpu.memref_slice %arg11[%dma_start3A_373, %dma_start3A_374] : memref<128x128xf32, #tpu.memory_space<vmem>> -> memref<80x128xf32, #tpu.memory_space<vmem>>
        tpu.enqueue_dma source(%dma_start3A_375 : memref<80x128xf32, #tpu.memory_space<vmem>>) target(%dma_start3A_372 : memref<80x128xf32, #tpu.memory_space<vmem_shared>>) target_semaphore(%run_scoped3A : memref<!tpu.dma_semaphore, #tpu.memory_space<semaphore_mem>>)
        %dma_wait3A_376 = arith.constant 0 : i32
        %dma_wait3A_377 = arith.constant 0 : i32
        %dma_wait3A_378 = tpu.memref_slice %arg11[%dma_wait3A_376, %dma_wait3A_377] : memref<128x128xf32, #tpu.memory_space<vmem>> -> memref<80x128xf32, #tpu.memory_space<vmem>>
        %dma_wait3A_379 = arith.constant 0 : i32
        %dma_wait3A_380 = tpu.memref_slice %arg16[%mul3A_365, %dma_wait3A_379] : memref<10000x128xf32, #tpu.memory_space<vmem_shared>> -> memref<80x128xf32, #tpu.memory_space<vmem_shared>>
        %dma_wait3A_381 = arith.constant 0 : i32
        %dma_wait3A_382 = tpu.memref_slice %arg16[%mul3A_365, %dma_wait3A_381] : memref<10000x128xf32, #tpu.memory_space<vmem_shared>> -> memref<80x128xf32, #tpu.memory_space<vmem_shared>>
        %dma_wait3A_383 = arith.constant 0 : i32
        %dma_wait3A_384 = arith.constant 0 : i32
        %dma_wait3A_385 = tpu.memref_slice %arg11[%dma_wait3A_383, %dma_wait3A_384] : memref<128x128xf32, #tpu.memory_space<vmem>> -> memref<80x128xf32, #tpu.memory_space<vmem>>
        tpu.wait_dma2 semaphore(%run_scoped3A : memref<!tpu.dma_semaphore, #tpu.memory_space<semaphore_mem>>) src(%dma_wait3A_385 : memref<80x128xf32, #tpu.memory_space<vmem>>) dst(%dma_wait3A_382 : memref<80x128xf32, #tpu.memory_space<vmem_shared>>)
        tpu.yield
      }) : () -> ()
    } else {
    }
    %add3A_26 = arith.constant 48 : i32
    %add3A_27 = arith.addi %add3A_26, %arg1 : i32
    %lt3A_28 = arith.constant 125 : i32
    %lt3A_29 = arith.cmpi slt, %add3A_27, %lt3A_28 : i32
    %convert_element_type3A_30 = arith.extui %lt3A_29 : i1 to i32
    %cond3A_31 = arith.constant 0 : i32
    %cond3A_32 = arith.cmpi ne, %convert_element_type3A_30, %cond3A_31 : i32
    scf.if %cond3A_32 {
      %mul3A_364 = arith.constant 80 : i32
      %mul3A_365 = arith.muli %add3A_27, %mul3A_364 : i32
      "tpu.region"() ({
        %run_scoped3A = tpu.sem_alloc : memref<!tpu.dma_semaphore, #tpu.memory_space<semaphore_mem>>
        %dma_start3A_366 = arith.constant 0 : i32
        %dma_start3A_367 = arith.constant 0 : i32
        %dma_start3A_368 = tpu.memref_slice %arg11[%dma_start3A_366, %dma_start3A_367] : memref<128x128xf32, #tpu.memory_space<vmem>> -> memref<80x128xf32, #tpu.memory_space<vmem>>
        %dma_start3A_369 = arith.constant 0 : i32
        %dma_start3A_370 = tpu.memref_slice %arg16[%mul3A_365, %dma_start3A_369] : memref<10000x128xf32, #tpu.memory_space<vmem_shared>> -> memref<80x128xf32, #tpu.memory_space<vmem_shared>>
        %dma_start3A_371 = arith.constant 0 : i32
        %dma_start3A_372 = tpu.memref_slice %arg16[%mul3A_365, %dma_start3A_371] : memref<10000x128xf32, #tpu.memory_space<vmem_shared>> -> memref<80x128xf32, #tpu.memory_space<vmem_shared>>
        %dma_start3A_373 = arith.constant 0 : i32
        %dma_start3A_374 = arith.constant 0 : i32
        %dma_start3A_375 = tpu.memref_slice %arg11[%dma_start3A_373, %dma_start3A_374] : memref<128x128xf32, #tpu.memory_space<vmem>> -> memref<80x128xf32, #tpu.memory_space<vmem>>
        tpu.enqueue_dma source(%dma_start3A_375 : memref<80x128xf32, #tpu.memory_space<vmem>>) target(%dma_start3A_372 : memref<80x128xf32, #tpu.memory_space<vmem_shared>>) target_semaphore(%run_scoped3A : memref<!tpu.dma_semaphore, #tpu.memory_space<semaphore_mem>>)
        %dma_wait3A_376 = arith.constant 0 : i32
        %dma_wait3A_377 = arith.constant 0 : i32
        %dma_wait3A_378 = tpu.memref_slice %arg11[%dma_wait3A_376, %dma_wait3A_377] : memref<128x128xf32, #tpu.memory_space<vmem>> -> memref<80x128xf32, #tpu.memory_space<vmem>>
        %dma_wait3A_379 = arith.constant 0 : i32
        %dma_wait3A_380 = tpu.memref_slice %arg16[%mul3A_365, %dma_wait3A_379] : memref<10000x128xf32, #tpu.memory_space<vmem_shared>> -> memref<80x128xf32, #tpu.memory_space<vmem_shared>>
        %dma_wait3A_381 = arith.constant 0 : i32
        %dma_wait3A_382 = tpu.memref_slice %arg16[%mul3A_365, %dma_wait3A_381] : memref<10000x128xf32, #tpu.memory_space<vmem_shared>> -> memref<80x128xf32, #tpu.memory_space<vmem_shared>>
        %dma_wait3A_383 = arith.constant 0 : i32
        %dma_wait3A_384 = arith.constant 0 : i32
        %dma_wait3A_385 = tpu.memref_slice %arg11[%dma_wait3A_383, %dma_wait3A_384] : memref<128x128xf32, #tpu.memory_space<vmem>> -> memref<80x128xf32, #tpu.memory_space<vmem>>
        tpu.wait_dma2 semaphore(%run_scoped3A : memref<!tpu.dma_semaphore, #tpu.memory_space<semaphore_mem>>) src(%dma_wait3A_385 : memref<80x128xf32, #tpu.memory_space<vmem>>) dst(%dma_wait3A_382 : memref<80x128xf32, #tpu.memory_space<vmem_shared>>)
        tpu.yield
      }) : () -> ()
    } else {
    }
    %add3A_33 = arith.constant 64 : i32
    %add3A_34 = arith.addi %add3A_33, %arg1 : i32
    %lt3A_35 = arith.constant 125 : i32
    %lt3A_36 = arith.cmpi slt, %add3A_34, %lt3A_35 : i32
    %convert_element_type3A_37 = arith.extui %lt3A_36 : i1 to i32
    %cond3A_38 = arith.constant 0 : i32
    %cond3A_39 = arith.cmpi ne, %convert_element_type3A_37, %cond3A_38 : i32
    scf.if %cond3A_39 {
      %mul3A_364 = arith.constant 80 : i32
      %mul3A_365 = arith.muli %add3A_34, %mul3A_364 : i32
      "tpu.region"() ({
        %run_scoped3A = tpu.sem_alloc : memref<!tpu.dma_semaphore, #tpu.memory_space<semaphore_mem>>
        %dma_start3A_366 = arith.constant 0 : i32
        %dma_start3A_367 = arith.constant 0 : i32
        %dma_start3A_368 = tpu.memref_slice %arg11[%dma_start3A_366, %dma_start3A_367] : memref<128x128xf32, #tpu.memory_space<vmem>> -> memref<80x128xf32, #tpu.memory_space<vmem>>
        %dma_start3A_369 = arith.constant 0 : i32
        %dma_start3A_370 = tpu.memref_slice %arg16[%mul3A_365, %dma_start3A_369] : memref<10000x128xf32, #tpu.memory_space<vmem_shared>> -> memref<80x128xf32, #tpu.memory_space<vmem_shared>>
        %dma_start3A_371 = arith.constant 0 : i32
        %dma_start3A_372 = tpu.memref_slice %arg16[%mul3A_365, %dma_start3A_371] : memref<10000x128xf32, #tpu.memory_space<vmem_shared>> -> memref<80x128xf32, #tpu.memory_space<vmem_shared>>
        %dma_start3A_373 = arith.constant 0 : i32
        %dma_start3A_374 = arith.constant 0 : i32
        %dma_start3A_375 = tpu.memref_slice %arg11[%dma_start3A_373, %dma_start3A_374] : memref<128x128xf32, #tpu.memory_space<vmem>> -> memref<80x128xf32, #tpu.memory_space<vmem>>
        tpu.enqueue_dma source(%dma_start3A_375 : memref<80x128xf32, #tpu.memory_space<vmem>>) target(%dma_start3A_372 : memref<80x128xf32, #tpu.memory_space<vmem_shared>>) target_semaphore(%run_scoped3A : memref<!tpu.dma_semaphore, #tpu.memory_space<semaphore_mem>>)
        %dma_wait3A_376 = arith.constant 0 : i32
        %dma_wait3A_377 = arith.constant 0 : i32
        %dma_wait3A_378 = tpu.memref_slice %arg11[%dma_wait3A_376, %dma_wait3A_377] : memref<128x128xf32, #tpu.memory_space<vmem>> -> memref<80x128xf32, #tpu.memory_space<vmem>>
        %dma_wait3A_379 = arith.constant 0 : i32
        %dma_wait3A_380 = tpu.memref_slice %arg16[%mul3A_365, %dma_wait3A_379] : memref<10000x128xf32, #tpu.memory_space<vmem_shared>> -> memref<80x128xf32, #tpu.memory_space<vmem_shared>>
        %dma_wait3A_381 = arith.constant 0 : i32
        %dma_wait3A_382 = tpu.memref_slice %arg16[%mul3A_365, %dma_wait3A_381] : memref<10000x128xf32, #tpu.memory_space<vmem_shared>> -> memref<80x128xf32, #tpu.memory_space<vmem_shared>>
        %dma_wait3A_383 = arith.constant 0 : i32
        %dma_wait3A_384 = arith.constant 0 : i32
        %dma_wait3A_385 = tpu.memref_slice %arg11[%dma_wait3A_383, %dma_wait3A_384] : memref<128x128xf32, #tpu.memory_space<vmem>> -> memref<80x128xf32, #tpu.memory_space<vmem>>
        tpu.wait_dma2 semaphore(%run_scoped3A : memref<!tpu.dma_semaphore, #tpu.memory_space<semaphore_mem>>) src(%dma_wait3A_385 : memref<80x128xf32, #tpu.memory_space<vmem>>) dst(%dma_wait3A_382 : memref<80x128xf32, #tpu.memory_space<vmem_shared>>)
        tpu.yield
      }) : () -> ()
    } else {
    }
    %add3A_40 = arith.constant 80 : i32
    %add3A_41 = arith.addi %add3A_40, %arg1 : i32
    %lt3A_42 = arith.constant 125 : i32
    %lt3A_43 = arith.cmpi slt, %add3A_41, %lt3A_42 : i32
    %convert_element_type3A_44 = arith.extui %lt3A_43 : i1 to i32
    %cond3A_45 = arith.constant 0 : i32
    %cond3A_46 = arith.cmpi ne, %convert_element_type3A_44, %cond3A_45 : i32
    scf.if %cond3A_46 {
      %mul3A_364 = arith.constant 80 : i32
      %mul3A_365 = arith.muli %add3A_41, %mul3A_364 : i32
      "tpu.region"() ({
        %run_scoped3A = tpu.sem_alloc : memref<!tpu.dma_semaphore, #tpu.memory_space<semaphore_mem>>
        %dma_start3A_366 = arith.constant 0 : i32
        %dma_start3A_367 = arith.constant 0 : i32
        %dma_start3A_368 = tpu.memref_slice %arg11[%dma_start3A_366, %dma_start3A_367] : memref<128x128xf32, #tpu.memory_space<vmem>> -> memref<80x128xf32, #tpu.memory_space<vmem>>
        %dma_start3A_369 = arith.constant 0 : i32
        %dma_start3A_370 = tpu.memref_slice %arg16[%mul3A_365, %dma_start3A_369] : memref<10000x128xf32, #tpu.memory_space<vmem_shared>> -> memref<80x128xf32, #tpu.memory_space<vmem_shared>>
        %dma_start3A_371 = arith.constant 0 : i32
        %dma_start3A_372 = tpu.memref_slice %arg16[%mul3A_365, %dma_start3A_371] : memref<10000x128xf32, #tpu.memory_space<vmem_shared>> -> memref<80x128xf32, #tpu.memory_space<vmem_shared>>
        %dma_start3A_373 = arith.constant 0 : i32
        %dma_start3A_374 = arith.constant 0 : i32
        %dma_start3A_375 = tpu.memref_slice %arg11[%dma_start3A_373, %dma_start3A_374] : memref<128x128xf32, #tpu.memory_space<vmem>> -> memref<80x128xf32, #tpu.memory_space<vmem>>
        tpu.enqueue_dma source(%dma_start3A_375 : memref<80x128xf32, #tpu.memory_space<vmem>>) target(%dma_start3A_372 : memref<80x128xf32, #tpu.memory_space<vmem_shared>>) target_semaphore(%run_scoped3A : memref<!tpu.dma_semaphore, #tpu.memory_space<semaphore_mem>>)
        %dma_wait3A_376 = arith.constant 0 : i32
        %dma_wait3A_377 = arith.constant 0 : i32
        %dma_wait3A_378 = tpu.memref_slice %arg11[%dma_wait3A_376, %dma_wait3A_377] : memref<128x128xf32, #tpu.memory_space<vmem>> -> memref<80x128xf32, #tpu.memory_space<vmem>>
        %dma_wait3A_379 = arith.constant 0 : i32
        %dma_wait3A_380 = tpu.memref_slice %arg16[%mul3A_365, %dma_wait3A_379] : memref<10000x128xf32, #tpu.memory_space<vmem_shared>> -> memref<80x128xf32, #tpu.memory_space<vmem_shared>>
        %dma_wait3A_381 = arith.constant 0 : i32
        %dma_wait3A_382 = tpu.memref_slice %arg16[%mul3A_365, %dma_wait3A_381] : memref<10000x128xf32, #tpu.memory_space<vmem_shared>> -> memref<80x128xf32, #tpu.memory_space<vmem_shared>>
        %dma_wait3A_383 = arith.constant 0 : i32
        %dma_wait3A_384 = arith.constant 0 : i32
        %dma_wait3A_385 = tpu.memref_slice %arg11[%dma_wait3A_383, %dma_wait3A_384] : memref<128x128xf32, #tpu.memory_space<vmem>> -> memref<80x128xf32, #tpu.memory_space<vmem>>
        tpu.wait_dma2 semaphore(%run_scoped3A : memref<!tpu.dma_semaphore, #tpu.memory_space<semaphore_mem>>) src(%dma_wait3A_385 : memref<80x128xf32, #tpu.memory_space<vmem>>) dst(%dma_wait3A_382 : memref<80x128xf32, #tpu.memory_space<vmem_shared>>)
        tpu.yield
      }) : () -> ()
    } else {
    }
    %add3A_47 = arith.constant 96 : i32
    %add3A_48 = arith.addi %add3A_47, %arg1 : i32
    %lt3A_49 = arith.constant 125 : i32
    %lt3A_50 = arith.cmpi slt, %add3A_48, %lt3A_49 : i32
    %convert_element_type3A_51 = arith.extui %lt3A_50 : i1 to i32
    %cond3A_52 = arith.constant 0 : i32
    %cond3A_53 = arith.cmpi ne, %convert_element_type3A_51, %cond3A_52 : i32
    scf.if %cond3A_53 {
      %mul3A_364 = arith.constant 80 : i32
      %mul3A_365 = arith.muli %add3A_48, %mul3A_364 : i32
      "tpu.region"() ({
        %run_scoped3A = tpu.sem_alloc : memref<!tpu.dma_semaphore, #tpu.memory_space<semaphore_mem>>
        %dma_start3A_366 = arith.constant 0 : i32
        %dma_start3A_367 = arith.constant 0 : i32
        %dma_start3A_368 = tpu.memref_slice %arg11[%dma_start3A_366, %dma_start3A_367] : memref<128x128xf32, #tpu.memory_space<vmem>> -> memref<80x128xf32, #tpu.memory_space<vmem>>
        %dma_start3A_369 = arith.constant 0 : i32
        %dma_start3A_370 = tpu.memref_slice %arg16[%mul3A_365, %dma_start3A_369] : memref<10000x128xf32, #tpu.memory_space<vmem_shared>> -> memref<80x128xf32, #tpu.memory_space<vmem_shared>>
        %dma_start3A_371 = arith.constant 0 : i32
        %dma_start3A_372 = tpu.memref_slice %arg16[%mul3A_365, %dma_start3A_371] : memref<10000x128xf32, #tpu.memory_space<vmem_shared>> -> memref<80x128xf32, #tpu.memory_space<vmem_shared>>
        %dma_start3A_373 = arith.constant 0 : i32
        %dma_start3A_374 = arith.constant 0 : i32
        %dma_start3A_375 = tpu.memref_slice %arg11[%dma_start3A_373, %dma_start3A_374] : memref<128x128xf32, #tpu.memory_space<vmem>> -> memref<80x128xf32, #tpu.memory_space<vmem>>
        tpu.enqueue_dma source(%dma_start3A_375 : memref<80x128xf32, #tpu.memory_space<vmem>>) target(%dma_start3A_372 : memref<80x128xf32, #tpu.memory_space<vmem_shared>>) target_semaphore(%run_scoped3A : memref<!tpu.dma_semaphore, #tpu.memory_space<semaphore_mem>>)
        %dma_wait3A_376 = arith.constant 0 : i32
        %dma_wait3A_377 = arith.constant 0 : i32
        %dma_wait3A_378 = tpu.memref_slice %arg11[%dma_wait3A_376, %dma_wait3A_377] : memref<128x128xf32, #tpu.memory_space<vmem>> -> memref<80x128xf32, #tpu.memory_space<vmem>>
        %dma_wait3A_379 = arith.constant 0 : i32
        %dma_wait3A_380 = tpu.memref_slice %arg16[%mul3A_365, %dma_wait3A_379] : memref<10000x128xf32, #tpu.memory_space<vmem_shared>> -> memref<80x128xf32, #tpu.memory_space<vmem_shared>>
        %dma_wait3A_381 = arith.constant 0 : i32
        %dma_wait3A_382 = tpu.memref_slice %arg16[%mul3A_365, %dma_wait3A_381] : memref<10000x128xf32, #tpu.memory_space<vmem_shared>> -> memref<80x128xf32, #tpu.memory_space<vmem_shared>>
        %dma_wait3A_383 = arith.constant 0 : i32
        %dma_wait3A_384 = arith.constant 0 : i32
        %dma_wait3A_385 = tpu.memref_slice %arg11[%dma_wait3A_383, %dma_wait3A_384] : memref<128x128xf32, #tpu.memory_space<vmem>> -> memref<80x128xf32, #tpu.memory_space<vmem>>
        tpu.wait_dma2 semaphore(%run_scoped3A : memref<!tpu.dma_semaphore, #tpu.memory_space<semaphore_mem>>) src(%dma_wait3A_385 : memref<80x128xf32, #tpu.memory_space<vmem>>) dst(%dma_wait3A_382 : memref<80x128xf32, #tpu.memory_space<vmem_shared>>)
        tpu.yield
      }) : () -> ()
    } else {
    }
    %add3A_54 = arith.constant 112 : i32
    %add3A_55 = arith.addi %add3A_54, %arg1 : i32
    %lt3A_56 = arith.constant 125 : i32
    %lt3A_57 = arith.cmpi slt, %add3A_55, %lt3A_56 : i32
    %convert_element_type3A_58 = arith.extui %lt3A_57 : i1 to i32
    %cond3A_59 = arith.constant 0 : i32
    %cond3A_60 = arith.cmpi ne, %convert_element_type3A_58, %cond3A_59 : i32
    scf.if %cond3A_60 {
      %mul3A_364 = arith.constant 80 : i32
      %mul3A_365 = arith.muli %add3A_55, %mul3A_364 : i32
      "tpu.region"() ({
        %run_scoped3A = tpu.sem_alloc : memref<!tpu.dma_semaphore, #tpu.memory_space<semaphore_mem>>
        %dma_start3A_366 = arith.constant 0 : i32
        %dma_start3A_367 = arith.constant 0 : i32
        %dma_start3A_368 = tpu.memref_slice %arg11[%dma_start3A_366, %dma_start3A_367] : memref<128x128xf32, #tpu.memory_space<vmem>> -> memref<80x128xf32, #tpu.memory_space<vmem>>
        %dma_start3A_369 = arith.constant 0 : i32
        %dma_start3A_370 = tpu.memref_slice %arg16[%mul3A_365, %dma_start3A_369] : memref<10000x128xf32, #tpu.memory_space<vmem_shared>> -> memref<80x128xf32, #tpu.memory_space<vmem_shared>>
        %dma_start3A_371 = arith.constant 0 : i32
        %dma_start3A_372 = tpu.memref_slice %arg16[%mul3A_365, %dma_start3A_371] : memref<10000x128xf32, #tpu.memory_space<vmem_shared>> -> memref<80x128xf32, #tpu.memory_space<vmem_shared>>
        %dma_start3A_373 = arith.constant 0 : i32
        %dma_start3A_374 = arith.constant 0 : i32
        %dma_start3A_375 = tpu.memref_slice %arg11[%dma_start3A_373, %dma_start3A_374] : memref<128x128xf32, #tpu.memory_space<vmem>> -> memref<80x128xf32, #tpu.memory_space<vmem>>
        tpu.enqueue_dma source(%dma_start3A_375 : memref<80x128xf32, #tpu.memory_space<vmem>>) target(%dma_start3A_372 : memref<80x128xf32, #tpu.memory_space<vmem_shared>>) target_semaphore(%run_scoped3A : memref<!tpu.dma_semaphore, #tpu.memory_space<semaphore_mem>>)
        %dma_wait3A_376 = arith.constant 0 : i32
        %dma_wait3A_377 = arith.constant 0 : i32
        %dma_wait3A_378 = tpu.memref_slice %arg11[%dma_wait3A_376, %dma_wait3A_377] : memref<128x128xf32, #tpu.memory_space<vmem>> -> memref<80x128xf32, #tpu.memory_space<vmem>>
        %dma_wait3A_379 = arith.constant 0 : i32
        %dma_wait3A_380 = tpu.memref_slice %arg16[%mul3A_365, %dma_wait3A_379] : memref<10000x128xf32, #tpu.memory_space<vmem_shared>> -> memref<80x128xf32, #tpu.memory_space<vmem_shared>>
        %dma_wait3A_381 = arith.constant 0 : i32
        %dma_wait3A_382 = tpu.memref_slice %arg16[%mul3A_365, %dma_wait3A_381] : memref<10000x128xf32, #tpu.memory_space<vmem_shared>> -> memref<80x128xf32, #tpu.memory_space<vmem_shared>>
        %dma_wait3A_383 = arith.constant 0 : i32
        %dma_wait3A_384 = arith.constant 0 : i32
        %dma_wait3A_385 = tpu.memref_slice %arg11[%dma_wait3A_383, %dma_wait3A_384] : memref<128x128xf32, #tpu.memory_space<vmem>> -> memref<80x128xf32, #tpu.memory_space<vmem>>
        tpu.wait_dma2 semaphore(%run_scoped3A : memref<!tpu.dma_semaphore, #tpu.memory_space<semaphore_mem>>) src(%dma_wait3A_385 : memref<80x128xf32, #tpu.memory_space<vmem>>) dst(%dma_wait3A_382 : memref<80x128xf32, #tpu.memory_space<vmem_shared>>)
        tpu.yield
      }) : () -> ()
    } else {
    }
    "tpu.region"() ({
      %run_scoped3A = tpu.sem_alloc : memref<!tpu.dma_semaphore, #tpu.memory_space<semaphore_mem>>
      %dma_start3A_364 = arith.constant 0 : i32
      %dma_start3A_365 = arith.constant 0 : i32
      %dma_start3A_366 = tpu.memref_slice %arg4[%add3A, %dma_start3A_364, %dma_start3A_365] : memref<32x80x125xi32, #tpu.memory_space<hbm>> -> memref<1x80x125xi32, #tpu.memory_space<hbm>>
      %dma_start3A_367 = tpu.memref_squeeze %dma_start3A_366 : memref<1x80x125xi32, #tpu.memory_space<hbm>> -> memref<80x125xi32, #tpu.memory_space<hbm>>
      %dma_start3A_368 = arith.constant 0 : i32
      %dma_start3A_369 = arith.constant 0 : i32
      %dma_start3A_370 = tpu.memref_slice %arg4[%add3A, %dma_start3A_368, %dma_start3A_369] : memref<32x80x125xi32, #tpu.memory_space<hbm>> -> memref<1x80x125xi32, #tpu.memory_space<hbm>>
      %dma_start3A_371 = tpu.memref_squeeze %dma_start3A_370 : memref<1x80x125xi32, #tpu.memory_space<hbm>> -> memref<80x125xi32, #tpu.memory_space<hbm>>
      tpu.enqueue_dma source(%dma_start3A_371 : memref<80x125xi32, #tpu.memory_space<hbm>>) target(%arg10 : memref<80x125xi32, #tpu.memory_space<vmem>>) target_semaphore(%run_scoped3A : memref<!tpu.dma_semaphore, #tpu.memory_space<semaphore_mem>>)
      %dma_wait3A_372 = arith.constant 0 : i32
      %dma_wait3A_373 = arith.constant 0 : i32
      %dma_wait3A_374 = tpu.memref_slice %arg4[%add3A, %dma_wait3A_372, %dma_wait3A_373] : memref<32x80x125xi32, #tpu.memory_space<hbm>> -> memref<1x80x125xi32, #tpu.memory_space<hbm>>
      %dma_wait3A_375 = tpu.memref_squeeze %dma_wait3A_374 : memref<1x80x125xi32, #tpu.memory_space<hbm>> -> memref<80x125xi32, #tpu.memory_space<hbm>>
      %dma_wait3A_376 = arith.constant 0 : i32
      %dma_wait3A_377 = arith.constant 0 : i32
      %dma_wait3A_378 = tpu.memref_slice %arg4[%add3A, %dma_wait3A_376, %dma_wait3A_377] : memref<32x80x125xi32, #tpu.memory_space<hbm>> -> memref<1x80x125xi32, #tpu.memory_space<hbm>>
      %dma_wait3A_379 = tpu.memref_squeeze %dma_wait3A_378 : memref<1x80x125xi32, #tpu.memory_space<hbm>> -> memref<80x125xi32, #tpu.memory_space<hbm>>
      tpu.wait_dma2 semaphore(%run_scoped3A : memref<!tpu.dma_semaphore, #tpu.memory_space<semaphore_mem>>) src(%dma_wait3A_379 : memref<80x125xi32, #tpu.memory_space<hbm>>) dst(%arg10 : memref<80x125xi32, #tpu.memory_space<vmem>>)
      tpu.yield
    }) : () -> ()
    "tpu.region"() ({
      %run_scoped3A = tpu.sem_alloc : memref<!tpu.dma_semaphore, #tpu.memory_space<semaphore_mem>>
      %dma_start3A_364 = arith.constant 0 : i32
      %dma_start3A_365 = arith.constant 0 : i32
      %dma_start3A_366 = tpu.memref_slice %arg3[%add3A, %dma_start3A_364, %dma_start3A_365] : memref<32x80x125xi32, #tpu.memory_space<hbm>> -> memref<1x40x125xi32, #tpu.memory_space<hbm>>
      %dma_start3A_367 = tpu.memref_squeeze %dma_start3A_366 : memref<1x40x125xi32, #tpu.memory_space<hbm>> -> memref<40x125xi32, #tpu.memory_space<hbm>>
      %dma_start3A_368 = arith.constant 0 : i32
      %dma_start3A_369 = arith.constant 0 : i32
      %dma_start3A_370 = tpu.memref_slice %arg3[%add3A, %dma_start3A_368, %dma_start3A_369] : memref<32x80x125xi32, #tpu.memory_space<hbm>> -> memref<1x40x125xi32, #tpu.memory_space<hbm>>
      %dma_start3A_371 = tpu.memref_squeeze %dma_start3A_370 : memref<1x40x125xi32, #tpu.memory_space<hbm>> -> memref<40x125xi32, #tpu.memory_space<hbm>>
      tpu.enqueue_dma source(%dma_start3A_371 : memref<40x125xi32, #tpu.memory_space<hbm>>) target(%arg9 : memref<40x125xi32, #tpu.memory_space<vmem>>) target_semaphore(%run_scoped3A : memref<!tpu.dma_semaphore, #tpu.memory_space<semaphore_mem>>)
      %dma_wait3A_372 = arith.constant 0 : i32
      %dma_wait3A_373 = arith.constant 0 : i32
      %dma_wait3A_374 = tpu.memref_slice %arg3[%add3A, %dma_wait3A_372, %dma_wait3A_373] : memref<32x80x125xi32, #tpu.memory_space<hbm>> -> memref<1x40x125xi32, #tpu.memory_space<hbm>>
      %dma_wait3A_375 = tpu.memref_squeeze %dma_wait3A_374 : memref<1x40x125xi32, #tpu.memory_space<hbm>> -> memref<40x125xi32, #tpu.memory_space<hbm>>
      %dma_wait3A_376 = arith.constant 0 : i32
      %dma_wait3A_377 = arith.constant 0 : i32
      %dma_wait3A_378 = tpu.memref_slice %arg3[%add3A, %dma_wait3A_376, %dma_wait3A_377] : memref<32x80x125xi32, #tpu.memory_space<hbm>> -> memref<1x40x125xi32, #tpu.memory_space<hbm>>
      %dma_wait3A_379 = tpu.memref_squeeze %dma_wait3A_378 : memref<1x40x125xi32, #tpu.memory_space<hbm>> -> memref<40x125xi32, #tpu.memory_space<hbm>>
      tpu.wait_dma2 semaphore(%run_scoped3A : memref<!tpu.dma_semaphore, #tpu.memory_space<semaphore_mem>>) src(%dma_wait3A_379 : memref<40x125xi32, #tpu.memory_space<hbm>>) dst(%arg9 : memref<40x125xi32, #tpu.memory_space<vmem>>)
      tpu.yield
    }) : () -> ()
    %mul3A_61 = arith.constant 256 : i32
    %mul3A_62 = arith.muli %arg1, %mul3A_61 : i32
    "tpu.region"() ({
      %run_scoped3A = tpu.sem_alloc : memref<!tpu.dma_semaphore, #tpu.memory_space<semaphore_mem>>
      %dma_start3A_364 = tpu.memref_slice %arg5[%mul3A_62] : memref<4096xf32, #tpu.memory_space<hbm>> -> memref<256xf32, #tpu.memory_space<hbm>>
      %dma_start3A_365 = tpu.memref_slice %arg5[%mul3A_62] : memref<4096xf32, #tpu.memory_space<hbm>> -> memref<256xf32, #tpu.memory_space<hbm>>
      tpu.enqueue_dma source(%dma_start3A_365 : memref<256xf32, #tpu.memory_space<hbm>>) target(%arg13 : memref<256xf32, #tpu.memory_space<vmem>>) target_semaphore(%run_scoped3A : memref<!tpu.dma_semaphore, #tpu.memory_space<semaphore_mem>>)
      %dma_wait3A_366 = tpu.memref_slice %arg5[%mul3A_62] : memref<4096xf32, #tpu.memory_space<hbm>> -> memref<256xf32, #tpu.memory_space<hbm>>
      %dma_wait3A_367 = tpu.memref_slice %arg5[%mul3A_62] : memref<4096xf32, #tpu.memory_space<hbm>> -> memref<256xf32, #tpu.memory_space<hbm>>
      tpu.wait_dma2 semaphore(%run_scoped3A : memref<!tpu.dma_semaphore, #tpu.memory_space<semaphore_mem>>) src(%dma_wait3A_367 : memref<256xf32, #tpu.memory_space<hbm>>) dst(%arg13 : memref<256xf32, #tpu.memory_space<vmem>>)
      tpu.yield
    }) : () -> ()
    %get3A = arith.constant 0 : index
    %get3A_63 = tpu.vector_load %arg13[%get3A] {strides = array<i32>} : memref<256xf32, #tpu.memory_space<vmem>>, vector<16xf32>,
    %get3A_64 = vector.shape_cast %get3A_63 : vector<16xf32> to vector<16xf32>
    %mul3A_65 = arith.constant 9.999000e+03 : f32
    %mul3A_66 = vector.broadcast %mul3A_65 : f32 to vector<16xf32>
    %mul3A_67 = arith.mulf %get3A_64, %mul3A_66 : vector<16xf32>
    %convert_element_type3A_68 = arith.fptosi %mul3A_67 : vector<16xf32> to vector<16xi32>
    %swap3A = arith.constant 0 : i32
    %swap3A_69 = arith.index_cast %swap3A : i32 to index
    %swap3A_70 = arith.constant 0 : index
    %swap3A_71 = tpu.vector_load %arg14[%swap3A_69, %swap3A_70] {strides = array<i32>} : memref<2x128xi32, #tpu.memory_space<vmem>>, vector<1x16xi32>,
    %swap3A_72 = vector.shape_cast %swap3A_71 : vector<1x16xi32> to vector<16xi32>
    %swap3A_73 = vector.shape_cast %convert_element_type3A_68 : vector<16xi32> to vector<1x16xi32>
    tpu.vector_store %arg14[%swap3A_69, %swap3A_70], %swap3A_73 {strides = array<i32>} : memref<2x128xi32, #tpu.memory_space<vmem>>, vector<1x16xi32>,
    %get3A_74 = arith.constant 16 : index
    %get3A_75 = tpu.vector_load %arg13[%get3A_74] {strides = array<i32>} : memref<256xf32, #tpu.memory_space<vmem>>, vector<16xf32>,
    %get3A_76 = vector.shape_cast %get3A_75 : vector<16xf32> to vector<16xf32>
    %mul3A_77 = arith.constant 9.999000e+03 : f32
    %mul3A_78 = vector.broadcast %mul3A_77 : f32 to vector<16xf32>
    %mul3A_79 = arith.mulf %get3A_76, %mul3A_78 : vector<16xf32>
    %convert_element_type3A_80 = arith.fptosi %mul3A_79 : vector<16xf32> to vector<16xi32>
    %swap3A_81 = arith.constant 0 : i32
    %swap3A_82 = arith.index_cast %swap3A_81 : i32 to index
    %swap3A_83 = arith.constant 16 : index
    %swap3A_84 = tpu.vector_load %arg14[%swap3A_82, %swap3A_83] {strides = array<i32>} : memref<2x128xi32, #tpu.memory_space<vmem>>, vector<1x16xi32>,
    %swap3A_85 = vector.shape_cast %swap3A_84 : vector<1x16xi32> to vector<16xi32>
    %swap3A_86 = vector.shape_cast %convert_element_type3A_80 : vector<16xi32> to vector<1x16xi32>
    tpu.vector_store %arg14[%swap3A_82, %swap3A_83], %swap3A_86 {strides = array<i32>} : memref<2x128xi32, #tpu.memory_space<vmem>>, vector<1x16xi32>,
    %get3A_87 = arith.constant 32 : index
    %get3A_88 = tpu.vector_load %arg13[%get3A_87] {strides = array<i32>} : memref<256xf32, #tpu.memory_space<vmem>>, vector<16xf32>,
    %get3A_89 = vector.shape_cast %get3A_88 : vector<16xf32> to vector<16xf32>
    %mul3A_90 = arith.constant 9.999000e+03 : f32
    %mul3A_91 = vector.broadcast %mul3A_90 : f32 to vector<16xf32>
    %mul3A_92 = arith.mulf %get3A_89, %mul3A_91 : vector<16xf32>
    %convert_element_type3A_93 = arith.fptosi %mul3A_92 : vector<16xf32> to vector<16xi32>
    %swap3A_94 = arith.constant 0 : i32
    %swap3A_95 = arith.index_cast %swap3A_94 : i32 to index
    %swap3A_96 = arith.constant 32 : index
    %swap3A_97 = tpu.vector_load %arg14[%swap3A_95, %swap3A_96] {strides = array<i32>} : memref<2x128xi32, #tpu.memory_space<vmem>>, vector<1x16xi32>,
    %swap3A_98 = vector.shape_cast %swap3A_97 : vector<1x16xi32> to vector<16xi32>
    %swap3A_99 = vector.shape_cast %convert_element_type3A_93 : vector<16xi32> to vector<1x16xi32>
    tpu.vector_store %arg14[%swap3A_95, %swap3A_96], %swap3A_99 {strides = array<i32>} : memref<2x128xi32, #tpu.memory_space<vmem>>, vector<1x16xi32>,
    %get3A_100 = arith.constant 48 : index
    %get3A_101 = tpu.vector_load %arg13[%get3A_100] {strides = array<i32>} : memref<256xf32, #tpu.memory_space<vmem>>, vector<16xf32>,
    %get3A_102 = vector.shape_cast %get3A_101 : vector<16xf32> to vector<16xf32>
    %mul3A_103 = arith.constant 9.999000e+03 : f32
    %mul3A_104 = vector.broadcast %mul3A_103 : f32 to vector<16xf32>
    %mul3A_105 = arith.mulf %get3A_102, %mul3A_104 : vector<16xf32>
    %convert_element_type3A_106 = arith.fptosi %mul3A_105 : vector<16xf32> to vector<16xi32>
    %swap3A_107 = arith.constant 0 : i32
    %swap3A_108 = arith.index_cast %swap3A_107 : i32 to index
    %swap3A_109 = arith.constant 48 : index
    %swap3A_110 = tpu.vector_load %arg14[%swap3A_108, %swap3A_109] {strides = array<i32>} : memref<2x128xi32, #tpu.memory_space<vmem>>, vector<1x16xi32>,
    %swap3A_111 = vector.shape_cast %swap3A_110 : vector<1x16xi32> to vector<16xi32>
    %swap3A_112 = vector.shape_cast %convert_element_type3A_106 : vector<16xi32> to vector<1x16xi32>
    tpu.vector_store %arg14[%swap3A_108, %swap3A_109], %swap3A_112 {strides = array<i32>} : memref<2x128xi32, #tpu.memory_space<vmem>>, vector<1x16xi32>,
    %get3A_113 = arith.constant 64 : index
    %get3A_114 = tpu.vector_load %arg13[%get3A_113] {strides = array<i32>} : memref<256xf32, #tpu.memory_space<vmem>>, vector<16xf32>,
    %get3A_115 = vector.shape_cast %get3A_114 : vector<16xf32> to vector<16xf32>
    %mul3A_116 = arith.constant 9.999000e+03 : f32
    %mul3A_117 = vector.broadcast %mul3A_116 : f32 to vector<16xf32>
    %mul3A_118 = arith.mulf %get3A_115, %mul3A_117 : vector<16xf32>
    %convert_element_type3A_119 = arith.fptosi %mul3A_118 : vector<16xf32> to vector<16xi32>
    %swap3A_120 = arith.constant 0 : i32
    %swap3A_121 = arith.index_cast %swap3A_120 : i32 to index
    %swap3A_122 = arith.constant 64 : index
    %swap3A_123 = tpu.vector_load %arg14[%swap3A_121, %swap3A_122] {strides = array<i32>} : memref<2x128xi32, #tpu.memory_space<vmem>>, vector<1x16xi32>,
    %swap3A_124 = vector.shape_cast %swap3A_123 : vector<1x16xi32> to vector<16xi32>
    %swap3A_125 = vector.shape_cast %convert_element_type3A_119 : vector<16xi32> to vector<1x16xi32>
    tpu.vector_store %arg14[%swap3A_121, %swap3A_122], %swap3A_125 {strides = array<i32>} : memref<2x128xi32, #tpu.memory_space<vmem>>, vector<1x16xi32>,
    %get3A_126 = arith.constant 80 : index
    %get3A_127 = tpu.vector_load %arg13[%get3A_126] {strides = array<i32>} : memref<256xf32, #tpu.memory_space<vmem>>, vector<16xf32>,
    %get3A_128 = vector.shape_cast %get3A_127 : vector<16xf32> to vector<16xf32>
    %mul3A_129 = arith.constant 9.999000e+03 : f32
    %mul3A_130 = vector.broadcast %mul3A_129 : f32 to vector<16xf32>
    %mul3A_131 = arith.mulf %get3A_128, %mul3A_130 : vector<16xf32>
    %convert_element_type3A_132 = arith.fptosi %mul3A_131 : vector<16xf32> to vector<16xi32>
    %swap3A_133 = arith.constant 0 : i32
    %swap3A_134 = arith.index_cast %swap3A_133 : i32 to index
    %swap3A_135 = arith.constant 80 : index
    %swap3A_136 = tpu.vector_load %arg14[%swap3A_134, %swap3A_135] {strides = array<i32>} : memref<2x128xi32, #tpu.memory_space<vmem>>, vector<1x16xi32>,
    %swap3A_137 = vector.shape_cast %swap3A_136 : vector<1x16xi32> to vector<16xi32>
    %swap3A_138 = vector.shape_cast %convert_element_type3A_132 : vector<16xi32> to vector<1x16xi32>
    tpu.vector_store %arg14[%swap3A_134, %swap3A_135], %swap3A_138 {strides = array<i32>} : memref<2x128xi32, #tpu.memory_space<vmem>>, vector<1x16xi32>,
    %get3A_139 = arith.constant 96 : index
    %get3A_140 = tpu.vector_load %arg13[%get3A_139] {strides = array<i32>} : memref<256xf32, #tpu.memory_space<vmem>>, vector<16xf32>,
    %get3A_141 = vector.shape_cast %get3A_140 : vector<16xf32> to vector<16xf32>
    %mul3A_142 = arith.constant 9.999000e+03 : f32
    %mul3A_143 = vector.broadcast %mul3A_142 : f32 to vector<16xf32>
    %mul3A_144 = arith.mulf %get3A_141, %mul3A_143 : vector<16xf32>
    %convert_element_type3A_145 = arith.fptosi %mul3A_144 : vector<16xf32> to vector<16xi32>
    %swap3A_146 = arith.constant 0 : i32
    %swap3A_147 = arith.index_cast %swap3A_146 : i32 to index
    %swap3A_148 = arith.constant 96 : index
    %swap3A_149 = tpu.vector_load %arg14[%swap3A_147, %swap3A_148] {strides = array<i32>} : memref<2x128xi32, #tpu.memory_space<vmem>>, vector<1x16xi32>,
    %swap3A_150 = vector.shape_cast %swap3A_149 : vector<1x16xi32> to vector<16xi32>
    %swap3A_151 = vector.shape_cast %convert_element_type3A_145 : vector<16xi32> to vector<1x16xi32>
    tpu.vector_store %arg14[%swap3A_147, %swap3A_148], %swap3A_151 {strides = array<i32>} : memref<2x128xi32, #tpu.memory_space<vmem>>, vector<1x16xi32>,
    %get3A_152 = arith.constant 112 : index
    %get3A_153 = tpu.vector_load %arg13[%get3A_152] {strides = array<i32>} : memref<256xf32, #tpu.memory_space<vmem>>, vector<16xf32>,
    %get3A_154 = vector.shape_cast %get3A_153 : vector<16xf32> to vector<16xf32>
    %mul3A_155 = arith.constant 9.999000e+03 : f32
    %mul3A_156 = vector.broadcast %mul3A_155 : f32 to vector<16xf32>
    %mul3A_157 = arith.mulf %get3A_154, %mul3A_156 : vector<16xf32>
    %convert_element_type3A_158 = arith.fptosi %mul3A_157 : vector<16xf32> to vector<16xi32>
    %swap3A_159 = arith.constant 0 : i32
    %swap3A_160 = arith.index_cast %swap3A_159 : i32 to index
    %swap3A_161 = arith.constant 112 : index
    %swap3A_162 = tpu.vector_load %arg14[%swap3A_160, %swap3A_161] {strides = array<i32>} : memref<2x128xi32, #tpu.memory_space<vmem>>, vector<1x16xi32>,
    %swap3A_163 = vector.shape_cast %swap3A_162 : vector<1x16xi32> to vector<16xi32>
    %swap3A_164 = vector.shape_cast %convert_element_type3A_158 : vector<16xi32> to vector<1x16xi32>
    tpu.vector_store %arg14[%swap3A_160, %swap3A_161], %swap3A_164 {strides = array<i32>} : memref<2x128xi32, #tpu.memory_space<vmem>>, vector<1x16xi32>,
    %get3A_165 = arith.constant 128 : index
    %get3A_166 = tpu.vector_load %arg13[%get3A_165] {strides = array<i32>} : memref<256xf32, #tpu.memory_space<vmem>>, vector<16xf32>,
    %get3A_167 = vector.shape_cast %get3A_166 : vector<16xf32> to vector<16xf32>
    %mul3A_168 = arith.constant 9.999000e+03 : f32
    %mul3A_169 = vector.broadcast %mul3A_168 : f32 to vector<16xf32>
    %mul3A_170 = arith.mulf %get3A_167, %mul3A_169 : vector<16xf32>
    %convert_element_type3A_171 = arith.fptosi %mul3A_170 : vector<16xf32> to vector<16xi32>
    %swap3A_172 = arith.constant 1 : i32
    %swap3A_173 = arith.index_cast %swap3A_172 : i32 to index
    %swap3A_174 = arith.constant 0 : index
    %swap3A_175 = tpu.vector_load %arg14[%swap3A_173, %swap3A_174] {strides = array<i32>} : memref<2x128xi32, #tpu.memory_space<vmem>>, vector<1x16xi32>,
    %swap3A_176 = vector.shape_cast %swap3A_175 : vector<1x16xi32> to vector<16xi32>
    %swap3A_177 = vector.shape_cast %convert_element_type3A_171 : vector<16xi32> to vector<1x16xi32>
    tpu.vector_store %arg14[%swap3A_173, %swap3A_174], %swap3A_177 {strides = array<i32>} : memref<2x128xi32, #tpu.memory_space<vmem>>, vector<1x16xi32>,
    %get3A_178 = arith.constant 144 : index
    %get3A_179 = tpu.vector_load %arg13[%get3A_178] {strides = array<i32>} : memref<256xf32, #tpu.memory_space<vmem>>, vector<16xf32>,
    %get3A_180 = vector.shape_cast %get3A_179 : vector<16xf32> to vector<16xf32>
    %mul3A_181 = arith.constant 9.999000e+03 : f32
    %mul3A_182 = vector.broadcast %mul3A_181 : f32 to vector<16xf32>
    %mul3A_183 = arith.mulf %get3A_180, %mul3A_182 : vector<16xf32>
    %convert_element_type3A_184 = arith.fptosi %mul3A_183 : vector<16xf32> to vector<16xi32>
    %swap3A_185 = arith.constant 1 : i32
    %swap3A_186 = arith.index_cast %swap3A_185 : i32 to index
    %swap3A_187 = arith.constant 16 : index
    %swap3A_188 = tpu.vector_load %arg14[%swap3A_186, %swap3A_187] {strides = array<i32>} : memref<2x128xi32, #tpu.memory_space<vmem>>, vector<1x16xi32>,
    %swap3A_189 = vector.shape_cast %swap3A_188 : vector<1x16xi32> to vector<16xi32>
    %swap3A_190 = vector.shape_cast %convert_element_type3A_184 : vector<16xi32> to vector<1x16xi32>
    tpu.vector_store %arg14[%swap3A_186, %swap3A_187], %swap3A_190 {strides = array<i32>} : memref<2x128xi32, #tpu.memory_space<vmem>>, vector<1x16xi32>,
    %get3A_191 = arith.constant 160 : index
    %get3A_192 = tpu.vector_load %arg13[%get3A_191] {strides = array<i32>} : memref<256xf32, #tpu.memory_space<vmem>>, vector<16xf32>,
    %get3A_193 = vector.shape_cast %get3A_192 : vector<16xf32> to vector<16xf32>
    %mul3A_194 = arith.constant 9.999000e+03 : f32
    %mul3A_195 = vector.broadcast %mul3A_194 : f32 to vector<16xf32>
    %mul3A_196 = arith.mulf %get3A_193, %mul3A_195 : vector<16xf32>
    %convert_element_type3A_197 = arith.fptosi %mul3A_196 : vector<16xf32> to vector<16xi32>
    %swap3A_198 = arith.constant 1 : i32
    %swap3A_199 = arith.index_cast %swap3A_198 : i32 to index
    %swap3A_200 = arith.constant 32 : index
    %swap3A_201 = tpu.vector_load %arg14[%swap3A_199, %swap3A_200] {strides = array<i32>} : memref<2x128xi32, #tpu.memory_space<vmem>>, vector<1x16xi32>,
    %swap3A_202 = vector.shape_cast %swap3A_201 : vector<1x16xi32> to vector<16xi32>
    %swap3A_203 = vector.shape_cast %convert_element_type3A_197 : vector<16xi32> to vector<1x16xi32>
    tpu.vector_store %arg14[%swap3A_199, %swap3A_200], %swap3A_203 {strides = array<i32>} : memref<2x128xi32, #tpu.memory_space<vmem>>, vector<1x16xi32>,
    %get3A_204 = arith.constant 176 : index
    %get3A_205 = tpu.vector_load %arg13[%get3A_204] {strides = array<i32>} : memref<256xf32, #tpu.memory_space<vmem>>, vector<16xf32>,
    %get3A_206 = vector.shape_cast %get3A_205 : vector<16xf32> to vector<16xf32>
    %mul3A_207 = arith.constant 9.999000e+03 : f32
    %mul3A_208 = vector.broadcast %mul3A_207 : f32 to vector<16xf32>
    %mul3A_209 = arith.mulf %get3A_206, %mul3A_208 : vector<16xf32>
    %convert_element_type3A_210 = arith.fptosi %mul3A_209 : vector<16xf32> to vector<16xi32>
    %swap3A_211 = arith.constant 1 : i32
    %swap3A_212 = arith.index_cast %swap3A_211 : i32 to index
    %swap3A_213 = arith.constant 48 : index
    %swap3A_214 = tpu.vector_load %arg14[%swap3A_212, %swap3A_213] {strides = array<i32>} : memref<2x128xi32, #tpu.memory_space<vmem>>, vector<1x16xi32>,
    %swap3A_215 = vector.shape_cast %swap3A_214 : vector<1x16xi32> to vector<16xi32>
    %swap3A_216 = vector.shape_cast %convert_element_type3A_210 : vector<16xi32> to vector<1x16xi32>
    tpu.vector_store %arg14[%swap3A_212, %swap3A_213], %swap3A_216 {strides = array<i32>} : memref<2x128xi32, #tpu.memory_space<vmem>>, vector<1x16xi32>,
    %get3A_217 = arith.constant 192 : index
    %get3A_218 = tpu.vector_load %arg13[%get3A_217] {strides = array<i32>} : memref<256xf32, #tpu.memory_space<vmem>>, vector<16xf32>,
    %get3A_219 = vector.shape_cast %get3A_218 : vector<16xf32> to vector<16xf32>
    %mul3A_220 = arith.constant 9.999000e+03 : f32
    %mul3A_221 = vector.broadcast %mul3A_220 : f32 to vector<16xf32>
    %mul3A_222 = arith.mulf %get3A_219, %mul3A_221 : vector<16xf32>
    %convert_element_type3A_223 = arith.fptosi %mul3A_222 : vector<16xf32> to vector<16xi32>
    %swap3A_224 = arith.constant 1 : i32
    %swap3A_225 = arith.index_cast %swap3A_224 : i32 to index
    %swap3A_226 = arith.constant 64 : index
    %swap3A_227 = tpu.vector_load %arg14[%swap3A_225, %swap3A_226] {strides = array<i32>} : memref<2x128xi32, #tpu.memory_space<vmem>>, vector<1x16xi32>,
    %swap3A_228 = vector.shape_cast %swap3A_227 : vector<1x16xi32> to vector<16xi32>
    %swap3A_229 = vector.shape_cast %convert_element_type3A_223 : vector<16xi32> to vector<1x16xi32>
    tpu.vector_store %arg14[%swap3A_225, %swap3A_226], %swap3A_229 {strides = array<i32>} : memref<2x128xi32, #tpu.memory_space<vmem>>, vector<1x16xi32>,
    %get3A_230 = arith.constant 208 : index
    %get3A_231 = tpu.vector_load %arg13[%get3A_230] {strides = array<i32>} : memref<256xf32, #tpu.memory_space<vmem>>, vector<16xf32>,
    %get3A_232 = vector.shape_cast %get3A_231 : vector<16xf32> to vector<16xf32>
    %mul3A_233 = arith.constant 9.999000e+03 : f32
    %mul3A_234 = vector.broadcast %mul3A_233 : f32 to vector<16xf32>
    %mul3A_235 = arith.mulf %get3A_232, %mul3A_234 : vector<16xf32>
    %convert_element_type3A_236 = arith.fptosi %mul3A_235 : vector<16xf32> to vector<16xi32>
    %swap3A_237 = arith.constant 1 : i32
    %swap3A_238 = arith.index_cast %swap3A_237 : i32 to index
    %swap3A_239 = arith.constant 80 : index
    %swap3A_240 = tpu.vector_load %arg14[%swap3A_238, %swap3A_239] {strides = array<i32>} : memref<2x128xi32, #tpu.memory_space<vmem>>, vector<1x16xi32>,
    %swap3A_241 = vector.shape_cast %swap3A_240 : vector<1x16xi32> to vector<16xi32>
    %swap3A_242 = vector.shape_cast %convert_element_type3A_236 : vector<16xi32> to vector<1x16xi32>
    tpu.vector_store %arg14[%swap3A_238, %swap3A_239], %swap3A_242 {strides = array<i32>} : memref<2x128xi32, #tpu.memory_space<vmem>>, vector<1x16xi32>,
    %get3A_243 = arith.constant 224 : index
    %get3A_244 = tpu.vector_load %arg13[%get3A_243] {strides = array<i32>} : memref<256xf32, #tpu.memory_space<vmem>>, vector<16xf32>,
    %get3A_245 = vector.shape_cast %get3A_244 : vector<16xf32> to vector<16xf32>
    %mul3A_246 = arith.constant 9.999000e+03 : f32
    %mul3A_247 = vector.broadcast %mul3A_246 : f32 to vector<16xf32>
    %mul3A_248 = arith.mulf %get3A_245, %mul3A_247 : vector<16xf32>
    %convert_element_type3A_249 = arith.fptosi %mul3A_248 : vector<16xf32> to vector<16xi32>
    %swap3A_250 = arith.constant 1 : i32
    %swap3A_251 = arith.index_cast %swap3A_250 : i32 to index
    %swap3A_252 = arith.constant 96 : index
    %swap3A_253 = tpu.vector_load %arg14[%swap3A_251, %swap3A_252] {strides = array<i32>} : memref<2x128xi32, #tpu.memory_space<vmem>>, vector<1x16xi32>,
    %swap3A_254 = vector.shape_cast %swap3A_253 : vector<1x16xi32> to vector<16xi32>
    %swap3A_255 = vector.shape_cast %convert_element_type3A_249 : vector<16xi32> to vector<1x16xi32>
    tpu.vector_store %arg14[%swap3A_251, %swap3A_252], %swap3A_255 {strides = array<i32>} : memref<2x128xi32, #tpu.memory_space<vmem>>, vector<1x16xi32>,
    %get3A_256 = arith.constant 240 : index
    %get3A_257 = tpu.vector_load %arg13[%get3A_256] {strides = array<i32>} : memref<256xf32, #tpu.memory_space<vmem>>, vector<16xf32>,
    %get3A_258 = vector.shape_cast %get3A_257 : vector<16xf32> to vector<16xf32>
    %mul3A_259 = arith.constant 9.999000e+03 : f32
    %mul3A_260 = vector.broadcast %mul3A_259 : f32 to vector<16xf32>
    %mul3A_261 = arith.mulf %get3A_258, %mul3A_260 : vector<16xf32>
    %convert_element_type3A_262 = arith.fptosi %mul3A_261 : vector<16xf32> to vector<16xi32>
    %swap3A_263 = arith.constant 1 : i32
    %swap3A_264 = arith.index_cast %swap3A_263 : i32 to index
    %swap3A_265 = arith.constant 112 : index
    %swap3A_266 = tpu.vector_load %arg14[%swap3A_264, %swap3A_265] {strides = array<i32>} : memref<2x128xi32, #tpu.memory_space<vmem>>, vector<1x16xi32>,
    %swap3A_267 = vector.shape_cast %swap3A_266 : vector<1x16xi32> to vector<16xi32>
    %swap3A_268 = vector.shape_cast %convert_element_type3A_262 : vector<16xi32> to vector<1x16xi32>
    tpu.vector_store %arg14[%swap3A_264, %swap3A_265], %swap3A_268 {strides = array<i32>} : memref<2x128xi32, #tpu.memory_space<vmem>>, vector<1x16xi32>,
    %barrier3A = arith.constant 0 : index
    tpu.barrier barrier_id(%barrier3A)
    %cond3A_269 = arith.constant 0 : i32
    %dma_start3A = arith.constant 0 : i32
    %dma_start3A_270 = arith.constant 0 : i32
    %dma_start3A_271 = arith.constant 0 : i32
    %dma_start3A_272 = tpu.memref_slice %arg11[%dma_start3A_270, %dma_start3A_271] : memref<128x128xf32, #tpu.memory_space<vmem>> -> memref<125x128xf32, #tpu.memory_space<vmem>>
    %dma_start3A_273 = arith.constant 0 : i32
    %dma_start3A_274 = tpu.memref_slice %arg9[%dma_start3A, %dma_start3A_273] : memref<40x125xi32, #tpu.memory_space<vmem>> -> memref<1x125xi32, #tpu.memory_space<vmem>>
    %dma_start3A_275 = tpu.memref_squeeze %dma_start3A_274 : memref<1x125xi32, #tpu.memory_space<vmem>> -> memref<125xi32, #tpu.memory_space<vmem>>
    %dma_start3A_276 = arith.constant 0 : i32
    %dma_start3A_277 = arith.constant 0 : i32
    %dma_start3A_278 = tpu.memref_slice %arg2[%dma_start3A_276, %dma_start3A_277] : memref<10000x128xf32, #tpu.memory_space<hbm>> -> memref<10000x128xf32, #tpu.memory_space<hbm>>
    tpu.enqueue_indirect_dma source(%dma_start3A_278 : memref<10000x128xf32, #tpu.memory_space<hbm>>) target(%dma_start3A_272 : memref<125x128xf32, #tpu.memory_space<vmem>>) offsets(%dma_start3A_275 : memref<125xi32, #tpu.memory_space<vmem>>) semaphore(%arg17 : memref<!tpu.dma_semaphore, #tpu.memory_space<semaphore_mem>>)
    %dma_start3A_279 = arith.constant 1 : i32
    %dma_start3A_280 = arith.constant 0 : i32
    %dma_start3A_281 = arith.constant 0 : i32
    %dma_start3A_282 = tpu.memref_slice %arg12[%dma_start3A_280, %dma_start3A_281] : memref<128x128xf32, #tpu.memory_space<vmem>> -> memref<125x128xf32, #tpu.memory_space<vmem>>
    %dma_start3A_283 = arith.constant 0 : i32
    %dma_start3A_284 = tpu.memref_slice %arg9[%dma_start3A_279, %dma_start3A_283] : memref<40x125xi32, #tpu.memory_space<vmem>> -> memref<1x125xi32, #tpu.memory_space<vmem>>
    %dma_start3A_285 = tpu.memref_squeeze %dma_start3A_284 : memref<1x125xi32, #tpu.memory_space<vmem>> -> memref<125xi32, #tpu.memory_space<vmem>>
    %dma_start3A_286 = arith.constant 0 : i32
    %dma_start3A_287 = arith.constant 0 : i32
    %dma_start3A_288 = tpu.memref_slice %arg2[%dma_start3A_286, %dma_start3A_287] : memref<10000x128xf32, #tpu.memory_space<hbm>> -> memref<10000x128xf32, #tpu.memory_space<hbm>>
    tpu.enqueue_indirect_dma source(%dma_start3A_288 : memref<10000x128xf32, #tpu.memory_space<hbm>>) target(%dma_start3A_282 : memref<125x128xf32, #tpu.memory_space<vmem>>) offsets(%dma_start3A_285 : memref<125xi32, #tpu.memory_space<vmem>>) semaphore(%arg18 : memref<!tpu.dma_semaphore, #tpu.memory_space<semaphore_mem>>)
    %scan3A_289 = arith.constant 0 : i32
    %scan3A_290 = arith.constant 0 : i32
    %scan3A_291 = arith.constant 20 : i32
    %scan3A_292 = arith.addi %scan3A_290, %scan3A_291 : i32
    %scan3A_293 = arith.constant 1 : i32
    %scan3A_294 = scf.for %scan3A_364 = %scan3A_290 to %scan3A_292 step %scan3A_293 iter_args(%scan3A_365 = %scan3A_289) -> (i32)  : i32 {
      %mul3A_366 = arith.constant 2 : i32
      %mul3A_367 = arith.muli %mul3A_366, %scan3A_364 : i32
      %dma_wait3A_368 = arith.constant 0 : i32
      %dma_wait3A_369 = arith.constant 0 : i32
      %dma_wait3A_370 = tpu.memref_slice %arg11[%dma_wait3A_368, %dma_wait3A_369] : memref<128x128xf32, #tpu.memory_space<vmem>> -> memref<125x128xf32, #tpu.memory_space<vmem>>
      %dma_wait3A_371 = arith.constant 0 : i32
      %dma_wait3A_372 = tpu.memref_slice %arg9[%mul3A_367, %dma_wait3A_371] : memref<40x125xi32, #tpu.memory_space<vmem>> -> memref<1x125xi32, #tpu.memory_space<vmem>>
      %dma_wait3A_373 = tpu.memref_squeeze %dma_wait3A_372 : memref<1x125xi32, #tpu.memory_space<vmem>> -> memref<125xi32, #tpu.memory_space<vmem>>
      %dma_wait3A_374 = arith.constant 0 : i32
      %dma_wait3A_375 = arith.constant 0 : i32
      %dma_wait3A_376 = tpu.memref_slice %arg2[%dma_wait3A_374, %dma_wait3A_375] : memref<10000x128xf32, #tpu.memory_space<hbm>> -> memref<10000x128xf32, #tpu.memory_space<hbm>>
      tpu.wait_indirect_dma semaphore(%arg17 : memref<!tpu.dma_semaphore, #tpu.memory_space<semaphore_mem>>) src(%dma_wait3A_376 : memref<10000x128xf32, #tpu.memory_space<hbm>>) dst(%dma_wait3A_370 : memref<125x128xf32, #tpu.memory_space<vmem>>)
      %add3A_377 = arith.constant 0 : i32
      %add3A_378 = arith.addi %add3A_377, %mul3A_367 : i32
      "tpu.region"() ({
        %run_scoped3A = tpu.sem_alloc : memref<!tpu.dma_semaphore, #tpu.memory_space<semaphore_mem>>
        %dma_start3A_409 = arith.constant 0 : i32
        %dma_start3A_410 = arith.constant 0 : i32
        %dma_start3A_411 = tpu.memref_slice %arg11[%dma_start3A_409, %dma_start3A_410] : memref<128x128xf32, #tpu.memory_space<vmem>> -> memref<125x128xf32, #tpu.memory_space<vmem>>
        %dma_start3A_412 = arith.constant 0 : i32
        %dma_start3A_413 = tpu.memref_slice %arg10[%add3A_378, %dma_start3A_412] : memref<80x125xi32, #tpu.memory_space<vmem>> -> memref<1x125xi32, #tpu.memory_space<vmem>>
        %dma_start3A_414 = tpu.memref_squeeze %dma_start3A_413 : memref<1x125xi32, #tpu.memory_space<vmem>> -> memref<125xi32, #tpu.memory_space<vmem>>
        %dma_start3A_415 = arith.constant 0 : i32
        %dma_start3A_416 = arith.constant 0 : i32
        %dma_start3A_417 = tpu.memref_slice %arg16[%dma_start3A_415, %dma_start3A_416] : memref<10000x128xf32, #tpu.memory_space<vmem_shared>> -> memref<10000x128xf32, #tpu.memory_space<vmem_shared>>
        tpu.enqueue_indirect_dma source(%dma_start3A_411 : memref<125x128xf32, #tpu.memory_space<vmem>>) target(%dma_start3A_417 : memref<10000x128xf32, #tpu.memory_space<vmem_shared>>) offsets(%dma_start3A_414 : memref<125xi32, #tpu.memory_space<vmem>>) semaphore(%run_scoped3A : memref<!tpu.dma_semaphore, #tpu.memory_space<semaphore_mem>>) {add = true}
        %dma_wait3A_418 = arith.constant 0 : i32
        %dma_wait3A_419 = arith.constant 0 : i32
        %dma_wait3A_420 = tpu.memref_slice %arg11[%dma_wait3A_418, %dma_wait3A_419] : memref<128x128xf32, #tpu.memory_space<vmem>> -> memref<125x128xf32, #tpu.memory_space<vmem>>
        %dma_wait3A_421 = arith.constant 0 : i32
        %dma_wait3A_422 = tpu.memref_slice %arg10[%add3A_378, %dma_wait3A_421] : memref<80x125xi32, #tpu.memory_space<vmem>> -> memref<1x125xi32, #tpu.memory_space<vmem>>
        %dma_wait3A_423 = tpu.memref_squeeze %dma_wait3A_422 : memref<1x125xi32, #tpu.memory_space<vmem>> -> memref<125xi32, #tpu.memory_space<vmem>>
        %dma_wait3A_424 = arith.constant 0 : i32
        %dma_wait3A_425 = arith.constant 0 : i32
        %dma_wait3A_426 = tpu.memref_slice %arg16[%dma_wait3A_424, %dma_wait3A_425] : memref<10000x128xf32, #tpu.memory_space<vmem_shared>> -> memref<10000x128xf32, #tpu.memory_space<vmem_shared>>
        tpu.wait_indirect_dma semaphore(%run_scoped3A : memref<!tpu.dma_semaphore, #tpu.memory_space<semaphore_mem>>) src(%dma_wait3A_420 : memref<125x128xf32, #tpu.memory_space<vmem>>) dst(%dma_wait3A_426 : memref<10000x128xf32, #tpu.memory_space<vmem_shared>>)
        tpu.yield
      }) : () -> ()
      %add3A_379 = arith.constant 2 : i32
      %add3A_380 = arith.addi %mul3A_367, %add3A_379 : i32
      %lt3A_381 = arith.constant 40 : i32
      %lt3A_382 = arith.cmpi slt, %add3A_380, %lt3A_381 : i32
      %convert_element_type3A_383 = arith.extui %lt3A_382 : i1 to i32
      %cond3A_384 = arith.constant 0 : i32
      %cond3A_385 = arith.cmpi ne, %convert_element_type3A_383, %cond3A_384 : i32
      scf.if %cond3A_385 {
        %add3A_409 = arith.constant 2 : i32
        %add3A_410 = arith.addi %mul3A_367, %add3A_409 : i32
        %dma_start3A_411 = arith.constant 0 : i32
        %dma_start3A_412 = arith.constant 0 : i32
        %dma_start3A_413 = tpu.memref_slice %arg11[%dma_start3A_411, %dma_start3A_412] : memref<128x128xf32, #tpu.memory_space<vmem>> -> memref<125x128xf32, #tpu.memory_space<vmem>>
        %dma_start3A_414 = arith.constant 0 : i32
        %dma_start3A_415 = tpu.memref_slice %arg9[%add3A_410, %dma_start3A_414] : memref<40x125xi32, #tpu.memory_space<vmem>> -> memref<1x125xi32, #tpu.memory_space<vmem>>
        %dma_start3A_416 = tpu.memref_squeeze %dma_start3A_415 : memref<1x125xi32, #tpu.memory_space<vmem>> -> memref<125xi32, #tpu.memory_space<vmem>>
        %dma_start3A_417 = arith.constant 0 : i32
        %dma_start3A_418 = arith.constant 0 : i32
        %dma_start3A_419 = tpu.memref_slice %arg2[%dma_start3A_417, %dma_start3A_418] : memref<10000x128xf32, #tpu.memory_space<hbm>> -> memref<10000x128xf32, #tpu.memory_space<hbm>>
        tpu.enqueue_indirect_dma source(%dma_start3A_419 : memref<10000x128xf32, #tpu.memory_space<hbm>>) target(%dma_start3A_413 : memref<125x128xf32, #tpu.memory_space<vmem>>) offsets(%dma_start3A_416 : memref<125xi32, #tpu.memory_space<vmem>>) semaphore(%arg17 : memref<!tpu.dma_semaphore, #tpu.memory_space<semaphore_mem>>)
      } else {
      }
      %add3A_386 = arith.constant 1 : i32
      %add3A_387 = arith.addi %mul3A_367, %add3A_386 : i32
      %dma_wait3A_388 = arith.constant 0 : i32
      %dma_wait3A_389 = arith.constant 0 : i32
      %dma_wait3A_390 = tpu.memref_slice %arg12[%dma_wait3A_388, %dma_wait3A_389] : memref<128x128xf32, #tpu.memory_space<vmem>> -> memref<125x128xf32, #tpu.memory_space<vmem>>
      %dma_wait3A_391 = arith.constant 0 : i32
      %dma_wait3A_392 = tpu.memref_slice %arg9[%add3A_387, %dma_wait3A_391] : memref<40x125xi32, #tpu.memory_space<vmem>> -> memref<1x125xi32, #tpu.memory_space<vmem>>
      %dma_wait3A_393 = tpu.memref_squeeze %dma_wait3A_392 : memref<1x125xi32, #tpu.memory_space<vmem>> -> memref<125xi32, #tpu.memory_space<vmem>>
      %dma_wait3A_394 = arith.constant 0 : i32
      %dma_wait3A_395 = arith.constant 0 : i32
      %dma_wait3A_396 = tpu.memref_slice %arg2[%dma_wait3A_394, %dma_wait3A_395] : memref<10000x128xf32, #tpu.memory_space<hbm>> -> memref<10000x128xf32, #tpu.memory_space<hbm>>
      tpu.wait_indirect_dma semaphore(%arg18 : memref<!tpu.dma_semaphore, #tpu.memory_space<semaphore_mem>>) src(%dma_wait3A_396 : memref<10000x128xf32, #tpu.memory_space<hbm>>) dst(%dma_wait3A_390 : memref<125x128xf32, #tpu.memory_space<vmem>>)
      %add3A_397 = arith.constant 0 : i32
      %add3A_398 = arith.addi %add3A_397, %mul3A_367 : i32
      %add3A_399 = arith.constant 1 : i32
      %add3A_400 = arith.addi %add3A_398, %add3A_399 : i32
      "tpu.region"() ({
        %run_scoped3A = tpu.sem_alloc : memref<!tpu.dma_semaphore, #tpu.memory_space<semaphore_mem>>
        %dma_start3A_409 = arith.constant 0 : i32
        %dma_start3A_410 = arith.constant 0 : i32
        %dma_start3A_411 = tpu.memref_slice %arg12[%dma_start3A_409, %dma_start3A_410] : memref<128x128xf32, #tpu.memory_space<vmem>> -> memref<125x128xf32, #tpu.memory_space<vmem>>
        %dma_start3A_412 = arith.constant 0 : i32
        %dma_start3A_413 = tpu.memref_slice %arg10[%add3A_400, %dma_start3A_412] : memref<80x125xi32, #tpu.memory_space<vmem>> -> memref<1x125xi32, #tpu.memory_space<vmem>>
        %dma_start3A_414 = tpu.memref_squeeze %dma_start3A_413 : memref<1x125xi32, #tpu.memory_space<vmem>> -> memref<125xi32, #tpu.memory_space<vmem>>
        %dma_start3A_415 = arith.constant 0 : i32
        %dma_start3A_416 = arith.constant 0 : i32
        %dma_start3A_417 = tpu.memref_slice %arg16[%dma_start3A_415, %dma_start3A_416] : memref<10000x128xf32, #tpu.memory_space<vmem_shared>> -> memref<10000x128xf32, #tpu.memory_space<vmem_shared>>
        tpu.enqueue_indirect_dma source(%dma_start3A_411 : memref<125x128xf32, #tpu.memory_space<vmem>>) target(%dma_start3A_417 : memref<10000x128xf32, #tpu.memory_space<vmem_shared>>) offsets(%dma_start3A_414 : memref<125xi32, #tpu.memory_space<vmem>>) semaphore(%run_scoped3A : memref<!tpu.dma_semaphore, #tpu.memory_space<semaphore_mem>>) {add = true}
        %dma_wait3A_418 = arith.constant 0 : i32
        %dma_wait3A_419 = arith.constant 0 : i32
        %dma_wait3A_420 = tpu.memref_slice %arg12[%dma_wait3A_418, %dma_wait3A_419] : memref<128x128xf32, #tpu.memory_space<vmem>> -> memref<125x128xf32, #tpu.memory_space<vmem>>
        %dma_wait3A_421 = arith.constant 0 : i32
        %dma_wait3A_422 = tpu.memref_slice %arg10[%add3A_400, %dma_wait3A_421] : memref<80x125xi32, #tpu.memory_space<vmem>> -> memref<1x125xi32, #tpu.memory_space<vmem>>
        %dma_wait3A_423 = tpu.memref_squeeze %dma_wait3A_422 : memref<1x125xi32, #tpu.memory_space<vmem>> -> memref<125xi32, #tpu.memory_space<vmem>>
        %dma_wait3A_424 = arith.constant 0 : i32
        %dma_wait3A_425 = arith.constant 0 : i32
        %dma_wait3A_426 = tpu.memref_slice %arg16[%dma_wait3A_424, %dma_wait3A_425] : memref<10000x128xf32, #tpu.memory_space<vmem_shared>> -> memref<10000x128xf32, #tpu.memory_space<vmem_shared>>
        tpu.wait_indirect_dma semaphore(%run_scoped3A : memref<!tpu.dma_semaphore, #tpu.memory_space<semaphore_mem>>) src(%dma_wait3A_420 : memref<125x128xf32, #tpu.memory_space<vmem>>) dst(%dma_wait3A_426 : memref<10000x128xf32, #tpu.memory_space<vmem_shared>>)
        tpu.yield
      }) : () -> ()
      %add3A_401 = arith.constant 3 : i32
      %add3A_402 = arith.addi %mul3A_367, %add3A_401 : i32
      %lt3A_403 = arith.constant 40 : i32
      %lt3A_404 = arith.cmpi slt, %add3A_402, %lt3A_403 : i32
      %convert_element_type3A_405 = arith.extui %lt3A_404 : i1 to i32
      %cond3A_406 = arith.constant 0 : i32
      %cond3A_407 = arith.cmpi ne, %convert_element_type3A_405, %cond3A_406 : i32
      scf.if %cond3A_407 {
        %add3A_409 = arith.constant 3 : i32
        %add3A_410 = arith.addi %mul3A_367, %add3A_409 : i32
        %dma_start3A_411 = arith.constant 0 : i32
        %dma_start3A_412 = arith.constant 0 : i32
        %dma_start3A_413 = tpu.memref_slice %arg12[%dma_start3A_411, %dma_start3A_412] : memref<128x128xf32, #tpu.memory_space<vmem>> -> memref<125x128xf32, #tpu.memory_space<vmem>>
        %dma_start3A_414 = arith.constant 0 : i32
        %dma_start3A_415 = tpu.memref_slice %arg9[%add3A_410, %dma_start3A_414] : memref<40x125xi32, #tpu.memory_space<vmem>> -> memref<1x125xi32, #tpu.memory_space<vmem>>
        %dma_start3A_416 = tpu.memref_squeeze %dma_start3A_415 : memref<1x125xi32, #tpu.memory_space<vmem>> -> memref<125xi32, #tpu.memory_space<vmem>>
        %dma_start3A_417 = arith.constant 0 : i32
        %dma_start3A_418 = arith.constant 0 : i32
        %dma_start3A_419 = tpu.memref_slice %arg2[%dma_start3A_417, %dma_start3A_418] : memref<10000x128xf32, #tpu.memory_space<hbm>> -> memref<10000x128xf32, #tpu.memory_space<hbm>>
        tpu.enqueue_indirect_dma source(%dma_start3A_419 : memref<10000x128xf32, #tpu.memory_space<hbm>>) target(%dma_start3A_413 : memref<125x128xf32, #tpu.memory_space<vmem>>) offsets(%dma_start3A_416 : memref<125xi32, #tpu.memory_space<vmem>>) semaphore(%arg18 : memref<!tpu.dma_semaphore, #tpu.memory_space<semaphore_mem>>)
      } else {
      }
      %scan3A_408 = arith.constant 0 : i32
      scf.yield %scan3A_408 : i32
    }
    %scan3A_295 = arith.constant 20 : i32
    %cond3A_296 = arith.constant 1 : i32
    "tpu.region"() ({
      %run_scoped3A = tpu.sem_alloc : memref<!tpu.dma_semaphore, #tpu.memory_space<semaphore_mem>>
      %dma_start3A_364 = arith.constant 40 : i32
      %dma_start3A_365 = arith.constant 0 : i32
      %dma_start3A_366 = tpu.memref_slice %arg3[%add3A, %dma_start3A_364, %dma_start3A_365] : memref<32x80x125xi32, #tpu.memory_space<hbm>> -> memref<1x40x125xi32, #tpu.memory_space<hbm>>
      %dma_start3A_367 = tpu.memref_squeeze %dma_start3A_366 : memref<1x40x125xi32, #tpu.memory_space<hbm>> -> memref<40x125xi32, #tpu.memory_space<hbm>>
      %dma_start3A_368 = arith.constant 40 : i32
      %dma_start3A_369 = arith.constant 0 : i32
      %dma_start3A_370 = tpu.memref_slice %arg3[%add3A, %dma_start3A_368, %dma_start3A_369] : memref<32x80x125xi32, #tpu.memory_space<hbm>> -> memref<1x40x125xi32, #tpu.memory_space<hbm>>
      %dma_start3A_371 = tpu.memref_squeeze %dma_start3A_370 : memref<1x40x125xi32, #tpu.memory_space<hbm>> -> memref<40x125xi32, #tpu.memory_space<hbm>>
      tpu.enqueue_dma source(%dma_start3A_371 : memref<40x125xi32, #tpu.memory_space<hbm>>) target(%arg9 : memref<40x125xi32, #tpu.memory_space<vmem>>) target_semaphore(%run_scoped3A : memref<!tpu.dma_semaphore, #tpu.memory_space<semaphore_mem>>)
      %dma_wait3A_372 = arith.constant 40 : i32
      %dma_wait3A_373 = arith.constant 0 : i32
      %dma_wait3A_374 = tpu.memref_slice %arg3[%add3A, %dma_wait3A_372, %dma_wait3A_373] : memref<32x80x125xi32, #tpu.memory_space<hbm>> -> memref<1x40x125xi32, #tpu.memory_space<hbm>>
      %dma_wait3A_375 = tpu.memref_squeeze %dma_wait3A_374 : memref<1x40x125xi32, #tpu.memory_space<hbm>> -> memref<40x125xi32, #tpu.memory_space<hbm>>
      %dma_wait3A_376 = arith.constant 40 : i32
      %dma_wait3A_377 = arith.constant 0 : i32
      %dma_wait3A_378 = tpu.memref_slice %arg3[%add3A, %dma_wait3A_376, %dma_wait3A_377] : memref<32x80x125xi32, #tpu.memory_space<hbm>> -> memref<1x40x125xi32, #tpu.memory_space<hbm>>
      %dma_wait3A_379 = tpu.memref_squeeze %dma_wait3A_378 : memref<1x40x125xi32, #tpu.memory_space<hbm>> -> memref<40x125xi32, #tpu.memory_space<hbm>>
      tpu.wait_dma2 semaphore(%run_scoped3A : memref<!tpu.dma_semaphore, #tpu.memory_space<semaphore_mem>>) src(%dma_wait3A_379 : memref<40x125xi32, #tpu.memory_space<hbm>>) dst(%arg9 : memref<40x125xi32, #tpu.memory_space<vmem>>)
      tpu.yield
    }) : () -> ()
    %dma_start3A_297 = arith.constant 0 : i32
    %dma_start3A_298 = arith.constant 0 : i32
    %dma_start3A_299 = arith.constant 0 : i32
    %dma_start3A_300 = tpu.memref_slice %arg11[%dma_start3A_298, %dma_start3A_299] : memref<128x128xf32, #tpu.memory_space<vmem>> -> memref<125x128xf32, #tpu.memory_space<vmem>>
    %dma_start3A_301 = arith.constant 0 : i32
    %dma_start3A_302 = tpu.memref_slice %arg9[%dma_start3A_297, %dma_start3A_301] : memref<40x125xi32, #tpu.memory_space<vmem>> -> memref<1x125xi32, #tpu.memory_space<vmem>>
    %dma_start3A_303 = tpu.memref_squeeze %dma_start3A_302 : memref<1x125xi32, #tpu.memory_space<vmem>> -> memref<125xi32, #tpu.memory_space<vmem>>
    %dma_start3A_304 = arith.constant 0 : i32
    %dma_start3A_305 = arith.constant 0 : i32
    %dma_start3A_306 = tpu.memref_slice %arg2[%dma_start3A_304, %dma_start3A_305] : memref<10000x128xf32, #tpu.memory_space<hbm>> -> memref<10000x128xf32, #tpu.memory_space<hbm>>
    tpu.enqueue_indirect_dma source(%dma_start3A_306 : memref<10000x128xf32, #tpu.memory_space<hbm>>) target(%dma_start3A_300 : memref<125x128xf32, #tpu.memory_space<vmem>>) offsets(%dma_start3A_303 : memref<125xi32, #tpu.memory_space<vmem>>) semaphore(%arg17 : memref<!tpu.dma_semaphore, #tpu.memory_space<semaphore_mem>>)
    %dma_start3A_307 = arith.constant 1 : i32
    %dma_start3A_308 = arith.constant 0 : i32
    %dma_start3A_309 = arith.constant 0 : i32
    %dma_start3A_310 = tpu.memref_slice %arg12[%dma_start3A_308, %dma_start3A_309] : memref<128x128xf32, #tpu.memory_space<vmem>> -> memref<125x128xf32, #tpu.memory_space<vmem>>
    %dma_start3A_311 = arith.constant 0 : i32
    %dma_start3A_312 = tpu.memref_slice %arg9[%dma_start3A_307, %dma_start3A_311] : memref<40x125xi32, #tpu.memory_space<vmem>> -> memref<1x125xi32, #tpu.memory_space<vmem>>
    %dma_start3A_313 = tpu.memref_squeeze %dma_start3A_312 : memref<1x125xi32, #tpu.memory_space<vmem>> -> memref<125xi32, #tpu.memory_space<vmem>>
    %dma_start3A_314 = arith.constant 0 : i32
    %dma_start3A_315 = arith.constant 0 : i32
    %dma_start3A_316 = tpu.memref_slice %arg2[%dma_start3A_314, %dma_start3A_315] : memref<10000x128xf32, #tpu.memory_space<hbm>> -> memref<10000x128xf32, #tpu.memory_space<hbm>>
    tpu.enqueue_indirect_dma source(%dma_start3A_316 : memref<10000x128xf32, #tpu.memory_space<hbm>>) target(%dma_start3A_310 : memref<125x128xf32, #tpu.memory_space<vmem>>) offsets(%dma_start3A_313 : memref<125xi32, #tpu.memory_space<vmem>>) semaphore(%arg18 : memref<!tpu.dma_semaphore, #tpu.memory_space<semaphore_mem>>)
    %scan3A_317 = arith.constant 0 : i32
    %scan3A_318 = arith.constant 0 : i32
    %scan3A_319 = arith.constant 20 : i32
    %scan3A_320 = arith.addi %scan3A_318, %scan3A_319 : i32
    %scan3A_321 = arith.constant 1 : i32
    %scan3A_322 = scf.for %scan3A_364 = %scan3A_318 to %scan3A_320 step %scan3A_321 iter_args(%scan3A_365 = %scan3A_317) -> (i32)  : i32 {
      %mul3A_366 = arith.constant 2 : i32
      %mul3A_367 = arith.muli %mul3A_366, %scan3A_364 : i32
      %dma_wait3A_368 = arith.constant 0 : i32
      %dma_wait3A_369 = arith.constant 0 : i32
      %dma_wait3A_370 = tpu.memref_slice %arg11[%dma_wait3A_368, %dma_wait3A_369] : memref<128x128xf32, #tpu.memory_space<vmem>> -> memref<125x128xf32, #tpu.memory_space<vmem>>
      %dma_wait3A_371 = arith.constant 0 : i32
      %dma_wait3A_372 = tpu.memref_slice %arg9[%mul3A_367, %dma_wait3A_371] : memref<40x125xi32, #tpu.memory_space<vmem>> -> memref<1x125xi32, #tpu.memory_space<vmem>>
      %dma_wait3A_373 = tpu.memref_squeeze %dma_wait3A_372 : memref<1x125xi32, #tpu.memory_space<vmem>> -> memref<125xi32, #tpu.memory_space<vmem>>
      %dma_wait3A_374 = arith.constant 0 : i32
      %dma_wait3A_375 = arith.constant 0 : i32
      %dma_wait3A_376 = tpu.memref_slice %arg2[%dma_wait3A_374, %dma_wait3A_375] : memref<10000x128xf32, #tpu.memory_space<hbm>> -> memref<10000x128xf32, #tpu.memory_space<hbm>>
      tpu.wait_indirect_dma semaphore(%arg17 : memref<!tpu.dma_semaphore, #tpu.memory_space<semaphore_mem>>) src(%dma_wait3A_376 : memref<10000x128xf32, #tpu.memory_space<hbm>>) dst(%dma_wait3A_370 : memref<125x128xf32, #tpu.memory_space<vmem>>)
      %add3A_377 = arith.constant 40 : i32
      %add3A_378 = arith.addi %add3A_377, %mul3A_367 : i32
      "tpu.region"() ({
        %run_scoped3A = tpu.sem_alloc : memref<!tpu.dma_semaphore, #tpu.memory_space<semaphore_mem>>
        %dma_start3A_409 = arith.constant 0 : i32
        %dma_start3A_410 = arith.constant 0 : i32
        %dma_start3A_411 = tpu.memref_slice %arg11[%dma_start3A_409, %dma_start3A_410] : memref<128x128xf32, #tpu.memory_space<vmem>> -> memref<125x128xf32, #tpu.memory_space<vmem>>
        %dma_start3A_412 = arith.constant 0 : i32
        %dma_start3A_413 = tpu.memref_slice %arg10[%add3A_378, %dma_start3A_412] : memref<80x125xi32, #tpu.memory_space<vmem>> -> memref<1x125xi32, #tpu.memory_space<vmem>>
        %dma_start3A_414 = tpu.memref_squeeze %dma_start3A_413 : memref<1x125xi32, #tpu.memory_space<vmem>> -> memref<125xi32, #tpu.memory_space<vmem>>
        %dma_start3A_415 = arith.constant 0 : i32
        %dma_start3A_416 = arith.constant 0 : i32
        %dma_start3A_417 = tpu.memref_slice %arg16[%dma_start3A_415, %dma_start3A_416] : memref<10000x128xf32, #tpu.memory_space<vmem_shared>> -> memref<10000x128xf32, #tpu.memory_space<vmem_shared>>
        tpu.enqueue_indirect_dma source(%dma_start3A_411 : memref<125x128xf32, #tpu.memory_space<vmem>>) target(%dma_start3A_417 : memref<10000x128xf32, #tpu.memory_space<vmem_shared>>) offsets(%dma_start3A_414 : memref<125xi32, #tpu.memory_space<vmem>>) semaphore(%run_scoped3A : memref<!tpu.dma_semaphore, #tpu.memory_space<semaphore_mem>>) {add = true}
        %dma_wait3A_418 = arith.constant 0 : i32
        %dma_wait3A_419 = arith.constant 0 : i32
        %dma_wait3A_420 = tpu.memref_slice %arg11[%dma_wait3A_418, %dma_wait3A_419] : memref<128x128xf32, #tpu.memory_space<vmem>> -> memref<125x128xf32, #tpu.memory_space<vmem>>
        %dma_wait3A_421 = arith.constant 0 : i32
        %dma_wait3A_422 = tpu.memref_slice %arg10[%add3A_378, %dma_wait3A_421] : memref<80x125xi32, #tpu.memory_space<vmem>> -> memref<1x125xi32, #tpu.memory_space<vmem>>
        %dma_wait3A_423 = tpu.memref_squeeze %dma_wait3A_422 : memref<1x125xi32, #tpu.memory_space<vmem>> -> memref<125xi32, #tpu.memory_space<vmem>>
        %dma_wait3A_424 = arith.constant 0 : i32
        %dma_wait3A_425 = arith.constant 0 : i32
        %dma_wait3A_426 = tpu.memref_slice %arg16[%dma_wait3A_424, %dma_wait3A_425] : memref<10000x128xf32, #tpu.memory_space<vmem_shared>> -> memref<10000x128xf32, #tpu.memory_space<vmem_shared>>
        tpu.wait_indirect_dma semaphore(%run_scoped3A : memref<!tpu.dma_semaphore, #tpu.memory_space<semaphore_mem>>) src(%dma_wait3A_420 : memref<125x128xf32, #tpu.memory_space<vmem>>) dst(%dma_wait3A_426 : memref<10000x128xf32, #tpu.memory_space<vmem_shared>>)
        tpu.yield
      }) : () -> ()
      %add3A_379 = arith.constant 2 : i32
      %add3A_380 = arith.addi %mul3A_367, %add3A_379 : i32
      %lt3A_381 = arith.constant 40 : i32
      %lt3A_382 = arith.cmpi slt, %add3A_380, %lt3A_381 : i32
      %convert_element_type3A_383 = arith.extui %lt3A_382 : i1 to i32
      %cond3A_384 = arith.constant 0 : i32
      %cond3A_385 = arith.cmpi ne, %convert_element_type3A_383, %cond3A_384 : i32
      scf.if %cond3A_385 {
        %add3A_409 = arith.constant 2 : i32
        %add3A_410 = arith.addi %mul3A_367, %add3A_409 : i32
        %dma_start3A_411 = arith.constant 0 : i32
        %dma_start3A_412 = arith.constant 0 : i32
        %dma_start3A_413 = tpu.memref_slice %arg11[%dma_start3A_411, %dma_start3A_412] : memref<128x128xf32, #tpu.memory_space<vmem>> -> memref<125x128xf32, #tpu.memory_space<vmem>>
        %dma_start3A_414 = arith.constant 0 : i32
        %dma_start3A_415 = tpu.memref_slice %arg9[%add3A_410, %dma_start3A_414] : memref<40x125xi32, #tpu.memory_space<vmem>> -> memref<1x125xi32, #tpu.memory_space<vmem>>
        %dma_start3A_416 = tpu.memref_squeeze %dma_start3A_415 : memref<1x125xi32, #tpu.memory_space<vmem>> -> memref<125xi32, #tpu.memory_space<vmem>>
        %dma_start3A_417 = arith.constant 0 : i32
        %dma_start3A_418 = arith.constant 0 : i32
        %dma_start3A_419 = tpu.memref_slice %arg2[%dma_start3A_417, %dma_start3A_418] : memref<10000x128xf32, #tpu.memory_space<hbm>> -> memref<10000x128xf32, #tpu.memory_space<hbm>>
        tpu.enqueue_indirect_dma source(%dma_start3A_419 : memref<10000x128xf32, #tpu.memory_space<hbm>>) target(%dma_start3A_413 : memref<125x128xf32, #tpu.memory_space<vmem>>) offsets(%dma_start3A_416 : memref<125xi32, #tpu.memory_space<vmem>>) semaphore(%arg17 : memref<!tpu.dma_semaphore, #tpu.memory_space<semaphore_mem>>)
      } else {
      }
      %add3A_386 = arith.constant 1 : i32
      %add3A_387 = arith.addi %mul3A_367, %add3A_386 : i32
      %dma_wait3A_388 = arith.constant 0 : i32
      %dma_wait3A_389 = arith.constant 0 : i32
      %dma_wait3A_390 = tpu.memref_slice %arg12[%dma_wait3A_388, %dma_wait3A_389] : memref<128x128xf32, #tpu.memory_space<vmem>> -> memref<125x128xf32, #tpu.memory_space<vmem>>
      %dma_wait3A_391 = arith.constant 0 : i32
      %dma_wait3A_392 = tpu.memref_slice %arg9[%add3A_387, %dma_wait3A_391] : memref<40x125xi32, #tpu.memory_space<vmem>> -> memref<1x125xi32, #tpu.memory_space<vmem>>
      %dma_wait3A_393 = tpu.memref_squeeze %dma_wait3A_392 : memref<1x125xi32, #tpu.memory_space<vmem>> -> memref<125xi32, #tpu.memory_space<vmem>>
      %dma_wait3A_394 = arith.constant 0 : i32
      %dma_wait3A_395 = arith.constant 0 : i32
      %dma_wait3A_396 = tpu.memref_slice %arg2[%dma_wait3A_394, %dma_wait3A_395] : memref<10000x128xf32, #tpu.memory_space<hbm>> -> memref<10000x128xf32, #tpu.memory_space<hbm>>
      tpu.wait_indirect_dma semaphore(%arg18 : memref<!tpu.dma_semaphore, #tpu.memory_space<semaphore_mem>>) src(%dma_wait3A_396 : memref<10000x128xf32, #tpu.memory_space<hbm>>) dst(%dma_wait3A_390 : memref<125x128xf32, #tpu.memory_space<vmem>>)
      %add3A_397 = arith.constant 40 : i32
      %add3A_398 = arith.addi %add3A_397, %mul3A_367 : i32
      %add3A_399 = arith.constant 1 : i32
      %add3A_400 = arith.addi %add3A_398, %add3A_399 : i32
      "tpu.region"() ({
        %run_scoped3A = tpu.sem_alloc : memref<!tpu.dma_semaphore, #tpu.memory_space<semaphore_mem>>
        %dma_start3A_409 = arith.constant 0 : i32
        %dma_start3A_410 = arith.constant 0 : i32
        %dma_start3A_411 = tpu.memref_slice %arg12[%dma_start3A_409, %dma_start3A_410] : memref<128x128xf32, #tpu.memory_space<vmem>> -> memref<125x128xf32, #tpu.memory_space<vmem>>
        %dma_start3A_412 = arith.constant 0 : i32
        %dma_start3A_413 = tpu.memref_slice %arg10[%add3A_400, %dma_start3A_412] : memref<80x125xi32, #tpu.memory_space<vmem>> -> memref<1x125xi32, #tpu.memory_space<vmem>>
        %dma_start3A_414 = tpu.memref_squeeze %dma_start3A_413 : memref<1x125xi32, #tpu.memory_space<vmem>> -> memref<125xi32, #tpu.memory_space<vmem>>
        %dma_start3A_415 = arith.constant 0 : i32
        %dma_start3A_416 = arith.constant 0 : i32
        %dma_start3A_417 = tpu.memref_slice %arg16[%dma_start3A_415, %dma_start3A_416] : memref<10000x128xf32, #tpu.memory_space<vmem_shared>> -> memref<10000x128xf32, #tpu.memory_space<vmem_shared>>
        tpu.enqueue_indirect_dma source(%dma_start3A_411 : memref<125x128xf32, #tpu.memory_space<vmem>>) target(%dma_start3A_417 : memref<10000x128xf32, #tpu.memory_space<vmem_shared>>) offsets(%dma_start3A_414 : memref<125xi32, #tpu.memory_space<vmem>>) semaphore(%run_scoped3A : memref<!tpu.dma_semaphore, #tpu.memory_space<semaphore_mem>>) {add = true}
        %dma_wait3A_418 = arith.constant 0 : i32
        %dma_wait3A_419 = arith.constant 0 : i32
        %dma_wait3A_420 = tpu.memref_slice %arg12[%dma_wait3A_418, %dma_wait3A_419] : memref<128x128xf32, #tpu.memory_space<vmem>> -> memref<125x128xf32, #tpu.memory_space<vmem>>
        %dma_wait3A_421 = arith.constant 0 : i32
        %dma_wait3A_422 = tpu.memref_slice %arg10[%add3A_400, %dma_wait3A_421] : memref<80x125xi32, #tpu.memory_space<vmem>> -> memref<1x125xi32, #tpu.memory_space<vmem>>
        %dma_wait3A_423 = tpu.memref_squeeze %dma_wait3A_422 : memref<1x125xi32, #tpu.memory_space<vmem>> -> memref<125xi32, #tpu.memory_space<vmem>>
        %dma_wait3A_424 = arith.constant 0 : i32
        %dma_wait3A_425 = arith.constant 0 : i32
        %dma_wait3A_426 = tpu.memref_slice %arg16[%dma_wait3A_424, %dma_wait3A_425] : memref<10000x128xf32, #tpu.memory_space<vmem_shared>> -> memref<10000x128xf32, #tpu.memory_space<vmem_shared>>
        tpu.wait_indirect_dma semaphore(%run_scoped3A : memref<!tpu.dma_semaphore, #tpu.memory_space<semaphore_mem>>) src(%dma_wait3A_420 : memref<125x128xf32, #tpu.memory_space<vmem>>) dst(%dma_wait3A_426 : memref<10000x128xf32, #tpu.memory_space<vmem_shared>>)
        tpu.yield
      }) : () -> ()
      %add3A_401 = arith.constant 3 : i32
      %add3A_402 = arith.addi %mul3A_367, %add3A_401 : i32
      %lt3A_403 = arith.constant 40 : i32
      %lt3A_404 = arith.cmpi slt, %add3A_402, %lt3A_403 : i32
      %convert_element_type3A_405 = arith.extui %lt3A_404 : i1 to i32
      %cond3A_406 = arith.constant 0 : i32
      %cond3A_407 = arith.cmpi ne, %convert_element_type3A_405, %cond3A_406 : i32
      scf.if %cond3A_407 {
        %add3A_409 = arith.constant 3 : i32
        %add3A_410 = arith.addi %mul3A_367, %add3A_409 : i32
        %dma_start3A_411 = arith.constant 0 : i32
        %dma_start3A_412 = arith.constant 0 : i32
        %dma_start3A_413 = tpu.memref_slice %arg12[%dma_start3A_411, %dma_start3A_412] : memref<128x128xf32, #tpu.memory_space<vmem>> -> memref<125x128xf32, #tpu.memory_space<vmem>>
        %dma_start3A_414 = arith.constant 0 : i32
        %dma_start3A_415 = tpu.memref_slice %arg9[%add3A_410, %dma_start3A_414] : memref<40x125xi32, #tpu.memory_space<vmem>> -> memref<1x125xi32, #tpu.memory_space<vmem>>
        %dma_start3A_416 = tpu.memref_squeeze %dma_start3A_415 : memref<1x125xi32, #tpu.memory_space<vmem>> -> memref<125xi32, #tpu.memory_space<vmem>>
        %dma_start3A_417 = arith.constant 0 : i32
        %dma_start3A_418 = arith.constant 0 : i32
        %dma_start3A_419 = tpu.memref_slice %arg2[%dma_start3A_417, %dma_start3A_418] : memref<10000x128xf32, #tpu.memory_space<hbm>> -> memref<10000x128xf32, #tpu.memory_space<hbm>>
        tpu.enqueue_indirect_dma source(%dma_start3A_419 : memref<10000x128xf32, #tpu.memory_space<hbm>>) target(%dma_start3A_413 : memref<125x128xf32, #tpu.memory_space<vmem>>) offsets(%dma_start3A_416 : memref<125xi32, #tpu.memory_space<vmem>>) semaphore(%arg18 : memref<!tpu.dma_semaphore, #tpu.memory_space<semaphore_mem>>)
      } else {
      }
      %scan3A_408 = arith.constant 0 : i32
      scf.yield %scan3A_408 : i32
    }
    %scan3A_323 = arith.constant 20 : i32
    %barrier3A_324 = arith.constant 0 : index
    tpu.barrier barrier_id(%barrier3A_324)
    %dma_start3A_325 = arith.constant 0 : i32
    %dma_start3A_326 = arith.constant 0 : i32
    %dma_start3A_327 = tpu.memref_slice %arg14[%dma_start3A_325, %dma_start3A_326] : memref<2x128xi32, #tpu.memory_space<vmem>> -> memref<1x128xi32, #tpu.memory_space<vmem>>
    %dma_start3A_328 = tpu.memref_squeeze %dma_start3A_327 : memref<1x128xi32, #tpu.memory_space<vmem>> -> memref<128xi32, #tpu.memory_space<vmem>>
    %dma_start3A_329 = arith.constant 0 : i32
    %dma_start3A_330 = arith.constant 0 : i32
    %dma_start3A_331 = tpu.memref_slice %arg16[%dma_start3A_329, %dma_start3A_330] : memref<10000x128xf32, #tpu.memory_space<vmem_shared>> -> memref<10000x128xf32, #tpu.memory_space<vmem_shared>>
    tpu.enqueue_indirect_dma source(%dma_start3A_331 : memref<10000x128xf32, #tpu.memory_space<vmem_shared>>) target(%arg11 : memref<128x128xf32, #tpu.memory_space<vmem>>) offsets(%dma_start3A_328 : memref<128xi32, #tpu.memory_space<vmem>>) semaphore(%arg17 : memref<!tpu.dma_semaphore, #tpu.memory_space<semaphore_mem>>)
    %dma_wait3A = arith.constant 0 : i32
    %dma_wait3A_332 = arith.constant 0 : i32
    %dma_wait3A_333 = tpu.memref_slice %arg14[%dma_wait3A, %dma_wait3A_332] : memref<2x128xi32, #tpu.memory_space<vmem>> -> memref<1x128xi32, #tpu.memory_space<vmem>>
    %dma_wait3A_334 = tpu.memref_squeeze %dma_wait3A_333 : memref<1x128xi32, #tpu.memory_space<vmem>> -> memref<128xi32, #tpu.memory_space<vmem>>
    %dma_wait3A_335 = arith.constant 0 : i32
    %dma_wait3A_336 = arith.constant 0 : i32
    %dma_wait3A_337 = tpu.memref_slice %arg16[%dma_wait3A_335, %dma_wait3A_336] : memref<10000x128xf32, #tpu.memory_space<vmem_shared>> -> memref<10000x128xf32, #tpu.memory_space<vmem_shared>>
    tpu.wait_indirect_dma semaphore(%arg17 : memref<!tpu.dma_semaphore, #tpu.memory_space<semaphore_mem>>) src(%dma_wait3A_337 : memref<10000x128xf32, #tpu.memory_space<vmem_shared>>) dst(%arg11 : memref<128x128xf32, #tpu.memory_space<vmem>>)
    %mul3A_338 = arith.constant 256 : i32
    %mul3A_339 = arith.muli %arg1, %mul3A_338 : i32
    %add3A_340 = arith.constant 0 : i32
    %add3A_341 = arith.addi %mul3A_339, %add3A_340 : i32
    "tpu.region"() ({
      %run_scoped3A = tpu.sem_alloc : memref<!tpu.dma_semaphore, #tpu.memory_space<semaphore_mem>>
      %dma_start3A_364 = arith.constant 0 : i32
      %dma_start3A_365 = tpu.memref_slice %arg7[%arg0, %add3A_341, %dma_start3A_364] : memref<2x4096x128xf32, #tpu.memory_space<hbm>> -> memref<1x128x128xf32, #tpu.memory_space<hbm>>
      %dma_start3A_366 = tpu.memref_squeeze %dma_start3A_365 : memref<1x128x128xf32, #tpu.memory_space<hbm>> -> memref<128x128xf32, #tpu.memory_space<hbm>>
      %dma_start3A_367 = arith.constant 0 : i32
      %dma_start3A_368 = tpu.memref_slice %arg7[%arg0, %add3A_341, %dma_start3A_367] : memref<2x4096x128xf32, #tpu.memory_space<hbm>> -> memref<1x128x128xf32, #tpu.memory_space<hbm>>
      %dma_start3A_369 = tpu.memref_squeeze %dma_start3A_368 : memref<1x128x128xf32, #tpu.memory_space<hbm>> -> memref<128x128xf32, #tpu.memory_space<hbm>>
      tpu.enqueue_dma source(%arg11 : memref<128x128xf32, #tpu.memory_space<vmem>>) target(%dma_start3A_369 : memref<128x128xf32, #tpu.memory_space<hbm>>) target_semaphore(%run_scoped3A : memref<!tpu.dma_semaphore, #tpu.memory_space<semaphore_mem>>)
      %dma_wait3A_370 = arith.constant 0 : i32
      %dma_wait3A_371 = tpu.memref_slice %arg7[%arg0, %add3A_341, %dma_wait3A_370] : memref<2x4096x128xf32, #tpu.memory_space<hbm>> -> memref<1x128x128xf32, #tpu.memory_space<hbm>>
      %dma_wait3A_372 = tpu.memref_squeeze %dma_wait3A_371 : memref<1x128x128xf32, #tpu.memory_space<hbm>> -> memref<128x128xf32, #tpu.memory_space<hbm>>
      %dma_wait3A_373 = arith.constant 0 : i32
      %dma_wait3A_374 = tpu.memref_slice %arg7[%arg0, %add3A_341, %dma_wait3A_373] : memref<2x4096x128xf32, #tpu.memory_space<hbm>> -> memref<1x128x128xf32, #tpu.memory_space<hbm>>
      %dma_wait3A_375 = tpu.memref_squeeze %dma_wait3A_374 : memref<1x128x128xf32, #tpu.memory_space<hbm>> -> memref<128x128xf32, #tpu.memory_space<hbm>>
      tpu.wait_dma2 semaphore(%run_scoped3A : memref<!tpu.dma_semaphore, #tpu.memory_space<semaphore_mem>>) src(%arg11 : memref<128x128xf32, #tpu.memory_space<vmem>>) dst(%dma_wait3A_375 : memref<128x128xf32, #tpu.memory_space<hbm>>)
      tpu.yield
    }) : () -> ()
    %dma_start3A_342 = arith.constant 1 : i32
    %dma_start3A_343 = arith.constant 0 : i32
    %dma_start3A_344 = tpu.memref_slice %arg14[%dma_start3A_342, %dma_start3A_343] : memref<2x128xi32, #tpu.memory_space<vmem>> -> memref<1x128xi32, #tpu.memory_space<vmem>>
    %dma_start3A_345 = tpu.memref_squeeze %dma_start3A_344 : memref<1x128xi32, #tpu.memory_space<vmem>> -> memref<128xi32, #tpu.memory_space<vmem>>
    %dma_start3A_346 = arith.constant 0 : i32
    %dma_start3A_347 = arith.constant 0 : i32
    %dma_start3A_348 = tpu.memref_slice %arg16[%dma_start3A_346, %dma_start3A_347] : memref<10000x128xf32, #tpu.memory_space<vmem_shared>> -> memref<10000x128xf32, #tpu.memory_space<vmem_shared>>
    tpu.enqueue_indirect_dma source(%dma_start3A_348 : memref<10000x128xf32, #tpu.memory_space<vmem_shared>>) target(%arg11 : memref<128x128xf32, #tpu.memory_space<vmem>>) offsets(%dma_start3A_345 : memref<128xi32, #tpu.memory_space<vmem>>) semaphore(%arg17 : memref<!tpu.dma_semaphore, #tpu.memory_space<semaphore_mem>>)
    %dma_wait3A_349 = arith.constant 1 : i32
    %dma_wait3A_350 = arith.constant 0 : i32
    %dma_wait3A_351 = tpu.memref_slice %arg14[%dma_wait3A_349, %dma_wait3A_350] : memref<2x128xi32, #tpu.memory_space<vmem>> -> memref<1x128xi32, #tpu.memory_space<vmem>>
    %dma_wait3A_352 = tpu.memref_squeeze %dma_wait3A_351 : memref<1x128xi32, #tpu.memory_space<vmem>> -> memref<128xi32, #tpu.memory_space<vmem>>
    %dma_wait3A_353 = arith.constant 0 : i32
    %dma_wait3A_354 = arith.constant 0 : i32
    %dma_wait3A_355 = tpu.memref_slice %arg16[%dma_wait3A_353, %dma_wait3A_354] : memref<10000x128xf32, #tpu.memory_space<vmem_shared>> -> memref<10000x128xf32, #tpu.memory_space<vmem_shared>>
    tpu.wait_indirect_dma semaphore(%arg17 : memref<!tpu.dma_semaphore, #tpu.memory_space<semaphore_mem>>) src(%dma_wait3A_355 : memref<10000x128xf32, #tpu.memory_space<vmem_shared>>) dst(%arg11 : memref<128x128xf32, #tpu.memory_space<vmem>>)
    %mul3A_356 = arith.constant 256 : i32
    %mul3A_357 = arith.muli %arg1, %mul3A_356 : i32
    %add3A_358 = arith.constant 128 : i32
    %add3A_359 = arith.addi %mul3A_357, %add3A_358 : i32
    "tpu.region"() ({
      %run_scoped3A = tpu.sem_alloc : memref<!tpu.dma_semaphore, #tpu.memory_space<semaphore_mem>>
      %dma_start3A_364 = arith.constant 0 : i32
      %dma_start3A_365 = tpu.memref_slice %arg7[%arg0, %add3A_359, %dma_start3A_364] : memref<2x4096x128xf32, #tpu.memory_space<hbm>> -> memref<1x128x128xf32, #tpu.memory_space<hbm>>
      %dma_start3A_366 = tpu.memref_squeeze %dma_start3A_365 : memref<1x128x128xf32, #tpu.memory_space<hbm>> -> memref<128x128xf32, #tpu.memory_space<hbm>>
      %dma_start3A_367 = arith.constant 0 : i32
      %dma_start3A_368 = tpu.memref_slice %arg7[%arg0, %add3A_359, %dma_start3A_367] : memref<2x4096x128xf32, #tpu.memory_space<hbm>> -> memref<1x128x128xf32, #tpu.memory_space<hbm>>
      %dma_start3A_369 = tpu.memref_squeeze %dma_start3A_368 : memref<1x128x128xf32, #tpu.memory_space<hbm>> -> memref<128x128xf32, #tpu.memory_space<hbm>>
      tpu.enqueue_dma source(%arg11 : memref<128x128xf32, #tpu.memory_space<vmem>>) target(%dma_start3A_369 : memref<128x128xf32, #tpu.memory_space<hbm>>) target_semaphore(%run_scoped3A : memref<!tpu.dma_semaphore, #tpu.memory_space<semaphore_mem>>)
      %dma_wait3A_370 = arith.constant 0 : i32
      %dma_wait3A_371 = tpu.memref_slice %arg7[%arg0, %add3A_359, %dma_wait3A_370] : memref<2x4096x128xf32, #tpu.memory_space<hbm>> -> memref<1x128x128xf32, #tpu.memory_space<hbm>>
      %dma_wait3A_372 = tpu.memref_squeeze %dma_wait3A_371 : memref<1x128x128xf32, #tpu.memory_space<hbm>> -> memref<128x128xf32, #tpu.memory_space<hbm>>
      %dma_wait3A_373 = arith.constant 0 : i32
      %dma_wait3A_374 = tpu.memref_slice %arg7[%arg0, %add3A_359, %dma_wait3A_373] : memref<2x4096x128xf32, #tpu.memory_space<hbm>> -> memref<1x128x128xf32, #tpu.memory_space<hbm>>
      %dma_wait3A_375 = tpu.memref_squeeze %dma_wait3A_374 : memref<1x128x128xf32, #tpu.memory_space<hbm>> -> memref<128x128xf32, #tpu.memory_space<hbm>>
      tpu.wait_dma2 semaphore(%run_scoped3A : memref<!tpu.dma_semaphore, #tpu.memory_space<semaphore_mem>>) src(%arg11 : memref<128x128xf32, #tpu.memory_space<vmem>>) dst(%dma_wait3A_375 : memref<128x128xf32, #tpu.memory_space<hbm>>)
      tpu.yield
    }) : () -> ()
    %eq3A = arith.constant 0 : i32
    %eq3A_360 = arith.cmpi eq, %arg0, %eq3A : i32
    %convert_element_type3A_361 = arith.extui %eq3A_360 : i1 to i32
    %cond3A_362 = arith.constant 0 : i32
    %cond3A_363 = arith.cmpi ne, %convert_element_type3A_361, %cond3A_362 : i32
    scf.if %cond3A_363 {
      %dma_start3A_364 = arith.constant 0 : i32
      %dma_start3A_365 = arith.constant 0 : i32
      %dma_start3A_366 = tpu.memref_slice %arg14[%dma_start3A_364, %dma_start3A_365] : memref<2x128xi32, #tpu.memory_space<vmem>> -> memref<1x128xi32, #tpu.memory_space<vmem>>
      %dma_start3A_367 = tpu.memref_squeeze %dma_start3A_366 : memref<1x128xi32, #tpu.memory_space<vmem>> -> memref<128xi32, #tpu.memory_space<vmem>>
      %dma_start3A_368 = arith.constant 0 : i32
      %dma_start3A_369 = tpu.memref_slice %arg6[%dma_start3A_368] : memref<10000xf32, #tpu.memory_space<hbm>> -> memref<10000xf32, #tpu.memory_space<hbm>>
      tpu.enqueue_indirect_dma source(%dma_start3A_369 : memref<10000xf32, #tpu.memory_space<hbm>>) target(%arg15 : memref<128xf32, #tpu.memory_space<vmem>>) offsets(%dma_start3A_367 : memref<128xi32, #tpu.memory_space<vmem>>) semaphore(%arg18 : memref<!tpu.dma_semaphore, #tpu.memory_space<semaphore_mem>>)
      %dma_wait3A_370 = arith.constant 0 : i32
      %dma_wait3A_371 = arith.constant 0 : i32
      %dma_wait3A_372 = tpu.memref_slice %arg14[%dma_wait3A_370, %dma_wait3A_371] : memref<2x128xi32, #tpu.memory_space<vmem>> -> memref<1x128xi32, #tpu.memory_space<vmem>>
      %dma_wait3A_373 = tpu.memref_squeeze %dma_wait3A_372 : memref<1x128xi32, #tpu.memory_space<vmem>> -> memref<128xi32, #tpu.memory_space<vmem>>
      %dma_wait3A_374 = arith.constant 0 : i32
      %dma_wait3A_375 = tpu.memref_slice %arg6[%dma_wait3A_374] : memref<10000xf32, #tpu.memory_space<hbm>> -> memref<10000xf32, #tpu.memory_space<hbm>>
      tpu.wait_indirect_dma semaphore(%arg18 : memref<!tpu.dma_semaphore, #tpu.memory_space<semaphore_mem>>) src(%dma_wait3A_375 : memref<10000xf32, #tpu.memory_space<hbm>>) dst(%arg15 : memref<128xf32, #tpu.memory_space<vmem>>)
      %mul3A_376 = arith.constant 256 : i32
      %mul3A_377 = arith.muli %arg1, %mul3A_376 : i32
      %add3A_378 = arith.constant 0 : i32
      %add3A_379 = arith.addi %mul3A_377, %add3A_378 : i32
      "tpu.region"() ({
        %run_scoped3A = tpu.sem_alloc : memref<!tpu.dma_semaphore, #tpu.memory_space<semaphore_mem>>
        %dma_start3A_396 = tpu.memref_slice %arg8[%add3A_379] : memref<4096xf32, #tpu.memory_space<hbm>> -> memref<128xf32, #tpu.memory_space<hbm>>
        %dma_start3A_397 = tpu.memref_slice %arg8[%add3A_379] : memref<4096xf32, #tpu.memory_space<hbm>> -> memref<128xf32, #tpu.memory_space<hbm>>
        tpu.enqueue_dma source(%arg15 : memref<128xf32, #tpu.memory_space<vmem>>) target(%dma_start3A_397 : memref<128xf32, #tpu.memory_space<hbm>>) target_semaphore(%run_scoped3A : memref<!tpu.dma_semaphore, #tpu.memory_space<semaphore_mem>>)
        %dma_wait3A_398 = tpu.memref_slice %arg8[%add3A_379] : memref<4096xf32, #tpu.memory_space<hbm>> -> memref<128xf32, #tpu.memory_space<hbm>>
        %dma_wait3A_399 = tpu.memref_slice %arg8[%add3A_379] : memref<4096xf32, #tpu.memory_space<hbm>> -> memref<128xf32, #tpu.memory_space<hbm>>
        tpu.wait_dma2 semaphore(%run_scoped3A : memref<!tpu.dma_semaphore, #tpu.memory_space<semaphore_mem>>) src(%arg15 : memref<128xf32, #tpu.memory_space<vmem>>) dst(%dma_wait3A_399 : memref<128xf32, #tpu.memory_space<hbm>>)
        tpu.yield
      }) : () -> ()
      %dma_start3A_380 = arith.constant 1 : i32
      %dma_start3A_381 = arith.constant 0 : i32
      %dma_start3A_382 = tpu.memref_slice %arg14[%dma_start3A_380, %dma_start3A_381] : memref<2x128xi32, #tpu.memory_space<vmem>> -> memref<1x128xi32, #tpu.memory_space<vmem>>
      %dma_start3A_383 = tpu.memref_squeeze %dma_start3A_382 : memref<1x128xi32, #tpu.memory_space<vmem>> -> memref<128xi32, #tpu.memory_space<vmem>>
      %dma_start3A_384 = arith.constant 0 : i32
      %dma_start3A_385 = tpu.memref_slice %arg6[%dma_start3A_384] : memref<10000xf32, #tpu.memory_space<hbm>> -> memref<10000xf32, #tpu.memory_space<hbm>>
      tpu.enqueue_indirect_dma source(%dma_start3A_385 : memref<10000xf32, #tpu.memory_space<hbm>>) target(%arg15 : memref<128xf32, #tpu.memory_space<vmem>>) offsets(%dma_start3A_383 : memref<128xi32, #tpu.memory_space<vmem>>) semaphore(%arg18 : memref<!tpu.dma_semaphore, #tpu.memory_space<semaphore_mem>>)
      %dma_wait3A_386 = arith.constant 1 : i32
      %dma_wait3A_387 = arith.constant 0 : i32
      %dma_wait3A_388 = tpu.memref_slice %arg14[%dma_wait3A_386, %dma_wait3A_387] : memref<2x128xi32, #tpu.memory_space<vmem>> -> memref<1x128xi32, #tpu.memory_space<vmem>>
      %dma_wait3A_389 = tpu.memref_squeeze %dma_wait3A_388 : memref<1x128xi32, #tpu.memory_space<vmem>> -> memref<128xi32, #tpu.memory_space<vmem>>
      %dma_wait3A_390 = arith.constant 0 : i32
      %dma_wait3A_391 = tpu.memref_slice %arg6[%dma_wait3A_390] : memref<10000xf32, #tpu.memory_space<hbm>> -> memref<10000xf32, #tpu.memory_space<hbm>>
      tpu.wait_indirect_dma semaphore(%arg18 : memref<!tpu.dma_semaphore, #tpu.memory_space<semaphore_mem>>) src(%dma_wait3A_391 : memref<10000xf32, #tpu.memory_space<hbm>>) dst(%arg15 : memref<128xf32, #tpu.memory_space<vmem>>)
      %mul3A_392 = arith.constant 256 : i32
      %mul3A_393 = arith.muli %arg1, %mul3A_392 : i32
      %add3A_394 = arith.constant 128 : i32
      %add3A_395 = arith.addi %mul3A_393, %add3A_394 : i32
      "tpu.region"() ({
        %run_scoped3A = tpu.sem_alloc : memref<!tpu.dma_semaphore, #tpu.memory_space<semaphore_mem>>
        %dma_start3A_396 = tpu.memref_slice %arg8[%add3A_395] : memref<4096xf32, #tpu.memory_space<hbm>> -> memref<128xf32, #tpu.memory_space<hbm>>
        %dma_start3A_397 = tpu.memref_slice %arg8[%add3A_395] : memref<4096xf32, #tpu.memory_space<hbm>> -> memref<128xf32, #tpu.memory_space<hbm>>
        tpu.enqueue_dma source(%arg15 : memref<128xf32, #tpu.memory_space<vmem>>) target(%dma_start3A_397 : memref<128xf32, #tpu.memory_space<hbm>>) target_semaphore(%run_scoped3A : memref<!tpu.dma_semaphore, #tpu.memory_space<semaphore_mem>>)
        %dma_wait3A_398 = tpu.memref_slice %arg8[%add3A_395] : memref<4096xf32, #tpu.memory_space<hbm>> -> memref<128xf32, #tpu.memory_space<hbm>>
        %dma_wait3A_399 = tpu.memref_slice %arg8[%add3A_395] : memref<4096xf32, #tpu.memory_space<hbm>> -> memref<128xf32, #tpu.memory_space<hbm>>
        tpu.wait_dma2 semaphore(%run_scoped3A : memref<!tpu.dma_semaphore, #tpu.memory_space<semaphore_mem>>) src(%arg15 : memref<128xf32, #tpu.memory_space<vmem>>) dst(%dma_wait3A_399 : memref<128xf32, #tpu.memory_space<hbm>>)
        tpu.yield
      }) : () -> ()
    } else {
    }
    return
  }
}

#map = affine_map<(d0, d1) -> (0, 0)>
#map1 = affine_map<(d0, d1) -> (0, 0, 0)>
module attributes {stable_mosaic.version = 14 : i64} {
  func.func @_prop_kernel(%arg0: i32, %arg1: i32, %arg2: memref<10000x128xf32, #tpu.memory_space<hbm>>, %arg3: memref<32x80x125xi32, #tpu.memory_space<hbm>>, %arg4: memref<32x80x125xi32, #tpu.memory_space<hbm>>, %arg5: memref<2x10000x128xf32, #tpu.memory_space<hbm>>, %arg6: memref<40x125xi32, #tpu.memory_space<vmem>>, %arg7: memref<80x125xi32, #tpu.memory_space<vmem>>, %arg8: memref<125x128xf32, #tpu.memory_space<vmem>>, %arg9: memref<125x128xf32, #tpu.memory_space<vmem>>, %arg10: memref<10000x128xf32, #tpu.memory_space<vmem_shared>>, %arg11: memref<!tpu.dma_semaphore, #tpu.memory_space<semaphore_mem>>, %arg12: memref<!tpu.dma_semaphore, #tpu.memory_space<semaphore_mem>>) attributes {dimension_semantics = [#tpu.dimension_semantics<core_parallel>, #tpu.dimension_semantics<subcore_parallel>], iteration_bounds = array<i64: 2, 16>, scalar_prefetch = 0 : i64, scratch_operands = 7 : i64, tpu.core_type = #tpu.core_type<sc_vector_subcore>, window_params = [{transform_indices = #map}, {transform_indices = #map1}, {transform_indices = #map1}, {transform_indices = #map1}]} {
    %mul3A = arith.constant 16 : i32
    %mul3A_0 = arith.muli %arg0, %mul3A : i32
    %add3A = arith.addi %mul3A_0, %arg1 : i32
    %broadcast_in_dim3A = arith.constant 0.000000e+00 : f32
    %broadcast_in_dim3A_1 = vector.broadcast %broadcast_in_dim3A : f32 to vector<16xf32>
    %scan3A = arith.constant 0 : i32
    %scan3A_2 = arith.constant 0 : i32
    %scan3A_3 = arith.constant 125 : i32
    %scan3A_4 = arith.addi %scan3A_2, %scan3A_3 : i32
    %scan3A_5 = arith.constant 1 : i32
    %scan3A_6 = scf.for %scan3A_133 = %scan3A_2 to %scan3A_4 step %scan3A_5 iter_args(%scan3A_134 = %scan3A) -> (i32)  : i32 {
      %swap3A = arith.index_cast %scan3A_133 : i32 to index
      %swap3A_135 = arith.constant 0 : index
      %swap3A_136 = tpu.vector_load %arg8[%swap3A, %swap3A_135] {strides = array<i32>} : memref<125x128xf32, #tpu.memory_space<vmem>>, vector<1x16xf32>,
      %swap3A_137 = vector.shape_cast %swap3A_136 : vector<1x16xf32> to vector<16xf32>
      %swap3A_138 = vector.shape_cast %broadcast_in_dim3A_1 : vector<16xf32> to vector<1x16xf32>
      tpu.vector_store %arg8[%swap3A, %swap3A_135], %swap3A_138 {strides = array<i32>} : memref<125x128xf32, #tpu.memory_space<vmem>>, vector<1x16xf32>,
      %swap3A_139 = arith.index_cast %scan3A_133 : i32 to index
      %swap3A_140 = arith.constant 16 : index
      %swap3A_141 = tpu.vector_load %arg8[%swap3A_139, %swap3A_140] {strides = array<i32>} : memref<125x128xf32, #tpu.memory_space<vmem>>, vector<1x16xf32>,
      %swap3A_142 = vector.shape_cast %swap3A_141 : vector<1x16xf32> to vector<16xf32>
      %swap3A_143 = vector.shape_cast %broadcast_in_dim3A_1 : vector<16xf32> to vector<1x16xf32>
      tpu.vector_store %arg8[%swap3A_139, %swap3A_140], %swap3A_143 {strides = array<i32>} : memref<125x128xf32, #tpu.memory_space<vmem>>, vector<1x16xf32>,
      %swap3A_144 = arith.index_cast %scan3A_133 : i32 to index
      %swap3A_145 = arith.constant 32 : index
      %swap3A_146 = tpu.vector_load %arg8[%swap3A_144, %swap3A_145] {strides = array<i32>} : memref<125x128xf32, #tpu.memory_space<vmem>>, vector<1x16xf32>,
      %swap3A_147 = vector.shape_cast %swap3A_146 : vector<1x16xf32> to vector<16xf32>
      %swap3A_148 = vector.shape_cast %broadcast_in_dim3A_1 : vector<16xf32> to vector<1x16xf32>
      tpu.vector_store %arg8[%swap3A_144, %swap3A_145], %swap3A_148 {strides = array<i32>} : memref<125x128xf32, #tpu.memory_space<vmem>>, vector<1x16xf32>,
      %swap3A_149 = arith.index_cast %scan3A_133 : i32 to index
      %swap3A_150 = arith.constant 48 : index
      %swap3A_151 = tpu.vector_load %arg8[%swap3A_149, %swap3A_150] {strides = array<i32>} : memref<125x128xf32, #tpu.memory_space<vmem>>, vector<1x16xf32>,
      %swap3A_152 = vector.shape_cast %swap3A_151 : vector<1x16xf32> to vector<16xf32>
      %swap3A_153 = vector.shape_cast %broadcast_in_dim3A_1 : vector<16xf32> to vector<1x16xf32>
      tpu.vector_store %arg8[%swap3A_149, %swap3A_150], %swap3A_153 {strides = array<i32>} : memref<125x128xf32, #tpu.memory_space<vmem>>, vector<1x16xf32>,
      %swap3A_154 = arith.index_cast %scan3A_133 : i32 to index
      %swap3A_155 = arith.constant 64 : index
      %swap3A_156 = tpu.vector_load %arg8[%swap3A_154, %swap3A_155] {strides = array<i32>} : memref<125x128xf32, #tpu.memory_space<vmem>>, vector<1x16xf32>,
      %swap3A_157 = vector.shape_cast %swap3A_156 : vector<1x16xf32> to vector<16xf32>
      %swap3A_158 = vector.shape_cast %broadcast_in_dim3A_1 : vector<16xf32> to vector<1x16xf32>
      tpu.vector_store %arg8[%swap3A_154, %swap3A_155], %swap3A_158 {strides = array<i32>} : memref<125x128xf32, #tpu.memory_space<vmem>>, vector<1x16xf32>,
      %swap3A_159 = arith.index_cast %scan3A_133 : i32 to index
      %swap3A_160 = arith.constant 80 : index
      %swap3A_161 = tpu.vector_load %arg8[%swap3A_159, %swap3A_160] {strides = array<i32>} : memref<125x128xf32, #tpu.memory_space<vmem>>, vector<1x16xf32>,
      %swap3A_162 = vector.shape_cast %swap3A_161 : vector<1x16xf32> to vector<16xf32>
      %swap3A_163 = vector.shape_cast %broadcast_in_dim3A_1 : vector<16xf32> to vector<1x16xf32>
      tpu.vector_store %arg8[%swap3A_159, %swap3A_160], %swap3A_163 {strides = array<i32>} : memref<125x128xf32, #tpu.memory_space<vmem>>, vector<1x16xf32>,
      %swap3A_164 = arith.index_cast %scan3A_133 : i32 to index
      %swap3A_165 = arith.constant 96 : index
      %swap3A_166 = tpu.vector_load %arg8[%swap3A_164, %swap3A_165] {strides = array<i32>} : memref<125x128xf32, #tpu.memory_space<vmem>>, vector<1x16xf32>,
      %swap3A_167 = vector.shape_cast %swap3A_166 : vector<1x16xf32> to vector<16xf32>
      %swap3A_168 = vector.shape_cast %broadcast_in_dim3A_1 : vector<16xf32> to vector<1x16xf32>
      tpu.vector_store %arg8[%swap3A_164, %swap3A_165], %swap3A_168 {strides = array<i32>} : memref<125x128xf32, #tpu.memory_space<vmem>>, vector<1x16xf32>,
      %swap3A_169 = arith.index_cast %scan3A_133 : i32 to index
      %swap3A_170 = arith.constant 112 : index
      %swap3A_171 = tpu.vector_load %arg8[%swap3A_169, %swap3A_170] {strides = array<i32>} : memref<125x128xf32, #tpu.memory_space<vmem>>, vector<1x16xf32>,
      %swap3A_172 = vector.shape_cast %swap3A_171 : vector<1x16xf32> to vector<16xf32>
      %swap3A_173 = vector.shape_cast %broadcast_in_dim3A_1 : vector<16xf32> to vector<1x16xf32>
      tpu.vector_store %arg8[%swap3A_169, %swap3A_170], %swap3A_173 {strides = array<i32>} : memref<125x128xf32, #tpu.memory_space<vmem>>, vector<1x16xf32>,
      %scan3A_174 = arith.constant 0 : i32
      scf.yield %scan3A_174 : i32
    }
    %scan3A_7 = arith.constant 125 : i32
    %add3A_8 = arith.constant 0 : i32
    %add3A_9 = arith.addi %add3A_8, %arg1 : i32
    %lt3A = arith.constant 125 : i32
    %lt3A_10 = arith.cmpi slt, %add3A_9, %lt3A : i32
    %convert_element_type3A = arith.extui %lt3A_10 : i1 to i32
    %cond3A = arith.constant 0 : i32
    %cond3A_11 = arith.cmpi ne, %convert_element_type3A, %cond3A : i32
    scf.if %cond3A_11 {
      %mul3A_133 = arith.constant 80 : i32
      %mul3A_134 = arith.muli %add3A_9, %mul3A_133 : i32
      "tpu.region"() ({
        %run_scoped3A = tpu.sem_alloc : memref<!tpu.dma_semaphore, #tpu.memory_space<semaphore_mem>>
        %dma_start3A_135 = arith.constant 0 : i32
        %dma_start3A_136 = arith.constant 0 : i32
        %dma_start3A_137 = tpu.memref_slice %arg8[%dma_start3A_135, %dma_start3A_136] : memref<125x128xf32, #tpu.memory_space<vmem>> -> memref<80x128xf32, #tpu.memory_space<vmem>>
        %dma_start3A_138 = arith.constant 0 : i32
        %dma_start3A_139 = tpu.memref_slice %arg10[%mul3A_134, %dma_start3A_138] : memref<10000x128xf32, #tpu.memory_space<vmem_shared>> -> memref<80x128xf32, #tpu.memory_space<vmem_shared>>
        %dma_start3A_140 = arith.constant 0 : i32
        %dma_start3A_141 = tpu.memref_slice %arg10[%mul3A_134, %dma_start3A_140] : memref<10000x128xf32, #tpu.memory_space<vmem_shared>> -> memref<80x128xf32, #tpu.memory_space<vmem_shared>>
        %dma_start3A_142 = arith.constant 0 : i32
        %dma_start3A_143 = arith.constant 0 : i32
        %dma_start3A_144 = tpu.memref_slice %arg8[%dma_start3A_142, %dma_start3A_143] : memref<125x128xf32, #tpu.memory_space<vmem>> -> memref<80x128xf32, #tpu.memory_space<vmem>>
        tpu.enqueue_dma source(%dma_start3A_144 : memref<80x128xf32, #tpu.memory_space<vmem>>) target(%dma_start3A_141 : memref<80x128xf32, #tpu.memory_space<vmem_shared>>) target_semaphore(%run_scoped3A : memref<!tpu.dma_semaphore, #tpu.memory_space<semaphore_mem>>)
        %dma_wait3A = arith.constant 0 : i32
        %dma_wait3A_145 = arith.constant 0 : i32
        %dma_wait3A_146 = tpu.memref_slice %arg8[%dma_wait3A, %dma_wait3A_145] : memref<125x128xf32, #tpu.memory_space<vmem>> -> memref<80x128xf32, #tpu.memory_space<vmem>>
        %dma_wait3A_147 = arith.constant 0 : i32
        %dma_wait3A_148 = tpu.memref_slice %arg10[%mul3A_134, %dma_wait3A_147] : memref<10000x128xf32, #tpu.memory_space<vmem_shared>> -> memref<80x128xf32, #tpu.memory_space<vmem_shared>>
        %dma_wait3A_149 = arith.constant 0 : i32
        %dma_wait3A_150 = tpu.memref_slice %arg10[%mul3A_134, %dma_wait3A_149] : memref<10000x128xf32, #tpu.memory_space<vmem_shared>> -> memref<80x128xf32, #tpu.memory_space<vmem_shared>>
        %dma_wait3A_151 = arith.constant 0 : i32
        %dma_wait3A_152 = arith.constant 0 : i32
        %dma_wait3A_153 = tpu.memref_slice %arg8[%dma_wait3A_151, %dma_wait3A_152] : memref<125x128xf32, #tpu.memory_space<vmem>> -> memref<80x128xf32, #tpu.memory_space<vmem>>
        tpu.wait_dma2 semaphore(%run_scoped3A : memref<!tpu.dma_semaphore, #tpu.memory_space<semaphore_mem>>) src(%dma_wait3A_153 : memref<80x128xf32, #tpu.memory_space<vmem>>) dst(%dma_wait3A_150 : memref<80x128xf32, #tpu.memory_space<vmem_shared>>)
        tpu.yield
      }) : () -> ()
    } else {
    }
    %add3A_12 = arith.constant 16 : i32
    %add3A_13 = arith.addi %add3A_12, %arg1 : i32
    %lt3A_14 = arith.constant 125 : i32
    %lt3A_15 = arith.cmpi slt, %add3A_13, %lt3A_14 : i32
    %convert_element_type3A_16 = arith.extui %lt3A_15 : i1 to i32
    %cond3A_17 = arith.constant 0 : i32
    %cond3A_18 = arith.cmpi ne, %convert_element_type3A_16, %cond3A_17 : i32
    scf.if %cond3A_18 {
      %mul3A_133 = arith.constant 80 : i32
      %mul3A_134 = arith.muli %add3A_13, %mul3A_133 : i32
      "tpu.region"() ({
        %run_scoped3A = tpu.sem_alloc : memref<!tpu.dma_semaphore, #tpu.memory_space<semaphore_mem>>
        %dma_start3A_135 = arith.constant 0 : i32
        %dma_start3A_136 = arith.constant 0 : i32
        %dma_start3A_137 = tpu.memref_slice %arg8[%dma_start3A_135, %dma_start3A_136] : memref<125x128xf32, #tpu.memory_space<vmem>> -> memref<80x128xf32, #tpu.memory_space<vmem>>
        %dma_start3A_138 = arith.constant 0 : i32
        %dma_start3A_139 = tpu.memref_slice %arg10[%mul3A_134, %dma_start3A_138] : memref<10000x128xf32, #tpu.memory_space<vmem_shared>> -> memref<80x128xf32, #tpu.memory_space<vmem_shared>>
        %dma_start3A_140 = arith.constant 0 : i32
        %dma_start3A_141 = tpu.memref_slice %arg10[%mul3A_134, %dma_start3A_140] : memref<10000x128xf32, #tpu.memory_space<vmem_shared>> -> memref<80x128xf32, #tpu.memory_space<vmem_shared>>
        %dma_start3A_142 = arith.constant 0 : i32
        %dma_start3A_143 = arith.constant 0 : i32
        %dma_start3A_144 = tpu.memref_slice %arg8[%dma_start3A_142, %dma_start3A_143] : memref<125x128xf32, #tpu.memory_space<vmem>> -> memref<80x128xf32, #tpu.memory_space<vmem>>
        tpu.enqueue_dma source(%dma_start3A_144 : memref<80x128xf32, #tpu.memory_space<vmem>>) target(%dma_start3A_141 : memref<80x128xf32, #tpu.memory_space<vmem_shared>>) target_semaphore(%run_scoped3A : memref<!tpu.dma_semaphore, #tpu.memory_space<semaphore_mem>>)
        %dma_wait3A = arith.constant 0 : i32
        %dma_wait3A_145 = arith.constant 0 : i32
        %dma_wait3A_146 = tpu.memref_slice %arg8[%dma_wait3A, %dma_wait3A_145] : memref<125x128xf32, #tpu.memory_space<vmem>> -> memref<80x128xf32, #tpu.memory_space<vmem>>
        %dma_wait3A_147 = arith.constant 0 : i32
        %dma_wait3A_148 = tpu.memref_slice %arg10[%mul3A_134, %dma_wait3A_147] : memref<10000x128xf32, #tpu.memory_space<vmem_shared>> -> memref<80x128xf32, #tpu.memory_space<vmem_shared>>
        %dma_wait3A_149 = arith.constant 0 : i32
        %dma_wait3A_150 = tpu.memref_slice %arg10[%mul3A_134, %dma_wait3A_149] : memref<10000x128xf32, #tpu.memory_space<vmem_shared>> -> memref<80x128xf32, #tpu.memory_space<vmem_shared>>
        %dma_wait3A_151 = arith.constant 0 : i32
        %dma_wait3A_152 = arith.constant 0 : i32
        %dma_wait3A_153 = tpu.memref_slice %arg8[%dma_wait3A_151, %dma_wait3A_152] : memref<125x128xf32, #tpu.memory_space<vmem>> -> memref<80x128xf32, #tpu.memory_space<vmem>>
        tpu.wait_dma2 semaphore(%run_scoped3A : memref<!tpu.dma_semaphore, #tpu.memory_space<semaphore_mem>>) src(%dma_wait3A_153 : memref<80x128xf32, #tpu.memory_space<vmem>>) dst(%dma_wait3A_150 : memref<80x128xf32, #tpu.memory_space<vmem_shared>>)
        tpu.yield
      }) : () -> ()
    } else {
    }
    %add3A_19 = arith.constant 32 : i32
    %add3A_20 = arith.addi %add3A_19, %arg1 : i32
    %lt3A_21 = arith.constant 125 : i32
    %lt3A_22 = arith.cmpi slt, %add3A_20, %lt3A_21 : i32
    %convert_element_type3A_23 = arith.extui %lt3A_22 : i1 to i32
    %cond3A_24 = arith.constant 0 : i32
    %cond3A_25 = arith.cmpi ne, %convert_element_type3A_23, %cond3A_24 : i32
    scf.if %cond3A_25 {
      %mul3A_133 = arith.constant 80 : i32
      %mul3A_134 = arith.muli %add3A_20, %mul3A_133 : i32
      "tpu.region"() ({
        %run_scoped3A = tpu.sem_alloc : memref<!tpu.dma_semaphore, #tpu.memory_space<semaphore_mem>>
        %dma_start3A_135 = arith.constant 0 : i32
        %dma_start3A_136 = arith.constant 0 : i32
        %dma_start3A_137 = tpu.memref_slice %arg8[%dma_start3A_135, %dma_start3A_136] : memref<125x128xf32, #tpu.memory_space<vmem>> -> memref<80x128xf32, #tpu.memory_space<vmem>>
        %dma_start3A_138 = arith.constant 0 : i32
        %dma_start3A_139 = tpu.memref_slice %arg10[%mul3A_134, %dma_start3A_138] : memref<10000x128xf32, #tpu.memory_space<vmem_shared>> -> memref<80x128xf32, #tpu.memory_space<vmem_shared>>
        %dma_start3A_140 = arith.constant 0 : i32
        %dma_start3A_141 = tpu.memref_slice %arg10[%mul3A_134, %dma_start3A_140] : memref<10000x128xf32, #tpu.memory_space<vmem_shared>> -> memref<80x128xf32, #tpu.memory_space<vmem_shared>>
        %dma_start3A_142 = arith.constant 0 : i32
        %dma_start3A_143 = arith.constant 0 : i32
        %dma_start3A_144 = tpu.memref_slice %arg8[%dma_start3A_142, %dma_start3A_143] : memref<125x128xf32, #tpu.memory_space<vmem>> -> memref<80x128xf32, #tpu.memory_space<vmem>>
        tpu.enqueue_dma source(%dma_start3A_144 : memref<80x128xf32, #tpu.memory_space<vmem>>) target(%dma_start3A_141 : memref<80x128xf32, #tpu.memory_space<vmem_shared>>) target_semaphore(%run_scoped3A : memref<!tpu.dma_semaphore, #tpu.memory_space<semaphore_mem>>)
        %dma_wait3A = arith.constant 0 : i32
        %dma_wait3A_145 = arith.constant 0 : i32
        %dma_wait3A_146 = tpu.memref_slice %arg8[%dma_wait3A, %dma_wait3A_145] : memref<125x128xf32, #tpu.memory_space<vmem>> -> memref<80x128xf32, #tpu.memory_space<vmem>>
        %dma_wait3A_147 = arith.constant 0 : i32
        %dma_wait3A_148 = tpu.memref_slice %arg10[%mul3A_134, %dma_wait3A_147] : memref<10000x128xf32, #tpu.memory_space<vmem_shared>> -> memref<80x128xf32, #tpu.memory_space<vmem_shared>>
        %dma_wait3A_149 = arith.constant 0 : i32
        %dma_wait3A_150 = tpu.memref_slice %arg10[%mul3A_134, %dma_wait3A_149] : memref<10000x128xf32, #tpu.memory_space<vmem_shared>> -> memref<80x128xf32, #tpu.memory_space<vmem_shared>>
        %dma_wait3A_151 = arith.constant 0 : i32
        %dma_wait3A_152 = arith.constant 0 : i32
        %dma_wait3A_153 = tpu.memref_slice %arg8[%dma_wait3A_151, %dma_wait3A_152] : memref<125x128xf32, #tpu.memory_space<vmem>> -> memref<80x128xf32, #tpu.memory_space<vmem>>
        tpu.wait_dma2 semaphore(%run_scoped3A : memref<!tpu.dma_semaphore, #tpu.memory_space<semaphore_mem>>) src(%dma_wait3A_153 : memref<80x128xf32, #tpu.memory_space<vmem>>) dst(%dma_wait3A_150 : memref<80x128xf32, #tpu.memory_space<vmem_shared>>)
        tpu.yield
      }) : () -> ()
    } else {
    }
    %add3A_26 = arith.constant 48 : i32
    %add3A_27 = arith.addi %add3A_26, %arg1 : i32
    %lt3A_28 = arith.constant 125 : i32
    %lt3A_29 = arith.cmpi slt, %add3A_27, %lt3A_28 : i32
    %convert_element_type3A_30 = arith.extui %lt3A_29 : i1 to i32
    %cond3A_31 = arith.constant 0 : i32
    %cond3A_32 = arith.cmpi ne, %convert_element_type3A_30, %cond3A_31 : i32
    scf.if %cond3A_32 {
      %mul3A_133 = arith.constant 80 : i32
      %mul3A_134 = arith.muli %add3A_27, %mul3A_133 : i32
      "tpu.region"() ({
        %run_scoped3A = tpu.sem_alloc : memref<!tpu.dma_semaphore, #tpu.memory_space<semaphore_mem>>
        %dma_start3A_135 = arith.constant 0 : i32
        %dma_start3A_136 = arith.constant 0 : i32
        %dma_start3A_137 = tpu.memref_slice %arg8[%dma_start3A_135, %dma_start3A_136] : memref<125x128xf32, #tpu.memory_space<vmem>> -> memref<80x128xf32, #tpu.memory_space<vmem>>
        %dma_start3A_138 = arith.constant 0 : i32
        %dma_start3A_139 = tpu.memref_slice %arg10[%mul3A_134, %dma_start3A_138] : memref<10000x128xf32, #tpu.memory_space<vmem_shared>> -> memref<80x128xf32, #tpu.memory_space<vmem_shared>>
        %dma_start3A_140 = arith.constant 0 : i32
        %dma_start3A_141 = tpu.memref_slice %arg10[%mul3A_134, %dma_start3A_140] : memref<10000x128xf32, #tpu.memory_space<vmem_shared>> -> memref<80x128xf32, #tpu.memory_space<vmem_shared>>
        %dma_start3A_142 = arith.constant 0 : i32
        %dma_start3A_143 = arith.constant 0 : i32
        %dma_start3A_144 = tpu.memref_slice %arg8[%dma_start3A_142, %dma_start3A_143] : memref<125x128xf32, #tpu.memory_space<vmem>> -> memref<80x128xf32, #tpu.memory_space<vmem>>
        tpu.enqueue_dma source(%dma_start3A_144 : memref<80x128xf32, #tpu.memory_space<vmem>>) target(%dma_start3A_141 : memref<80x128xf32, #tpu.memory_space<vmem_shared>>) target_semaphore(%run_scoped3A : memref<!tpu.dma_semaphore, #tpu.memory_space<semaphore_mem>>)
        %dma_wait3A = arith.constant 0 : i32
        %dma_wait3A_145 = arith.constant 0 : i32
        %dma_wait3A_146 = tpu.memref_slice %arg8[%dma_wait3A, %dma_wait3A_145] : memref<125x128xf32, #tpu.memory_space<vmem>> -> memref<80x128xf32, #tpu.memory_space<vmem>>
        %dma_wait3A_147 = arith.constant 0 : i32
        %dma_wait3A_148 = tpu.memref_slice %arg10[%mul3A_134, %dma_wait3A_147] : memref<10000x128xf32, #tpu.memory_space<vmem_shared>> -> memref<80x128xf32, #tpu.memory_space<vmem_shared>>
        %dma_wait3A_149 = arith.constant 0 : i32
        %dma_wait3A_150 = tpu.memref_slice %arg10[%mul3A_134, %dma_wait3A_149] : memref<10000x128xf32, #tpu.memory_space<vmem_shared>> -> memref<80x128xf32, #tpu.memory_space<vmem_shared>>
        %dma_wait3A_151 = arith.constant 0 : i32
        %dma_wait3A_152 = arith.constant 0 : i32
        %dma_wait3A_153 = tpu.memref_slice %arg8[%dma_wait3A_151, %dma_wait3A_152] : memref<125x128xf32, #tpu.memory_space<vmem>> -> memref<80x128xf32, #tpu.memory_space<vmem>>
        tpu.wait_dma2 semaphore(%run_scoped3A : memref<!tpu.dma_semaphore, #tpu.memory_space<semaphore_mem>>) src(%dma_wait3A_153 : memref<80x128xf32, #tpu.memory_space<vmem>>) dst(%dma_wait3A_150 : memref<80x128xf32, #tpu.memory_space<vmem_shared>>)
        tpu.yield
      }) : () -> ()
    } else {
    }
    %add3A_33 = arith.constant 64 : i32
    %add3A_34 = arith.addi %add3A_33, %arg1 : i32
    %lt3A_35 = arith.constant 125 : i32
    %lt3A_36 = arith.cmpi slt, %add3A_34, %lt3A_35 : i32
    %convert_element_type3A_37 = arith.extui %lt3A_36 : i1 to i32
    %cond3A_38 = arith.constant 0 : i32
    %cond3A_39 = arith.cmpi ne, %convert_element_type3A_37, %cond3A_38 : i32
    scf.if %cond3A_39 {
      %mul3A_133 = arith.constant 80 : i32
      %mul3A_134 = arith.muli %add3A_34, %mul3A_133 : i32
      "tpu.region"() ({
        %run_scoped3A = tpu.sem_alloc : memref<!tpu.dma_semaphore, #tpu.memory_space<semaphore_mem>>
        %dma_start3A_135 = arith.constant 0 : i32
        %dma_start3A_136 = arith.constant 0 : i32
        %dma_start3A_137 = tpu.memref_slice %arg8[%dma_start3A_135, %dma_start3A_136] : memref<125x128xf32, #tpu.memory_space<vmem>> -> memref<80x128xf32, #tpu.memory_space<vmem>>
        %dma_start3A_138 = arith.constant 0 : i32
        %dma_start3A_139 = tpu.memref_slice %arg10[%mul3A_134, %dma_start3A_138] : memref<10000x128xf32, #tpu.memory_space<vmem_shared>> -> memref<80x128xf32, #tpu.memory_space<vmem_shared>>
        %dma_start3A_140 = arith.constant 0 : i32
        %dma_start3A_141 = tpu.memref_slice %arg10[%mul3A_134, %dma_start3A_140] : memref<10000x128xf32, #tpu.memory_space<vmem_shared>> -> memref<80x128xf32, #tpu.memory_space<vmem_shared>>
        %dma_start3A_142 = arith.constant 0 : i32
        %dma_start3A_143 = arith.constant 0 : i32
        %dma_start3A_144 = tpu.memref_slice %arg8[%dma_start3A_142, %dma_start3A_143] : memref<125x128xf32, #tpu.memory_space<vmem>> -> memref<80x128xf32, #tpu.memory_space<vmem>>
        tpu.enqueue_dma source(%dma_start3A_144 : memref<80x128xf32, #tpu.memory_space<vmem>>) target(%dma_start3A_141 : memref<80x128xf32, #tpu.memory_space<vmem_shared>>) target_semaphore(%run_scoped3A : memref<!tpu.dma_semaphore, #tpu.memory_space<semaphore_mem>>)
        %dma_wait3A = arith.constant 0 : i32
        %dma_wait3A_145 = arith.constant 0 : i32
        %dma_wait3A_146 = tpu.memref_slice %arg8[%dma_wait3A, %dma_wait3A_145] : memref<125x128xf32, #tpu.memory_space<vmem>> -> memref<80x128xf32, #tpu.memory_space<vmem>>
        %dma_wait3A_147 = arith.constant 0 : i32
        %dma_wait3A_148 = tpu.memref_slice %arg10[%mul3A_134, %dma_wait3A_147] : memref<10000x128xf32, #tpu.memory_space<vmem_shared>> -> memref<80x128xf32, #tpu.memory_space<vmem_shared>>
        %dma_wait3A_149 = arith.constant 0 : i32
        %dma_wait3A_150 = tpu.memref_slice %arg10[%mul3A_134, %dma_wait3A_149] : memref<10000x128xf32, #tpu.memory_space<vmem_shared>> -> memref<80x128xf32, #tpu.memory_space<vmem_shared>>
        %dma_wait3A_151 = arith.constant 0 : i32
        %dma_wait3A_152 = arith.constant 0 : i32
        %dma_wait3A_153 = tpu.memref_slice %arg8[%dma_wait3A_151, %dma_wait3A_152] : memref<125x128xf32, #tpu.memory_space<vmem>> -> memref<80x128xf32, #tpu.memory_space<vmem>>
        tpu.wait_dma2 semaphore(%run_scoped3A : memref<!tpu.dma_semaphore, #tpu.memory_space<semaphore_mem>>) src(%dma_wait3A_153 : memref<80x128xf32, #tpu.memory_space<vmem>>) dst(%dma_wait3A_150 : memref<80x128xf32, #tpu.memory_space<vmem_shared>>)
        tpu.yield
      }) : () -> ()
    } else {
    }
    %add3A_40 = arith.constant 80 : i32
    %add3A_41 = arith.addi %add3A_40, %arg1 : i32
    %lt3A_42 = arith.constant 125 : i32
    %lt3A_43 = arith.cmpi slt, %add3A_41, %lt3A_42 : i32
    %convert_element_type3A_44 = arith.extui %lt3A_43 : i1 to i32
    %cond3A_45 = arith.constant 0 : i32
    %cond3A_46 = arith.cmpi ne, %convert_element_type3A_44, %cond3A_45 : i32
    scf.if %cond3A_46 {
      %mul3A_133 = arith.constant 80 : i32
      %mul3A_134 = arith.muli %add3A_41, %mul3A_133 : i32
      "tpu.region"() ({
        %run_scoped3A = tpu.sem_alloc : memref<!tpu.dma_semaphore, #tpu.memory_space<semaphore_mem>>
        %dma_start3A_135 = arith.constant 0 : i32
        %dma_start3A_136 = arith.constant 0 : i32
        %dma_start3A_137 = tpu.memref_slice %arg8[%dma_start3A_135, %dma_start3A_136] : memref<125x128xf32, #tpu.memory_space<vmem>> -> memref<80x128xf32, #tpu.memory_space<vmem>>
        %dma_start3A_138 = arith.constant 0 : i32
        %dma_start3A_139 = tpu.memref_slice %arg10[%mul3A_134, %dma_start3A_138] : memref<10000x128xf32, #tpu.memory_space<vmem_shared>> -> memref<80x128xf32, #tpu.memory_space<vmem_shared>>
        %dma_start3A_140 = arith.constant 0 : i32
        %dma_start3A_141 = tpu.memref_slice %arg10[%mul3A_134, %dma_start3A_140] : memref<10000x128xf32, #tpu.memory_space<vmem_shared>> -> memref<80x128xf32, #tpu.memory_space<vmem_shared>>
        %dma_start3A_142 = arith.constant 0 : i32
        %dma_start3A_143 = arith.constant 0 : i32
        %dma_start3A_144 = tpu.memref_slice %arg8[%dma_start3A_142, %dma_start3A_143] : memref<125x128xf32, #tpu.memory_space<vmem>> -> memref<80x128xf32, #tpu.memory_space<vmem>>
        tpu.enqueue_dma source(%dma_start3A_144 : memref<80x128xf32, #tpu.memory_space<vmem>>) target(%dma_start3A_141 : memref<80x128xf32, #tpu.memory_space<vmem_shared>>) target_semaphore(%run_scoped3A : memref<!tpu.dma_semaphore, #tpu.memory_space<semaphore_mem>>)
        %dma_wait3A = arith.constant 0 : i32
        %dma_wait3A_145 = arith.constant 0 : i32
        %dma_wait3A_146 = tpu.memref_slice %arg8[%dma_wait3A, %dma_wait3A_145] : memref<125x128xf32, #tpu.memory_space<vmem>> -> memref<80x128xf32, #tpu.memory_space<vmem>>
        %dma_wait3A_147 = arith.constant 0 : i32
        %dma_wait3A_148 = tpu.memref_slice %arg10[%mul3A_134, %dma_wait3A_147] : memref<10000x128xf32, #tpu.memory_space<vmem_shared>> -> memref<80x128xf32, #tpu.memory_space<vmem_shared>>
        %dma_wait3A_149 = arith.constant 0 : i32
        %dma_wait3A_150 = tpu.memref_slice %arg10[%mul3A_134, %dma_wait3A_149] : memref<10000x128xf32, #tpu.memory_space<vmem_shared>> -> memref<80x128xf32, #tpu.memory_space<vmem_shared>>
        %dma_wait3A_151 = arith.constant 0 : i32
        %dma_wait3A_152 = arith.constant 0 : i32
        %dma_wait3A_153 = tpu.memref_slice %arg8[%dma_wait3A_151, %dma_wait3A_152] : memref<125x128xf32, #tpu.memory_space<vmem>> -> memref<80x128xf32, #tpu.memory_space<vmem>>
        tpu.wait_dma2 semaphore(%run_scoped3A : memref<!tpu.dma_semaphore, #tpu.memory_space<semaphore_mem>>) src(%dma_wait3A_153 : memref<80x128xf32, #tpu.memory_space<vmem>>) dst(%dma_wait3A_150 : memref<80x128xf32, #tpu.memory_space<vmem_shared>>)
        tpu.yield
      }) : () -> ()
    } else {
    }
    %add3A_47 = arith.constant 96 : i32
    %add3A_48 = arith.addi %add3A_47, %arg1 : i32
    %lt3A_49 = arith.constant 125 : i32
    %lt3A_50 = arith.cmpi slt, %add3A_48, %lt3A_49 : i32
    %convert_element_type3A_51 = arith.extui %lt3A_50 : i1 to i32
    %cond3A_52 = arith.constant 0 : i32
    %cond3A_53 = arith.cmpi ne, %convert_element_type3A_51, %cond3A_52 : i32
    scf.if %cond3A_53 {
      %mul3A_133 = arith.constant 80 : i32
      %mul3A_134 = arith.muli %add3A_48, %mul3A_133 : i32
      "tpu.region"() ({
        %run_scoped3A = tpu.sem_alloc : memref<!tpu.dma_semaphore, #tpu.memory_space<semaphore_mem>>
        %dma_start3A_135 = arith.constant 0 : i32
        %dma_start3A_136 = arith.constant 0 : i32
        %dma_start3A_137 = tpu.memref_slice %arg8[%dma_start3A_135, %dma_start3A_136] : memref<125x128xf32, #tpu.memory_space<vmem>> -> memref<80x128xf32, #tpu.memory_space<vmem>>
        %dma_start3A_138 = arith.constant 0 : i32
        %dma_start3A_139 = tpu.memref_slice %arg10[%mul3A_134, %dma_start3A_138] : memref<10000x128xf32, #tpu.memory_space<vmem_shared>> -> memref<80x128xf32, #tpu.memory_space<vmem_shared>>
        %dma_start3A_140 = arith.constant 0 : i32
        %dma_start3A_141 = tpu.memref_slice %arg10[%mul3A_134, %dma_start3A_140] : memref<10000x128xf32, #tpu.memory_space<vmem_shared>> -> memref<80x128xf32, #tpu.memory_space<vmem_shared>>
        %dma_start3A_142 = arith.constant 0 : i32
        %dma_start3A_143 = arith.constant 0 : i32
        %dma_start3A_144 = tpu.memref_slice %arg8[%dma_start3A_142, %dma_start3A_143] : memref<125x128xf32, #tpu.memory_space<vmem>> -> memref<80x128xf32, #tpu.memory_space<vmem>>
        tpu.enqueue_dma source(%dma_start3A_144 : memref<80x128xf32, #tpu.memory_space<vmem>>) target(%dma_start3A_141 : memref<80x128xf32, #tpu.memory_space<vmem_shared>>) target_semaphore(%run_scoped3A : memref<!tpu.dma_semaphore, #tpu.memory_space<semaphore_mem>>)
        %dma_wait3A = arith.constant 0 : i32
        %dma_wait3A_145 = arith.constant 0 : i32
        %dma_wait3A_146 = tpu.memref_slice %arg8[%dma_wait3A, %dma_wait3A_145] : memref<125x128xf32, #tpu.memory_space<vmem>> -> memref<80x128xf32, #tpu.memory_space<vmem>>
        %dma_wait3A_147 = arith.constant 0 : i32
        %dma_wait3A_148 = tpu.memref_slice %arg10[%mul3A_134, %dma_wait3A_147] : memref<10000x128xf32, #tpu.memory_space<vmem_shared>> -> memref<80x128xf32, #tpu.memory_space<vmem_shared>>
        %dma_wait3A_149 = arith.constant 0 : i32
        %dma_wait3A_150 = tpu.memref_slice %arg10[%mul3A_134, %dma_wait3A_149] : memref<10000x128xf32, #tpu.memory_space<vmem_shared>> -> memref<80x128xf32, #tpu.memory_space<vmem_shared>>
        %dma_wait3A_151 = arith.constant 0 : i32
        %dma_wait3A_152 = arith.constant 0 : i32
        %dma_wait3A_153 = tpu.memref_slice %arg8[%dma_wait3A_151, %dma_wait3A_152] : memref<125x128xf32, #tpu.memory_space<vmem>> -> memref<80x128xf32, #tpu.memory_space<vmem>>
        tpu.wait_dma2 semaphore(%run_scoped3A : memref<!tpu.dma_semaphore, #tpu.memory_space<semaphore_mem>>) src(%dma_wait3A_153 : memref<80x128xf32, #tpu.memory_space<vmem>>) dst(%dma_wait3A_150 : memref<80x128xf32, #tpu.memory_space<vmem_shared>>)
        tpu.yield
      }) : () -> ()
    } else {
    }
    %add3A_54 = arith.constant 112 : i32
    %add3A_55 = arith.addi %add3A_54, %arg1 : i32
    %lt3A_56 = arith.constant 125 : i32
    %lt3A_57 = arith.cmpi slt, %add3A_55, %lt3A_56 : i32
    %convert_element_type3A_58 = arith.extui %lt3A_57 : i1 to i32
    %cond3A_59 = arith.constant 0 : i32
    %cond3A_60 = arith.cmpi ne, %convert_element_type3A_58, %cond3A_59 : i32
    scf.if %cond3A_60 {
      %mul3A_133 = arith.constant 80 : i32
      %mul3A_134 = arith.muli %add3A_55, %mul3A_133 : i32
      "tpu.region"() ({
        %run_scoped3A = tpu.sem_alloc : memref<!tpu.dma_semaphore, #tpu.memory_space<semaphore_mem>>
        %dma_start3A_135 = arith.constant 0 : i32
        %dma_start3A_136 = arith.constant 0 : i32
        %dma_start3A_137 = tpu.memref_slice %arg8[%dma_start3A_135, %dma_start3A_136] : memref<125x128xf32, #tpu.memory_space<vmem>> -> memref<80x128xf32, #tpu.memory_space<vmem>>
        %dma_start3A_138 = arith.constant 0 : i32
        %dma_start3A_139 = tpu.memref_slice %arg10[%mul3A_134, %dma_start3A_138] : memref<10000x128xf32, #tpu.memory_space<vmem_shared>> -> memref<80x128xf32, #tpu.memory_space<vmem_shared>>
        %dma_start3A_140 = arith.constant 0 : i32
        %dma_start3A_141 = tpu.memref_slice %arg10[%mul3A_134, %dma_start3A_140] : memref<10000x128xf32, #tpu.memory_space<vmem_shared>> -> memref<80x128xf32, #tpu.memory_space<vmem_shared>>
        %dma_start3A_142 = arith.constant 0 : i32
        %dma_start3A_143 = arith.constant 0 : i32
        %dma_start3A_144 = tpu.memref_slice %arg8[%dma_start3A_142, %dma_start3A_143] : memref<125x128xf32, #tpu.memory_space<vmem>> -> memref<80x128xf32, #tpu.memory_space<vmem>>
        tpu.enqueue_dma source(%dma_start3A_144 : memref<80x128xf32, #tpu.memory_space<vmem>>) target(%dma_start3A_141 : memref<80x128xf32, #tpu.memory_space<vmem_shared>>) target_semaphore(%run_scoped3A : memref<!tpu.dma_semaphore, #tpu.memory_space<semaphore_mem>>)
        %dma_wait3A = arith.constant 0 : i32
        %dma_wait3A_145 = arith.constant 0 : i32
        %dma_wait3A_146 = tpu.memref_slice %arg8[%dma_wait3A, %dma_wait3A_145] : memref<125x128xf32, #tpu.memory_space<vmem>> -> memref<80x128xf32, #tpu.memory_space<vmem>>
        %dma_wait3A_147 = arith.constant 0 : i32
        %dma_wait3A_148 = tpu.memref_slice %arg10[%mul3A_134, %dma_wait3A_147] : memref<10000x128xf32, #tpu.memory_space<vmem_shared>> -> memref<80x128xf32, #tpu.memory_space<vmem_shared>>
        %dma_wait3A_149 = arith.constant 0 : i32
        %dma_wait3A_150 = tpu.memref_slice %arg10[%mul3A_134, %dma_wait3A_149] : memref<10000x128xf32, #tpu.memory_space<vmem_shared>> -> memref<80x128xf32, #tpu.memory_space<vmem_shared>>
        %dma_wait3A_151 = arith.constant 0 : i32
        %dma_wait3A_152 = arith.constant 0 : i32
        %dma_wait3A_153 = tpu.memref_slice %arg8[%dma_wait3A_151, %dma_wait3A_152] : memref<125x128xf32, #tpu.memory_space<vmem>> -> memref<80x128xf32, #tpu.memory_space<vmem>>
        tpu.wait_dma2 semaphore(%run_scoped3A : memref<!tpu.dma_semaphore, #tpu.memory_space<semaphore_mem>>) src(%dma_wait3A_153 : memref<80x128xf32, #tpu.memory_space<vmem>>) dst(%dma_wait3A_150 : memref<80x128xf32, #tpu.memory_space<vmem_shared>>)
        tpu.yield
      }) : () -> ()
    } else {
    }
    "tpu.region"() ({
      %run_scoped3A = tpu.sem_alloc : memref<!tpu.dma_semaphore, #tpu.memory_space<semaphore_mem>>
      %dma_start3A_133 = arith.constant 0 : i32
      %dma_start3A_134 = arith.constant 0 : i32
      %dma_start3A_135 = tpu.memref_slice %arg4[%add3A, %dma_start3A_133, %dma_start3A_134] : memref<32x80x125xi32, #tpu.memory_space<hbm>> -> memref<1x80x125xi32, #tpu.memory_space<hbm>>
      %dma_start3A_136 = tpu.memref_squeeze %dma_start3A_135 : memref<1x80x125xi32, #tpu.memory_space<hbm>> -> memref<80x125xi32, #tpu.memory_space<hbm>>
      %dma_start3A_137 = arith.constant 0 : i32
      %dma_start3A_138 = arith.constant 0 : i32
      %dma_start3A_139 = tpu.memref_slice %arg4[%add3A, %dma_start3A_137, %dma_start3A_138] : memref<32x80x125xi32, #tpu.memory_space<hbm>> -> memref<1x80x125xi32, #tpu.memory_space<hbm>>
      %dma_start3A_140 = tpu.memref_squeeze %dma_start3A_139 : memref<1x80x125xi32, #tpu.memory_space<hbm>> -> memref<80x125xi32, #tpu.memory_space<hbm>>
      tpu.enqueue_dma source(%dma_start3A_140 : memref<80x125xi32, #tpu.memory_space<hbm>>) target(%arg7 : memref<80x125xi32, #tpu.memory_space<vmem>>) target_semaphore(%run_scoped3A : memref<!tpu.dma_semaphore, #tpu.memory_space<semaphore_mem>>)
      %dma_wait3A = arith.constant 0 : i32
      %dma_wait3A_141 = arith.constant 0 : i32
      %dma_wait3A_142 = tpu.memref_slice %arg4[%add3A, %dma_wait3A, %dma_wait3A_141] : memref<32x80x125xi32, #tpu.memory_space<hbm>> -> memref<1x80x125xi32, #tpu.memory_space<hbm>>
      %dma_wait3A_143 = tpu.memref_squeeze %dma_wait3A_142 : memref<1x80x125xi32, #tpu.memory_space<hbm>> -> memref<80x125xi32, #tpu.memory_space<hbm>>
      %dma_wait3A_144 = arith.constant 0 : i32
      %dma_wait3A_145 = arith.constant 0 : i32
      %dma_wait3A_146 = tpu.memref_slice %arg4[%add3A, %dma_wait3A_144, %dma_wait3A_145] : memref<32x80x125xi32, #tpu.memory_space<hbm>> -> memref<1x80x125xi32, #tpu.memory_space<hbm>>
      %dma_wait3A_147 = tpu.memref_squeeze %dma_wait3A_146 : memref<1x80x125xi32, #tpu.memory_space<hbm>> -> memref<80x125xi32, #tpu.memory_space<hbm>>
      tpu.wait_dma2 semaphore(%run_scoped3A : memref<!tpu.dma_semaphore, #tpu.memory_space<semaphore_mem>>) src(%dma_wait3A_147 : memref<80x125xi32, #tpu.memory_space<hbm>>) dst(%arg7 : memref<80x125xi32, #tpu.memory_space<vmem>>)
      tpu.yield
    }) : () -> ()
    "tpu.region"() ({
      %run_scoped3A = tpu.sem_alloc : memref<!tpu.dma_semaphore, #tpu.memory_space<semaphore_mem>>
      %dma_start3A_133 = arith.constant 0 : i32
      %dma_start3A_134 = arith.constant 0 : i32
      %dma_start3A_135 = tpu.memref_slice %arg3[%add3A, %dma_start3A_133, %dma_start3A_134] : memref<32x80x125xi32, #tpu.memory_space<hbm>> -> memref<1x40x125xi32, #tpu.memory_space<hbm>>
      %dma_start3A_136 = tpu.memref_squeeze %dma_start3A_135 : memref<1x40x125xi32, #tpu.memory_space<hbm>> -> memref<40x125xi32, #tpu.memory_space<hbm>>
      %dma_start3A_137 = arith.constant 0 : i32
      %dma_start3A_138 = arith.constant 0 : i32
      %dma_start3A_139 = tpu.memref_slice %arg3[%add3A, %dma_start3A_137, %dma_start3A_138] : memref<32x80x125xi32, #tpu.memory_space<hbm>> -> memref<1x40x125xi32, #tpu.memory_space<hbm>>
      %dma_start3A_140 = tpu.memref_squeeze %dma_start3A_139 : memref<1x40x125xi32, #tpu.memory_space<hbm>> -> memref<40x125xi32, #tpu.memory_space<hbm>>
      tpu.enqueue_dma source(%dma_start3A_140 : memref<40x125xi32, #tpu.memory_space<hbm>>) target(%arg6 : memref<40x125xi32, #tpu.memory_space<vmem>>) target_semaphore(%run_scoped3A : memref<!tpu.dma_semaphore, #tpu.memory_space<semaphore_mem>>)
      %dma_wait3A = arith.constant 0 : i32
      %dma_wait3A_141 = arith.constant 0 : i32
      %dma_wait3A_142 = tpu.memref_slice %arg3[%add3A, %dma_wait3A, %dma_wait3A_141] : memref<32x80x125xi32, #tpu.memory_space<hbm>> -> memref<1x40x125xi32, #tpu.memory_space<hbm>>
      %dma_wait3A_143 = tpu.memref_squeeze %dma_wait3A_142 : memref<1x40x125xi32, #tpu.memory_space<hbm>> -> memref<40x125xi32, #tpu.memory_space<hbm>>
      %dma_wait3A_144 = arith.constant 0 : i32
      %dma_wait3A_145 = arith.constant 0 : i32
      %dma_wait3A_146 = tpu.memref_slice %arg3[%add3A, %dma_wait3A_144, %dma_wait3A_145] : memref<32x80x125xi32, #tpu.memory_space<hbm>> -> memref<1x40x125xi32, #tpu.memory_space<hbm>>
      %dma_wait3A_147 = tpu.memref_squeeze %dma_wait3A_146 : memref<1x40x125xi32, #tpu.memory_space<hbm>> -> memref<40x125xi32, #tpu.memory_space<hbm>>
      tpu.wait_dma2 semaphore(%run_scoped3A : memref<!tpu.dma_semaphore, #tpu.memory_space<semaphore_mem>>) src(%dma_wait3A_147 : memref<40x125xi32, #tpu.memory_space<hbm>>) dst(%arg6 : memref<40x125xi32, #tpu.memory_space<vmem>>)
      tpu.yield
    }) : () -> ()
    %barrier3A = arith.constant 0 : index
    tpu.barrier barrier_id(%barrier3A)
    %cond3A_61 = arith.constant 0 : i32
    %dma_start3A = arith.constant 0 : i32
    %dma_start3A_62 = arith.constant 0 : i32
    %dma_start3A_63 = tpu.memref_slice %arg6[%dma_start3A, %dma_start3A_62] : memref<40x125xi32, #tpu.memory_space<vmem>> -> memref<1x125xi32, #tpu.memory_space<vmem>>
    %dma_start3A_64 = tpu.memref_squeeze %dma_start3A_63 : memref<1x125xi32, #tpu.memory_space<vmem>> -> memref<125xi32, #tpu.memory_space<vmem>>
    %dma_start3A_65 = arith.constant 0 : i32
    %dma_start3A_66 = arith.constant 0 : i32
    %dma_start3A_67 = tpu.memref_slice %arg2[%dma_start3A_65, %dma_start3A_66] : memref<10000x128xf32, #tpu.memory_space<hbm>> -> memref<10000x128xf32, #tpu.memory_space<hbm>>
    tpu.enqueue_indirect_dma source(%dma_start3A_67 : memref<10000x128xf32, #tpu.memory_space<hbm>>) target(%arg8 : memref<125x128xf32, #tpu.memory_space<vmem>>) offsets(%dma_start3A_64 : memref<125xi32, #tpu.memory_space<vmem>>) semaphore(%arg11 : memref<!tpu.dma_semaphore, #tpu.memory_space<semaphore_mem>>)
    %dma_start3A_68 = arith.constant 1 : i32
    %dma_start3A_69 = arith.constant 0 : i32
    %dma_start3A_70 = tpu.memref_slice %arg6[%dma_start3A_68, %dma_start3A_69] : memref<40x125xi32, #tpu.memory_space<vmem>> -> memref<1x125xi32, #tpu.memory_space<vmem>>
    %dma_start3A_71 = tpu.memref_squeeze %dma_start3A_70 : memref<1x125xi32, #tpu.memory_space<vmem>> -> memref<125xi32, #tpu.memory_space<vmem>>
    %dma_start3A_72 = arith.constant 0 : i32
    %dma_start3A_73 = arith.constant 0 : i32
    %dma_start3A_74 = tpu.memref_slice %arg2[%dma_start3A_72, %dma_start3A_73] : memref<10000x128xf32, #tpu.memory_space<hbm>> -> memref<10000x128xf32, #tpu.memory_space<hbm>>
    tpu.enqueue_indirect_dma source(%dma_start3A_74 : memref<10000x128xf32, #tpu.memory_space<hbm>>) target(%arg9 : memref<125x128xf32, #tpu.memory_space<vmem>>) offsets(%dma_start3A_71 : memref<125xi32, #tpu.memory_space<vmem>>) semaphore(%arg12 : memref<!tpu.dma_semaphore, #tpu.memory_space<semaphore_mem>>)
    %scan3A_75 = arith.constant 0 : i32
    %scan3A_76 = arith.constant 0 : i32
    %scan3A_77 = arith.constant 20 : i32
    %scan3A_78 = arith.addi %scan3A_76, %scan3A_77 : i32
    %scan3A_79 = arith.constant 1 : i32
    %scan3A_80 = scf.for %scan3A_133 = %scan3A_76 to %scan3A_78 step %scan3A_79 iter_args(%scan3A_134 = %scan3A_75) -> (i32)  : i32 {
      %mul3A_135 = arith.constant 2 : i32
      %mul3A_136 = arith.muli %mul3A_135, %scan3A_133 : i32
      %dma_wait3A = arith.constant 0 : i32
      %dma_wait3A_137 = tpu.memref_slice %arg6[%mul3A_136, %dma_wait3A] : memref<40x125xi32, #tpu.memory_space<vmem>> -> memref<1x125xi32, #tpu.memory_space<vmem>>
      %dma_wait3A_138 = tpu.memref_squeeze %dma_wait3A_137 : memref<1x125xi32, #tpu.memory_space<vmem>> -> memref<125xi32, #tpu.memory_space<vmem>>
      %dma_wait3A_139 = arith.constant 0 : i32
      %dma_wait3A_140 = arith.constant 0 : i32
      %dma_wait3A_141 = tpu.memref_slice %arg2[%dma_wait3A_139, %dma_wait3A_140] : memref<10000x128xf32, #tpu.memory_space<hbm>> -> memref<10000x128xf32, #tpu.memory_space<hbm>>
      tpu.wait_indirect_dma semaphore(%arg11 : memref<!tpu.dma_semaphore, #tpu.memory_space<semaphore_mem>>) src(%dma_wait3A_141 : memref<10000x128xf32, #tpu.memory_space<hbm>>) dst(%arg8 : memref<125x128xf32, #tpu.memory_space<vmem>>)
      %add3A_142 = arith.constant 0 : i32
      %add3A_143 = arith.addi %add3A_142, %mul3A_136 : i32
      "tpu.region"() ({
        %run_scoped3A = tpu.sem_alloc : memref<!tpu.dma_semaphore, #tpu.memory_space<semaphore_mem>>
        %dma_start3A_171 = arith.constant 0 : i32
        %dma_start3A_172 = tpu.memref_slice %arg7[%add3A_143, %dma_start3A_171] : memref<80x125xi32, #tpu.memory_space<vmem>> -> memref<1x125xi32, #tpu.memory_space<vmem>>
        %dma_start3A_173 = tpu.memref_squeeze %dma_start3A_172 : memref<1x125xi32, #tpu.memory_space<vmem>> -> memref<125xi32, #tpu.memory_space<vmem>>
        %dma_start3A_174 = arith.constant 0 : i32
        %dma_start3A_175 = arith.constant 0 : i32
        %dma_start3A_176 = tpu.memref_slice %arg10[%dma_start3A_174, %dma_start3A_175] : memref<10000x128xf32, #tpu.memory_space<vmem_shared>> -> memref<10000x128xf32, #tpu.memory_space<vmem_shared>>
        tpu.enqueue_indirect_dma source(%arg8 : memref<125x128xf32, #tpu.memory_space<vmem>>) target(%dma_start3A_176 : memref<10000x128xf32, #tpu.memory_space<vmem_shared>>) offsets(%dma_start3A_173 : memref<125xi32, #tpu.memory_space<vmem>>) semaphore(%run_scoped3A : memref<!tpu.dma_semaphore, #tpu.memory_space<semaphore_mem>>) {add = true}
        %dma_wait3A_177 = arith.constant 0 : i32
        %dma_wait3A_178 = tpu.memref_slice %arg7[%add3A_143, %dma_wait3A_177] : memref<80x125xi32, #tpu.memory_space<vmem>> -> memref<1x125xi32, #tpu.memory_space<vmem>>
        %dma_wait3A_179 = tpu.memref_squeeze %dma_wait3A_178 : memref<1x125xi32, #tpu.memory_space<vmem>> -> memref<125xi32, #tpu.memory_space<vmem>>
        %dma_wait3A_180 = arith.constant 0 : i32
        %dma_wait3A_181 = arith.constant 0 : i32
        %dma_wait3A_182 = tpu.memref_slice %arg10[%dma_wait3A_180, %dma_wait3A_181] : memref<10000x128xf32, #tpu.memory_space<vmem_shared>> -> memref<10000x128xf32, #tpu.memory_space<vmem_shared>>
        tpu.wait_indirect_dma semaphore(%run_scoped3A : memref<!tpu.dma_semaphore, #tpu.memory_space<semaphore_mem>>) src(%arg8 : memref<125x128xf32, #tpu.memory_space<vmem>>) dst(%dma_wait3A_182 : memref<10000x128xf32, #tpu.memory_space<vmem_shared>>)
        tpu.yield
      }) : () -> ()
      %add3A_144 = arith.constant 2 : i32
      %add3A_145 = arith.addi %mul3A_136, %add3A_144 : i32
      %lt3A_146 = arith.constant 40 : i32
      %lt3A_147 = arith.cmpi slt, %add3A_145, %lt3A_146 : i32
      %convert_element_type3A_148 = arith.extui %lt3A_147 : i1 to i32
      %cond3A_149 = arith.constant 0 : i32
      %cond3A_150 = arith.cmpi ne, %convert_element_type3A_148, %cond3A_149 : i32
      scf.if %cond3A_150 {
        %add3A_171 = arith.constant 2 : i32
        %add3A_172 = arith.addi %mul3A_136, %add3A_171 : i32
        %dma_start3A_173 = arith.constant 0 : i32
        %dma_start3A_174 = tpu.memref_slice %arg6[%add3A_172, %dma_start3A_173] : memref<40x125xi32, #tpu.memory_space<vmem>> -> memref<1x125xi32, #tpu.memory_space<vmem>>
        %dma_start3A_175 = tpu.memref_squeeze %dma_start3A_174 : memref<1x125xi32, #tpu.memory_space<vmem>> -> memref<125xi32, #tpu.memory_space<vmem>>
        %dma_start3A_176 = arith.constant 0 : i32
        %dma_start3A_177 = arith.constant 0 : i32
        %dma_start3A_178 = tpu.memref_slice %arg2[%dma_start3A_176, %dma_start3A_177] : memref<10000x128xf32, #tpu.memory_space<hbm>> -> memref<10000x128xf32, #tpu.memory_space<hbm>>
        tpu.enqueue_indirect_dma source(%dma_start3A_178 : memref<10000x128xf32, #tpu.memory_space<hbm>>) target(%arg8 : memref<125x128xf32, #tpu.memory_space<vmem>>) offsets(%dma_start3A_175 : memref<125xi32, #tpu.memory_space<vmem>>) semaphore(%arg11 : memref<!tpu.dma_semaphore, #tpu.memory_space<semaphore_mem>>)
      } else {
      }
      %add3A_151 = arith.constant 1 : i32
      %add3A_152 = arith.addi %mul3A_136, %add3A_151 : i32
      %dma_wait3A_153 = arith.constant 0 : i32
      %dma_wait3A_154 = tpu.memref_slice %arg6[%add3A_152, %dma_wait3A_153] : memref<40x125xi32, #tpu.memory_space<vmem>> -> memref<1x125xi32, #tpu.memory_space<vmem>>
      %dma_wait3A_155 = tpu.memref_squeeze %dma_wait3A_154 : memref<1x125xi32, #tpu.memory_space<vmem>> -> memref<125xi32, #tpu.memory_space<vmem>>
      %dma_wait3A_156 = arith.constant 0 : i32
      %dma_wait3A_157 = arith.constant 0 : i32
      %dma_wait3A_158 = tpu.memref_slice %arg2[%dma_wait3A_156, %dma_wait3A_157] : memref<10000x128xf32, #tpu.memory_space<hbm>> -> memref<10000x128xf32, #tpu.memory_space<hbm>>
      tpu.wait_indirect_dma semaphore(%arg12 : memref<!tpu.dma_semaphore, #tpu.memory_space<semaphore_mem>>) src(%dma_wait3A_158 : memref<10000x128xf32, #tpu.memory_space<hbm>>) dst(%arg9 : memref<125x128xf32, #tpu.memory_space<vmem>>)
      %add3A_159 = arith.constant 0 : i32
      %add3A_160 = arith.addi %add3A_159, %mul3A_136 : i32
      %add3A_161 = arith.constant 1 : i32
      %add3A_162 = arith.addi %add3A_160, %add3A_161 : i32
      "tpu.region"() ({
        %run_scoped3A = tpu.sem_alloc : memref<!tpu.dma_semaphore, #tpu.memory_space<semaphore_mem>>
        %dma_start3A_171 = arith.constant 0 : i32
        %dma_start3A_172 = tpu.memref_slice %arg7[%add3A_162, %dma_start3A_171] : memref<80x125xi32, #tpu.memory_space<vmem>> -> memref<1x125xi32, #tpu.memory_space<vmem>>
        %dma_start3A_173 = tpu.memref_squeeze %dma_start3A_172 : memref<1x125xi32, #tpu.memory_space<vmem>> -> memref<125xi32, #tpu.memory_space<vmem>>
        %dma_start3A_174 = arith.constant 0 : i32
        %dma_start3A_175 = arith.constant 0 : i32
        %dma_start3A_176 = tpu.memref_slice %arg10[%dma_start3A_174, %dma_start3A_175] : memref<10000x128xf32, #tpu.memory_space<vmem_shared>> -> memref<10000x128xf32, #tpu.memory_space<vmem_shared>>
        tpu.enqueue_indirect_dma source(%arg9 : memref<125x128xf32, #tpu.memory_space<vmem>>) target(%dma_start3A_176 : memref<10000x128xf32, #tpu.memory_space<vmem_shared>>) offsets(%dma_start3A_173 : memref<125xi32, #tpu.memory_space<vmem>>) semaphore(%run_scoped3A : memref<!tpu.dma_semaphore, #tpu.memory_space<semaphore_mem>>) {add = true}
        %dma_wait3A_177 = arith.constant 0 : i32
        %dma_wait3A_178 = tpu.memref_slice %arg7[%add3A_162, %dma_wait3A_177] : memref<80x125xi32, #tpu.memory_space<vmem>> -> memref<1x125xi32, #tpu.memory_space<vmem>>
        %dma_wait3A_179 = tpu.memref_squeeze %dma_wait3A_178 : memref<1x125xi32, #tpu.memory_space<vmem>> -> memref<125xi32, #tpu.memory_space<vmem>>
        %dma_wait3A_180 = arith.constant 0 : i32
        %dma_wait3A_181 = arith.constant 0 : i32
        %dma_wait3A_182 = tpu.memref_slice %arg10[%dma_wait3A_180, %dma_wait3A_181] : memref<10000x128xf32, #tpu.memory_space<vmem_shared>> -> memref<10000x128xf32, #tpu.memory_space<vmem_shared>>
        tpu.wait_indirect_dma semaphore(%run_scoped3A : memref<!tpu.dma_semaphore, #tpu.memory_space<semaphore_mem>>) src(%arg9 : memref<125x128xf32, #tpu.memory_space<vmem>>) dst(%dma_wait3A_182 : memref<10000x128xf32, #tpu.memory_space<vmem_shared>>)
        tpu.yield
      }) : () -> ()
      %add3A_163 = arith.constant 3 : i32
      %add3A_164 = arith.addi %mul3A_136, %add3A_163 : i32
      %lt3A_165 = arith.constant 40 : i32
      %lt3A_166 = arith.cmpi slt, %add3A_164, %lt3A_165 : i32
      %convert_element_type3A_167 = arith.extui %lt3A_166 : i1 to i32
      %cond3A_168 = arith.constant 0 : i32
      %cond3A_169 = arith.cmpi ne, %convert_element_type3A_167, %cond3A_168 : i32
      scf.if %cond3A_169 {
        %add3A_171 = arith.constant 3 : i32
        %add3A_172 = arith.addi %mul3A_136, %add3A_171 : i32
        %dma_start3A_173 = arith.constant 0 : i32
        %dma_start3A_174 = tpu.memref_slice %arg6[%add3A_172, %dma_start3A_173] : memref<40x125xi32, #tpu.memory_space<vmem>> -> memref<1x125xi32, #tpu.memory_space<vmem>>
        %dma_start3A_175 = tpu.memref_squeeze %dma_start3A_174 : memref<1x125xi32, #tpu.memory_space<vmem>> -> memref<125xi32, #tpu.memory_space<vmem>>
        %dma_start3A_176 = arith.constant 0 : i32
        %dma_start3A_177 = arith.constant 0 : i32
        %dma_start3A_178 = tpu.memref_slice %arg2[%dma_start3A_176, %dma_start3A_177] : memref<10000x128xf32, #tpu.memory_space<hbm>> -> memref<10000x128xf32, #tpu.memory_space<hbm>>
        tpu.enqueue_indirect_dma source(%dma_start3A_178 : memref<10000x128xf32, #tpu.memory_space<hbm>>) target(%arg9 : memref<125x128xf32, #tpu.memory_space<vmem>>) offsets(%dma_start3A_175 : memref<125xi32, #tpu.memory_space<vmem>>) semaphore(%arg12 : memref<!tpu.dma_semaphore, #tpu.memory_space<semaphore_mem>>)
      } else {
      }
      %scan3A_170 = arith.constant 0 : i32
      scf.yield %scan3A_170 : i32
    }
    %scan3A_81 = arith.constant 20 : i32
    %cond3A_82 = arith.constant 1 : i32
    "tpu.region"() ({
      %run_scoped3A = tpu.sem_alloc : memref<!tpu.dma_semaphore, #tpu.memory_space<semaphore_mem>>
      %dma_start3A_133 = arith.constant 40 : i32
      %dma_start3A_134 = arith.constant 0 : i32
      %dma_start3A_135 = tpu.memref_slice %arg3[%add3A, %dma_start3A_133, %dma_start3A_134] : memref<32x80x125xi32, #tpu.memory_space<hbm>> -> memref<1x40x125xi32, #tpu.memory_space<hbm>>
      %dma_start3A_136 = tpu.memref_squeeze %dma_start3A_135 : memref<1x40x125xi32, #tpu.memory_space<hbm>> -> memref<40x125xi32, #tpu.memory_space<hbm>>
      %dma_start3A_137 = arith.constant 40 : i32
      %dma_start3A_138 = arith.constant 0 : i32
      %dma_start3A_139 = tpu.memref_slice %arg3[%add3A, %dma_start3A_137, %dma_start3A_138] : memref<32x80x125xi32, #tpu.memory_space<hbm>> -> memref<1x40x125xi32, #tpu.memory_space<hbm>>
      %dma_start3A_140 = tpu.memref_squeeze %dma_start3A_139 : memref<1x40x125xi32, #tpu.memory_space<hbm>> -> memref<40x125xi32, #tpu.memory_space<hbm>>
      tpu.enqueue_dma source(%dma_start3A_140 : memref<40x125xi32, #tpu.memory_space<hbm>>) target(%arg6 : memref<40x125xi32, #tpu.memory_space<vmem>>) target_semaphore(%run_scoped3A : memref<!tpu.dma_semaphore, #tpu.memory_space<semaphore_mem>>)
      %dma_wait3A = arith.constant 40 : i32
      %dma_wait3A_141 = arith.constant 0 : i32
      %dma_wait3A_142 = tpu.memref_slice %arg3[%add3A, %dma_wait3A, %dma_wait3A_141] : memref<32x80x125xi32, #tpu.memory_space<hbm>> -> memref<1x40x125xi32, #tpu.memory_space<hbm>>
      %dma_wait3A_143 = tpu.memref_squeeze %dma_wait3A_142 : memref<1x40x125xi32, #tpu.memory_space<hbm>> -> memref<40x125xi32, #tpu.memory_space<hbm>>
      %dma_wait3A_144 = arith.constant 40 : i32
      %dma_wait3A_145 = arith.constant 0 : i32
      %dma_wait3A_146 = tpu.memref_slice %arg3[%add3A, %dma_wait3A_144, %dma_wait3A_145] : memref<32x80x125xi32, #tpu.memory_space<hbm>> -> memref<1x40x125xi32, #tpu.memory_space<hbm>>
      %dma_wait3A_147 = tpu.memref_squeeze %dma_wait3A_146 : memref<1x40x125xi32, #tpu.memory_space<hbm>> -> memref<40x125xi32, #tpu.memory_space<hbm>>
      tpu.wait_dma2 semaphore(%run_scoped3A : memref<!tpu.dma_semaphore, #tpu.memory_space<semaphore_mem>>) src(%dma_wait3A_147 : memref<40x125xi32, #tpu.memory_space<hbm>>) dst(%arg6 : memref<40x125xi32, #tpu.memory_space<vmem>>)
      tpu.yield
    }) : () -> ()
    %dma_start3A_83 = arith.constant 0 : i32
    %dma_start3A_84 = arith.constant 0 : i32
    %dma_start3A_85 = tpu.memref_slice %arg6[%dma_start3A_83, %dma_start3A_84] : memref<40x125xi32, #tpu.memory_space<vmem>> -> memref<1x125xi32, #tpu.memory_space<vmem>>
    %dma_start3A_86 = tpu.memref_squeeze %dma_start3A_85 : memref<1x125xi32, #tpu.memory_space<vmem>> -> memref<125xi32, #tpu.memory_space<vmem>>
    %dma_start3A_87 = arith.constant 0 : i32
    %dma_start3A_88 = arith.constant 0 : i32
    %dma_start3A_89 = tpu.memref_slice %arg2[%dma_start3A_87, %dma_start3A_88] : memref<10000x128xf32, #tpu.memory_space<hbm>> -> memref<10000x128xf32, #tpu.memory_space<hbm>>
    tpu.enqueue_indirect_dma source(%dma_start3A_89 : memref<10000x128xf32, #tpu.memory_space<hbm>>) target(%arg8 : memref<125x128xf32, #tpu.memory_space<vmem>>) offsets(%dma_start3A_86 : memref<125xi32, #tpu.memory_space<vmem>>) semaphore(%arg11 : memref<!tpu.dma_semaphore, #tpu.memory_space<semaphore_mem>>)
    %dma_start3A_90 = arith.constant 1 : i32
    %dma_start3A_91 = arith.constant 0 : i32
    %dma_start3A_92 = tpu.memref_slice %arg6[%dma_start3A_90, %dma_start3A_91] : memref<40x125xi32, #tpu.memory_space<vmem>> -> memref<1x125xi32, #tpu.memory_space<vmem>>
    %dma_start3A_93 = tpu.memref_squeeze %dma_start3A_92 : memref<1x125xi32, #tpu.memory_space<vmem>> -> memref<125xi32, #tpu.memory_space<vmem>>
    %dma_start3A_94 = arith.constant 0 : i32
    %dma_start3A_95 = arith.constant 0 : i32
    %dma_start3A_96 = tpu.memref_slice %arg2[%dma_start3A_94, %dma_start3A_95] : memref<10000x128xf32, #tpu.memory_space<hbm>> -> memref<10000x128xf32, #tpu.memory_space<hbm>>
    tpu.enqueue_indirect_dma source(%dma_start3A_96 : memref<10000x128xf32, #tpu.memory_space<hbm>>) target(%arg9 : memref<125x128xf32, #tpu.memory_space<vmem>>) offsets(%dma_start3A_93 : memref<125xi32, #tpu.memory_space<vmem>>) semaphore(%arg12 : memref<!tpu.dma_semaphore, #tpu.memory_space<semaphore_mem>>)
    %scan3A_97 = arith.constant 0 : i32
    %scan3A_98 = arith.constant 0 : i32
    %scan3A_99 = arith.constant 20 : i32
    %scan3A_100 = arith.addi %scan3A_98, %scan3A_99 : i32
    %scan3A_101 = arith.constant 1 : i32
    %scan3A_102 = scf.for %scan3A_133 = %scan3A_98 to %scan3A_100 step %scan3A_101 iter_args(%scan3A_134 = %scan3A_97) -> (i32)  : i32 {
      %mul3A_135 = arith.constant 2 : i32
      %mul3A_136 = arith.muli %mul3A_135, %scan3A_133 : i32
      %dma_wait3A = arith.constant 0 : i32
      %dma_wait3A_137 = tpu.memref_slice %arg6[%mul3A_136, %dma_wait3A] : memref<40x125xi32, #tpu.memory_space<vmem>> -> memref<1x125xi32, #tpu.memory_space<vmem>>
      %dma_wait3A_138 = tpu.memref_squeeze %dma_wait3A_137 : memref<1x125xi32, #tpu.memory_space<vmem>> -> memref<125xi32, #tpu.memory_space<vmem>>
      %dma_wait3A_139 = arith.constant 0 : i32
      %dma_wait3A_140 = arith.constant 0 : i32
      %dma_wait3A_141 = tpu.memref_slice %arg2[%dma_wait3A_139, %dma_wait3A_140] : memref<10000x128xf32, #tpu.memory_space<hbm>> -> memref<10000x128xf32, #tpu.memory_space<hbm>>
      tpu.wait_indirect_dma semaphore(%arg11 : memref<!tpu.dma_semaphore, #tpu.memory_space<semaphore_mem>>) src(%dma_wait3A_141 : memref<10000x128xf32, #tpu.memory_space<hbm>>) dst(%arg8 : memref<125x128xf32, #tpu.memory_space<vmem>>)
      %add3A_142 = arith.constant 40 : i32
      %add3A_143 = arith.addi %add3A_142, %mul3A_136 : i32
      "tpu.region"() ({
        %run_scoped3A = tpu.sem_alloc : memref<!tpu.dma_semaphore, #tpu.memory_space<semaphore_mem>>
        %dma_start3A_171 = arith.constant 0 : i32
        %dma_start3A_172 = tpu.memref_slice %arg7[%add3A_143, %dma_start3A_171] : memref<80x125xi32, #tpu.memory_space<vmem>> -> memref<1x125xi32, #tpu.memory_space<vmem>>
        %dma_start3A_173 = tpu.memref_squeeze %dma_start3A_172 : memref<1x125xi32, #tpu.memory_space<vmem>> -> memref<125xi32, #tpu.memory_space<vmem>>
        %dma_start3A_174 = arith.constant 0 : i32
        %dma_start3A_175 = arith.constant 0 : i32
        %dma_start3A_176 = tpu.memref_slice %arg10[%dma_start3A_174, %dma_start3A_175] : memref<10000x128xf32, #tpu.memory_space<vmem_shared>> -> memref<10000x128xf32, #tpu.memory_space<vmem_shared>>
        tpu.enqueue_indirect_dma source(%arg8 : memref<125x128xf32, #tpu.memory_space<vmem>>) target(%dma_start3A_176 : memref<10000x128xf32, #tpu.memory_space<vmem_shared>>) offsets(%dma_start3A_173 : memref<125xi32, #tpu.memory_space<vmem>>) semaphore(%run_scoped3A : memref<!tpu.dma_semaphore, #tpu.memory_space<semaphore_mem>>) {add = true}
        %dma_wait3A_177 = arith.constant 0 : i32
        %dma_wait3A_178 = tpu.memref_slice %arg7[%add3A_143, %dma_wait3A_177] : memref<80x125xi32, #tpu.memory_space<vmem>> -> memref<1x125xi32, #tpu.memory_space<vmem>>
        %dma_wait3A_179 = tpu.memref_squeeze %dma_wait3A_178 : memref<1x125xi32, #tpu.memory_space<vmem>> -> memref<125xi32, #tpu.memory_space<vmem>>
        %dma_wait3A_180 = arith.constant 0 : i32
        %dma_wait3A_181 = arith.constant 0 : i32
        %dma_wait3A_182 = tpu.memref_slice %arg10[%dma_wait3A_180, %dma_wait3A_181] : memref<10000x128xf32, #tpu.memory_space<vmem_shared>> -> memref<10000x128xf32, #tpu.memory_space<vmem_shared>>
        tpu.wait_indirect_dma semaphore(%run_scoped3A : memref<!tpu.dma_semaphore, #tpu.memory_space<semaphore_mem>>) src(%arg8 : memref<125x128xf32, #tpu.memory_space<vmem>>) dst(%dma_wait3A_182 : memref<10000x128xf32, #tpu.memory_space<vmem_shared>>)
        tpu.yield
      }) : () -> ()
      %add3A_144 = arith.constant 2 : i32
      %add3A_145 = arith.addi %mul3A_136, %add3A_144 : i32
      %lt3A_146 = arith.constant 40 : i32
      %lt3A_147 = arith.cmpi slt, %add3A_145, %lt3A_146 : i32
      %convert_element_type3A_148 = arith.extui %lt3A_147 : i1 to i32
      %cond3A_149 = arith.constant 0 : i32
      %cond3A_150 = arith.cmpi ne, %convert_element_type3A_148, %cond3A_149 : i32
      scf.if %cond3A_150 {
        %add3A_171 = arith.constant 2 : i32
        %add3A_172 = arith.addi %mul3A_136, %add3A_171 : i32
        %dma_start3A_173 = arith.constant 0 : i32
        %dma_start3A_174 = tpu.memref_slice %arg6[%add3A_172, %dma_start3A_173] : memref<40x125xi32, #tpu.memory_space<vmem>> -> memref<1x125xi32, #tpu.memory_space<vmem>>
        %dma_start3A_175 = tpu.memref_squeeze %dma_start3A_174 : memref<1x125xi32, #tpu.memory_space<vmem>> -> memref<125xi32, #tpu.memory_space<vmem>>
        %dma_start3A_176 = arith.constant 0 : i32
        %dma_start3A_177 = arith.constant 0 : i32
        %dma_start3A_178 = tpu.memref_slice %arg2[%dma_start3A_176, %dma_start3A_177] : memref<10000x128xf32, #tpu.memory_space<hbm>> -> memref<10000x128xf32, #tpu.memory_space<hbm>>
        tpu.enqueue_indirect_dma source(%dma_start3A_178 : memref<10000x128xf32, #tpu.memory_space<hbm>>) target(%arg8 : memref<125x128xf32, #tpu.memory_space<vmem>>) offsets(%dma_start3A_175 : memref<125xi32, #tpu.memory_space<vmem>>) semaphore(%arg11 : memref<!tpu.dma_semaphore, #tpu.memory_space<semaphore_mem>>)
      } else {
      }
      %add3A_151 = arith.constant 1 : i32
      %add3A_152 = arith.addi %mul3A_136, %add3A_151 : i32
      %dma_wait3A_153 = arith.constant 0 : i32
      %dma_wait3A_154 = tpu.memref_slice %arg6[%add3A_152, %dma_wait3A_153] : memref<40x125xi32, #tpu.memory_space<vmem>> -> memref<1x125xi32, #tpu.memory_space<vmem>>
      %dma_wait3A_155 = tpu.memref_squeeze %dma_wait3A_154 : memref<1x125xi32, #tpu.memory_space<vmem>> -> memref<125xi32, #tpu.memory_space<vmem>>
      %dma_wait3A_156 = arith.constant 0 : i32
      %dma_wait3A_157 = arith.constant 0 : i32
      %dma_wait3A_158 = tpu.memref_slice %arg2[%dma_wait3A_156, %dma_wait3A_157] : memref<10000x128xf32, #tpu.memory_space<hbm>> -> memref<10000x128xf32, #tpu.memory_space<hbm>>
      tpu.wait_indirect_dma semaphore(%arg12 : memref<!tpu.dma_semaphore, #tpu.memory_space<semaphore_mem>>) src(%dma_wait3A_158 : memref<10000x128xf32, #tpu.memory_space<hbm>>) dst(%arg9 : memref<125x128xf32, #tpu.memory_space<vmem>>)
      %add3A_159 = arith.constant 40 : i32
      %add3A_160 = arith.addi %add3A_159, %mul3A_136 : i32
      %add3A_161 = arith.constant 1 : i32
      %add3A_162 = arith.addi %add3A_160, %add3A_161 : i32
      "tpu.region"() ({
        %run_scoped3A = tpu.sem_alloc : memref<!tpu.dma_semaphore, #tpu.memory_space<semaphore_mem>>
        %dma_start3A_171 = arith.constant 0 : i32
        %dma_start3A_172 = tpu.memref_slice %arg7[%add3A_162, %dma_start3A_171] : memref<80x125xi32, #tpu.memory_space<vmem>> -> memref<1x125xi32, #tpu.memory_space<vmem>>
        %dma_start3A_173 = tpu.memref_squeeze %dma_start3A_172 : memref<1x125xi32, #tpu.memory_space<vmem>> -> memref<125xi32, #tpu.memory_space<vmem>>
        %dma_start3A_174 = arith.constant 0 : i32
        %dma_start3A_175 = arith.constant 0 : i32
        %dma_start3A_176 = tpu.memref_slice %arg10[%dma_start3A_174, %dma_start3A_175] : memref<10000x128xf32, #tpu.memory_space<vmem_shared>> -> memref<10000x128xf32, #tpu.memory_space<vmem_shared>>
        tpu.enqueue_indirect_dma source(%arg9 : memref<125x128xf32, #tpu.memory_space<vmem>>) target(%dma_start3A_176 : memref<10000x128xf32, #tpu.memory_space<vmem_shared>>) offsets(%dma_start3A_173 : memref<125xi32, #tpu.memory_space<vmem>>) semaphore(%run_scoped3A : memref<!tpu.dma_semaphore, #tpu.memory_space<semaphore_mem>>) {add = true}
        %dma_wait3A_177 = arith.constant 0 : i32
        %dma_wait3A_178 = tpu.memref_slice %arg7[%add3A_162, %dma_wait3A_177] : memref<80x125xi32, #tpu.memory_space<vmem>> -> memref<1x125xi32, #tpu.memory_space<vmem>>
        %dma_wait3A_179 = tpu.memref_squeeze %dma_wait3A_178 : memref<1x125xi32, #tpu.memory_space<vmem>> -> memref<125xi32, #tpu.memory_space<vmem>>
        %dma_wait3A_180 = arith.constant 0 : i32
        %dma_wait3A_181 = arith.constant 0 : i32
        %dma_wait3A_182 = tpu.memref_slice %arg10[%dma_wait3A_180, %dma_wait3A_181] : memref<10000x128xf32, #tpu.memory_space<vmem_shared>> -> memref<10000x128xf32, #tpu.memory_space<vmem_shared>>
        tpu.wait_indirect_dma semaphore(%run_scoped3A : memref<!tpu.dma_semaphore, #tpu.memory_space<semaphore_mem>>) src(%arg9 : memref<125x128xf32, #tpu.memory_space<vmem>>) dst(%dma_wait3A_182 : memref<10000x128xf32, #tpu.memory_space<vmem_shared>>)
        tpu.yield
      }) : () -> ()
      %add3A_163 = arith.constant 3 : i32
      %add3A_164 = arith.addi %mul3A_136, %add3A_163 : i32
      %lt3A_165 = arith.constant 40 : i32
      %lt3A_166 = arith.cmpi slt, %add3A_164, %lt3A_165 : i32
      %convert_element_type3A_167 = arith.extui %lt3A_166 : i1 to i32
      %cond3A_168 = arith.constant 0 : i32
      %cond3A_169 = arith.cmpi ne, %convert_element_type3A_167, %cond3A_168 : i32
      scf.if %cond3A_169 {
        %add3A_171 = arith.constant 3 : i32
        %add3A_172 = arith.addi %mul3A_136, %add3A_171 : i32
        %dma_start3A_173 = arith.constant 0 : i32
        %dma_start3A_174 = tpu.memref_slice %arg6[%add3A_172, %dma_start3A_173] : memref<40x125xi32, #tpu.memory_space<vmem>> -> memref<1x125xi32, #tpu.memory_space<vmem>>
        %dma_start3A_175 = tpu.memref_squeeze %dma_start3A_174 : memref<1x125xi32, #tpu.memory_space<vmem>> -> memref<125xi32, #tpu.memory_space<vmem>>
        %dma_start3A_176 = arith.constant 0 : i32
        %dma_start3A_177 = arith.constant 0 : i32
        %dma_start3A_178 = tpu.memref_slice %arg2[%dma_start3A_176, %dma_start3A_177] : memref<10000x128xf32, #tpu.memory_space<hbm>> -> memref<10000x128xf32, #tpu.memory_space<hbm>>
        tpu.enqueue_indirect_dma source(%dma_start3A_178 : memref<10000x128xf32, #tpu.memory_space<hbm>>) target(%arg9 : memref<125x128xf32, #tpu.memory_space<vmem>>) offsets(%dma_start3A_175 : memref<125xi32, #tpu.memory_space<vmem>>) semaphore(%arg12 : memref<!tpu.dma_semaphore, #tpu.memory_space<semaphore_mem>>)
      } else {
      }
      %scan3A_170 = arith.constant 0 : i32
      scf.yield %scan3A_170 : i32
    }
    %scan3A_103 = arith.constant 20 : i32
    %barrier3A_104 = arith.constant 0 : index
    tpu.barrier barrier_id(%barrier3A_104)
    %add3A_105 = arith.constant 0 : i32
    %add3A_106 = arith.addi %add3A_105, %arg1 : i32
    %lt3A_107 = arith.constant 50 : i32
    %lt3A_108 = arith.cmpi slt, %add3A_106, %lt3A_107 : i32
    %convert_element_type3A_109 = arith.extui %lt3A_108 : i1 to i32
    %cond3A_110 = arith.constant 0 : i32
    %cond3A_111 = arith.cmpi ne, %convert_element_type3A_109, %cond3A_110 : i32
    scf.if %cond3A_111 {
      %mul3A_133 = arith.constant 200 : i32
      %mul3A_134 = arith.muli %add3A_106, %mul3A_133 : i32
      %mul3A_135 = arith.constant 200 : i32
      %mul3A_136 = arith.muli %add3A_106, %mul3A_135 : i32
      "tpu.region"() ({
        %run_scoped3A = tpu.sem_alloc : memref<!tpu.dma_semaphore, #tpu.memory_space<semaphore_mem>>
        %dma_start3A_137 = arith.constant 0 : i32
        %dma_start3A_138 = tpu.memref_slice %arg5[%arg0, %mul3A_136, %dma_start3A_137] : memref<2x10000x128xf32, #tpu.memory_space<hbm>> -> memref<1x200x128xf32, #tpu.memory_space<hbm>>
        %dma_start3A_139 = tpu.memref_squeeze %dma_start3A_138 : memref<1x200x128xf32, #tpu.memory_space<hbm>> -> memref<200x128xf32, #tpu.memory_space<hbm>>
        %dma_start3A_140 = arith.constant 0 : i32
        %dma_start3A_141 = tpu.memref_slice %arg10[%mul3A_134, %dma_start3A_140] : memref<10000x128xf32, #tpu.memory_space<vmem_shared>> -> memref<200x128xf32, #tpu.memory_space<vmem_shared>>
        tpu.enqueue_dma source(%dma_start3A_141 : memref<200x128xf32, #tpu.memory_space<vmem_shared>>) target(%dma_start3A_139 : memref<200x128xf32, #tpu.memory_space<hbm>>) target_semaphore(%run_scoped3A : memref<!tpu.dma_semaphore, #tpu.memory_space<semaphore_mem>>)
        %dma_wait3A = arith.constant 0 : i32
        %dma_wait3A_142 = tpu.memref_slice %arg5[%arg0, %mul3A_136, %dma_wait3A] : memref<2x10000x128xf32, #tpu.memory_space<hbm>> -> memref<1x200x128xf32, #tpu.memory_space<hbm>>
        %dma_wait3A_143 = tpu.memref_squeeze %dma_wait3A_142 : memref<1x200x128xf32, #tpu.memory_space<hbm>> -> memref<200x128xf32, #tpu.memory_space<hbm>>
        %dma_wait3A_144 = arith.constant 0 : i32
        %dma_wait3A_145 = tpu.memref_slice %arg10[%mul3A_134, %dma_wait3A_144] : memref<10000x128xf32, #tpu.memory_space<vmem_shared>> -> memref<200x128xf32, #tpu.memory_space<vmem_shared>>
        tpu.wait_dma2 semaphore(%run_scoped3A : memref<!tpu.dma_semaphore, #tpu.memory_space<semaphore_mem>>) src(%dma_wait3A_145 : memref<200x128xf32, #tpu.memory_space<vmem_shared>>) dst(%dma_wait3A_143 : memref<200x128xf32, #tpu.memory_space<hbm>>)
        tpu.yield
      }) : () -> ()
    } else {
    }
    %add3A_112 = arith.constant 16 : i32
    %add3A_113 = arith.addi %add3A_112, %arg1 : i32
    %lt3A_114 = arith.constant 50 : i32
    %lt3A_115 = arith.cmpi slt, %add3A_113, %lt3A_114 : i32
    %convert_element_type3A_116 = arith.extui %lt3A_115 : i1 to i32
    %cond3A_117 = arith.constant 0 : i32
    %cond3A_118 = arith.cmpi ne, %convert_element_type3A_116, %cond3A_117 : i32
    scf.if %cond3A_118 {
      %mul3A_133 = arith.constant 200 : i32
      %mul3A_134 = arith.muli %add3A_113, %mul3A_133 : i32
      %mul3A_135 = arith.constant 200 : i32
      %mul3A_136 = arith.muli %add3A_113, %mul3A_135 : i32
      "tpu.region"() ({
        %run_scoped3A = tpu.sem_alloc : memref<!tpu.dma_semaphore, #tpu.memory_space<semaphore_mem>>
        %dma_start3A_137 = arith.constant 0 : i32
        %dma_start3A_138 = tpu.memref_slice %arg5[%arg0, %mul3A_136, %dma_start3A_137] : memref<2x10000x128xf32, #tpu.memory_space<hbm>> -> memref<1x200x128xf32, #tpu.memory_space<hbm>>
        %dma_start3A_139 = tpu.memref_squeeze %dma_start3A_138 : memref<1x200x128xf32, #tpu.memory_space<hbm>> -> memref<200x128xf32, #tpu.memory_space<hbm>>
        %dma_start3A_140 = arith.constant 0 : i32
        %dma_start3A_141 = tpu.memref_slice %arg10[%mul3A_134, %dma_start3A_140] : memref<10000x128xf32, #tpu.memory_space<vmem_shared>> -> memref<200x128xf32, #tpu.memory_space<vmem_shared>>
        tpu.enqueue_dma source(%dma_start3A_141 : memref<200x128xf32, #tpu.memory_space<vmem_shared>>) target(%dma_start3A_139 : memref<200x128xf32, #tpu.memory_space<hbm>>) target_semaphore(%run_scoped3A : memref<!tpu.dma_semaphore, #tpu.memory_space<semaphore_mem>>)
        %dma_wait3A = arith.constant 0 : i32
        %dma_wait3A_142 = tpu.memref_slice %arg5[%arg0, %mul3A_136, %dma_wait3A] : memref<2x10000x128xf32, #tpu.memory_space<hbm>> -> memref<1x200x128xf32, #tpu.memory_space<hbm>>
        %dma_wait3A_143 = tpu.memref_squeeze %dma_wait3A_142 : memref<1x200x128xf32, #tpu.memory_space<hbm>> -> memref<200x128xf32, #tpu.memory_space<hbm>>
        %dma_wait3A_144 = arith.constant 0 : i32
        %dma_wait3A_145 = tpu.memref_slice %arg10[%mul3A_134, %dma_wait3A_144] : memref<10000x128xf32, #tpu.memory_space<vmem_shared>> -> memref<200x128xf32, #tpu.memory_space<vmem_shared>>
        tpu.wait_dma2 semaphore(%run_scoped3A : memref<!tpu.dma_semaphore, #tpu.memory_space<semaphore_mem>>) src(%dma_wait3A_145 : memref<200x128xf32, #tpu.memory_space<vmem_shared>>) dst(%dma_wait3A_143 : memref<200x128xf32, #tpu.memory_space<hbm>>)
        tpu.yield
      }) : () -> ()
    } else {
    }
    %add3A_119 = arith.constant 32 : i32
    %add3A_120 = arith.addi %add3A_119, %arg1 : i32
    %lt3A_121 = arith.constant 50 : i32
    %lt3A_122 = arith.cmpi slt, %add3A_120, %lt3A_121 : i32
    %convert_element_type3A_123 = arith.extui %lt3A_122 : i1 to i32
    %cond3A_124 = arith.constant 0 : i32
    %cond3A_125 = arith.cmpi ne, %convert_element_type3A_123, %cond3A_124 : i32
    scf.if %cond3A_125 {
      %mul3A_133 = arith.constant 200 : i32
      %mul3A_134 = arith.muli %add3A_120, %mul3A_133 : i32
      %mul3A_135 = arith.constant 200 : i32
      %mul3A_136 = arith.muli %add3A_120, %mul3A_135 : i32
      "tpu.region"() ({
        %run_scoped3A = tpu.sem_alloc : memref<!tpu.dma_semaphore, #tpu.memory_space<semaphore_mem>>
        %dma_start3A_137 = arith.constant 0 : i32
        %dma_start3A_138 = tpu.memref_slice %arg5[%arg0, %mul3A_136, %dma_start3A_137] : memref<2x10000x128xf32, #tpu.memory_space<hbm>> -> memref<1x200x128xf32, #tpu.memory_space<hbm>>
        %dma_start3A_139 = tpu.memref_squeeze %dma_start3A_138 : memref<1x200x128xf32, #tpu.memory_space<hbm>> -> memref<200x128xf32, #tpu.memory_space<hbm>>
        %dma_start3A_140 = arith.constant 0 : i32
        %dma_start3A_141 = tpu.memref_slice %arg10[%mul3A_134, %dma_start3A_140] : memref<10000x128xf32, #tpu.memory_space<vmem_shared>> -> memref<200x128xf32, #tpu.memory_space<vmem_shared>>
        tpu.enqueue_dma source(%dma_start3A_141 : memref<200x128xf32, #tpu.memory_space<vmem_shared>>) target(%dma_start3A_139 : memref<200x128xf32, #tpu.memory_space<hbm>>) target_semaphore(%run_scoped3A : memref<!tpu.dma_semaphore, #tpu.memory_space<semaphore_mem>>)
        %dma_wait3A = arith.constant 0 : i32
        %dma_wait3A_142 = tpu.memref_slice %arg5[%arg0, %mul3A_136, %dma_wait3A] : memref<2x10000x128xf32, #tpu.memory_space<hbm>> -> memref<1x200x128xf32, #tpu.memory_space<hbm>>
        %dma_wait3A_143 = tpu.memref_squeeze %dma_wait3A_142 : memref<1x200x128xf32, #tpu.memory_space<hbm>> -> memref<200x128xf32, #tpu.memory_space<hbm>>
        %dma_wait3A_144 = arith.constant 0 : i32
        %dma_wait3A_145 = tpu.memref_slice %arg10[%mul3A_134, %dma_wait3A_144] : memref<10000x128xf32, #tpu.memory_space<vmem_shared>> -> memref<200x128xf32, #tpu.memory_space<vmem_shared>>
        tpu.wait_dma2 semaphore(%run_scoped3A : memref<!tpu.dma_semaphore, #tpu.memory_space<semaphore_mem>>) src(%dma_wait3A_145 : memref<200x128xf32, #tpu.memory_space<vmem_shared>>) dst(%dma_wait3A_143 : memref<200x128xf32, #tpu.memory_space<hbm>>)
        tpu.yield
      }) : () -> ()
    } else {
    }
    %add3A_126 = arith.constant 48 : i32
    %add3A_127 = arith.addi %add3A_126, %arg1 : i32
    %lt3A_128 = arith.constant 50 : i32
    %lt3A_129 = arith.cmpi slt, %add3A_127, %lt3A_128 : i32
    %convert_element_type3A_130 = arith.extui %lt3A_129 : i1 to i32
    %cond3A_131 = arith.constant 0 : i32
    %cond3A_132 = arith.cmpi ne, %convert_element_type3A_130, %cond3A_131 : i32
    scf.if %cond3A_132 {
      %mul3A_133 = arith.constant 200 : i32
      %mul3A_134 = arith.muli %add3A_127, %mul3A_133 : i32
      %mul3A_135 = arith.constant 200 : i32
      %mul3A_136 = arith.muli %add3A_127, %mul3A_135 : i32
      "tpu.region"() ({
        %run_scoped3A = tpu.sem_alloc : memref<!tpu.dma_semaphore, #tpu.memory_space<semaphore_mem>>
        %dma_start3A_137 = arith.constant 0 : i32
        %dma_start3A_138 = tpu.memref_slice %arg5[%arg0, %mul3A_136, %dma_start3A_137] : memref<2x10000x128xf32, #tpu.memory_space<hbm>> -> memref<1x200x128xf32, #tpu.memory_space<hbm>>
        %dma_start3A_139 = tpu.memref_squeeze %dma_start3A_138 : memref<1x200x128xf32, #tpu.memory_space<hbm>> -> memref<200x128xf32, #tpu.memory_space<hbm>>
        %dma_start3A_140 = arith.constant 0 : i32
        %dma_start3A_141 = tpu.memref_slice %arg10[%mul3A_134, %dma_start3A_140] : memref<10000x128xf32, #tpu.memory_space<vmem_shared>> -> memref<200x128xf32, #tpu.memory_space<vmem_shared>>
        tpu.enqueue_dma source(%dma_start3A_141 : memref<200x128xf32, #tpu.memory_space<vmem_shared>>) target(%dma_start3A_139 : memref<200x128xf32, #tpu.memory_space<hbm>>) target_semaphore(%run_scoped3A : memref<!tpu.dma_semaphore, #tpu.memory_space<semaphore_mem>>)
        %dma_wait3A = arith.constant 0 : i32
        %dma_wait3A_142 = tpu.memref_slice %arg5[%arg0, %mul3A_136, %dma_wait3A] : memref<2x10000x128xf32, #tpu.memory_space<hbm>> -> memref<1x200x128xf32, #tpu.memory_space<hbm>>
        %dma_wait3A_143 = tpu.memref_squeeze %dma_wait3A_142 : memref<1x200x128xf32, #tpu.memory_space<hbm>> -> memref<200x128xf32, #tpu.memory_space<hbm>>
        %dma_wait3A_144 = arith.constant 0 : i32
        %dma_wait3A_145 = tpu.memref_slice %arg10[%mul3A_134, %dma_wait3A_144] : memref<10000x128xf32, #tpu.memory_space<vmem_shared>> -> memref<200x128xf32, #tpu.memory_space<vmem_shared>>
        tpu.wait_dma2 semaphore(%run_scoped3A : memref<!tpu.dma_semaphore, #tpu.memory_space<semaphore_mem>>) src(%dma_wait3A_145 : memref<200x128xf32, #tpu.memory_space<vmem_shared>>) dst(%dma_wait3A_143 : memref<200x128xf32, #tpu.memory_space<hbm>>)
        tpu.yield
      }) : () -> ()
    } else {
    }
    return
  }
}

module attributes {stable_mosaic.version = 14 : i64} {
  func.func @_t2_body(%arg0: memref<2x10000x128xf32, #tpu.memory_space<vmem>>, %arg1: memref<10000xf32, #tpu.memory_space<vmem>>, %arg2: memref<128x128xf32, #tpu.memory_space<vmem>>, %arg3: memref<128xf32, #tpu.memory_space<vmem>>, %arg4: memref<10000x128xf32, #tpu.memory_space<vmem>>) attributes {dimension_semantics = [], scalar_prefetch = 0 : i64, scratch_operands = 0 : i64, tpu.core_type = #tpu.core_type<tc>} {
    %get3A = arith.constant 0 : index
    %get3A_0 = vector.load %arg1[%get3A] : memref<10000xf32, #tpu.memory_space<vmem>>, vector<10000xf32>
    %get3A_1 = arith.constant 0 : index
    %get3A_2 = arith.constant 0 : index
    %get3A_3 = arith.constant 0 : index
    %get3A_4 = vector.load %arg0[%get3A_1, %get3A_2, %get3A_3] : memref<2x10000x128xf32, #tpu.memory_space<vmem>>, vector<1x10000x128xf32>
    %get3A_5 = vector.shape_cast %get3A_4 : vector<1x10000x128xf32> to vector<10000x128xf32>
    %get3A_6 = arith.constant 1 : index
    %get3A_7 = arith.constant 0 : index
    %get3A_8 = arith.constant 0 : index
    %get3A_9 = vector.load %arg0[%get3A_6, %get3A_7, %get3A_8] : memref<2x10000x128xf32, #tpu.memory_space<vmem>>, vector<1x10000x128xf32>
    %get3A_10 = vector.shape_cast %get3A_9 : vector<1x10000x128xf32> to vector<10000x128xf32>
    %add3A = arith.addf %get3A_5, %get3A_10 : vector<10000x128xf32>
    %broadcast_in_dim3A = vector.shape_cast %get3A_0 : vector<10000xf32> to vector<10000x1xf32>
    %mul3A = vector.broadcast %broadcast_in_dim3A : vector<10000x1xf32> to vector<10000x128xf32>
    %mul3A_11 = arith.mulf %add3A, %mul3A : vector<10000x128xf32>
    %get3A_12 = arith.constant 0 : index
    %get3A_13 = arith.constant 0 : index
    %get3A_14 = vector.load %arg2[%get3A_12, %get3A_13] : memref<128x128xf32, #tpu.memory_space<vmem>>, vector<128x128xf32>
    %dot_general3A = arith.constant dense<0.000000e+00> : vector<10000x128xf32>
    %dot_general3A_15 = tpu.matmul %mul3A_11, %get3A_14, %dot_general3A {dimension_numbers = #tpu.dot_dimension_numbers<[1], [0], [0], [1], [0, 0, 1, 1], [], []>, transpose_lhs_hint = false} : vector<10000x128xf32>, vector<128x128xf32>, vector<10000x128xf32> -> vector<10000x128xf32>
    %get3A_16 = arith.constant 0 : index
    %get3A_17 = vector.load %arg3[%get3A_16] : memref<128xf32, #tpu.memory_space<vmem>>, vector<128xf32>
    %broadcast_in_dim3A_18 = vector.shape_cast %get3A_17 : vector<128xf32> to vector<1x128xf32>
    %add3A_19 = vector.broadcast %broadcast_in_dim3A_18 : vector<1x128xf32> to vector<10000x128xf32>
    %add3A_20 = arith.addf %dot_general3A_15, %add3A_19 : vector<10000x128xf32>
    %max3A = arith.constant 0.000000e+00 : f32
    %max3A_21 = vector.broadcast %max3A : f32 to vector<10000x128xf32>
    %max3A_22 = arith.maximumf %add3A_20, %max3A_21 : vector<10000x128xf32>
    %broadcast_in_dim3A_23 = vector.shape_cast %get3A_0 : vector<10000xf32> to vector<10000x1xf32>
    %mul3A_24 = vector.broadcast %broadcast_in_dim3A_23 : vector<10000x1xf32> to vector<10000x128xf32>
    %mul3A_25 = arith.mulf %max3A_22, %mul3A_24 : vector<10000x128xf32>
    %swap3A = arith.constant 0 : index
    %swap3A_26 = arith.constant 0 : index
    %swap3A_27 = vector.load %arg4[%swap3A, %swap3A_26] : memref<10000x128xf32, #tpu.memory_space<vmem>>, vector<10000x128xf32>
    tpu.vector_store %arg4[%swap3A, %swap3A_26], %mul3A_25 {strides = array<i32>} : memref<10000x128xf32, #tpu.memory_space<vmem>>, vector<10000x128xf32>,
    return
  }
}

module attributes {stable_mosaic.version = 14 : i64} {
  func.func @_t1_body(%arg0: memref<2x10240xf32, #tpu.memory_space<vmem>>, %arg1: memref<10000x128xf32, #tpu.memory_space<vmem>>, %arg2: memref<10000xf32, #tpu.memory_space<vmem>>, %arg3: memref<10000x128xf32, #tpu.memory_space<vmem>>) attributes {dimension_semantics = [], scalar_prefetch = 0 : i64, scratch_operands = 0 : i64, tpu.core_type = #tpu.core_type<tc>} {
    %get3A = arith.constant 0 : index
    %get3A_0 = arith.constant 0 : index
    %get3A_1 = vector.load %arg0[%get3A, %get3A_0] : memref<2x10240xf32, #tpu.memory_space<vmem>>, vector<2x10000xf32>
    %reduce_sum3A = arith.constant dense<0.000000e+00> : vector<10000xf32>
    %reduce_sum3A_2 = vector.multi_reduction <add>, %get3A_1, %reduce_sum3A [0] : vector<2x10000xf32> to vector<10000xf32>
    %max3A = arith.constant 1.000000e+00 : f32
    %max3A_3 = vector.broadcast %max3A : f32 to vector<10000xf32>
    %max3A_4 = arith.maximumf %reduce_sum3A_2, %max3A_3 : vector<10000xf32>
    %rsqrt3A = math.rsqrt %max3A_4 : vector<10000xf32>
    %swap3A = arith.constant 0 : index
    %swap3A_5 = vector.load %arg2[%swap3A] : memref<10000xf32, #tpu.memory_space<vmem>>, vector<10000xf32>
    tpu.vector_store %arg2[%swap3A], %rsqrt3A {strides = array<i32>} : memref<10000xf32, #tpu.memory_space<vmem>>, vector<10000xf32>,
    %get3A_6 = arith.constant 0 : index
    %get3A_7 = arith.constant 0 : index
    %get3A_8 = vector.load %arg1[%get3A_6, %get3A_7] : memref<10000x128xf32, #tpu.memory_space<vmem>>, vector<10000x128xf32>
    %broadcast_in_dim3A = vector.shape_cast %rsqrt3A : vector<10000xf32> to vector<10000x1xf32>
    %mul3A = vector.broadcast %broadcast_in_dim3A : vector<10000x1xf32> to vector<10000x128xf32>
    %mul3A_9 = arith.mulf %get3A_8, %mul3A : vector<10000x128xf32>
    %swap3A_10 = arith.constant 0 : index
    %swap3A_11 = arith.constant 0 : index
    %swap3A_12 = vector.load %arg3[%swap3A_10, %swap3A_11] : memref<10000x128xf32, #tpu.memory_space<vmem>>, vector<10000x128xf32>
    tpu.vector_store %arg3[%swap3A_10, %swap3A_11], %mul3A_9 {strides = array<i32>} : memref<10000x128xf32, #tpu.memory_space<vmem>>, vector<10000x128xf32>,
    return
  }
}

module attributes {stable_mosaic.version = 14 : i64} {
  func.func @_t3_body(%arg0: memref<4096x64xf32, #tpu.memory_space<vmem>>, %arg1: memref<4096x128xf32, #tpu.memory_space<vmem>>, %arg2: memref<4096x128xf32, #tpu.memory_space<vmem>>, %arg3: memref<4096xf32, #tpu.memory_space<vmem>>, %arg4: memref<64x64xf32, #tpu.memory_space<vmem>>, %arg5: memref<64xf32, #tpu.memory_space<vmem>>, %arg6: memref<128x128xf32, #tpu.memory_space<vmem>>, %arg7: memref<128xf32, #tpu.memory_space<vmem>>, %arg8: memref<192x128xf32, #tpu.memory_space<vmem>>, %arg9: memref<128xf32, #tpu.memory_space<vmem>>, %arg10: memref<128x1xf32, #tpu.memory_space<vmem>>, %arg11: memref<1xf32, #tpu.memory_space<vmem>>, %arg12: memref<4096x1xf32, #tpu.memory_space<vmem>>) attributes {dimension_semantics = [], scalar_prefetch = 0 : i64, scratch_operands = 0 : i64, tpu.core_type = #tpu.core_type<tc>} {
    %get3A = arith.constant 0 : index
    %get3A_0 = arith.constant 0 : index
    %get3A_1 = vector.load %arg0[%get3A, %get3A_0] : memref<4096x64xf32, #tpu.memory_space<vmem>>, vector<4096x64xf32>
    %get3A_2 = arith.constant 0 : index
    %get3A_3 = arith.constant 0 : index
    %get3A_4 = vector.load %arg4[%get3A_2, %get3A_3] : memref<64x64xf32, #tpu.memory_space<vmem>>, vector<64x64xf32>
    %dot_general3A = arith.constant dense<0.000000e+00> : vector<4096x64xf32>
    %dot_general3A_5 = tpu.matmul %get3A_1, %get3A_4, %dot_general3A {dimension_numbers = #tpu.dot_dimension_numbers<[1], [0], [0], [1], [0, 0, 1, 1], [], []>, transpose_lhs_hint = false} : vector<4096x64xf32>, vector<64x64xf32>, vector<4096x64xf32> -> vector<4096x64xf32>
    %get3A_6 = arith.constant 0 : index
    %get3A_7 = vector.load %arg5[%get3A_6] : memref<64xf32, #tpu.memory_space<vmem>>, vector<64xf32>
    %broadcast_in_dim3A = vector.shape_cast %get3A_7 : vector<64xf32> to vector<1x64xf32>
    %add3A = vector.broadcast %broadcast_in_dim3A : vector<1x64xf32> to vector<4096x64xf32>
    %add3A_8 = arith.addf %dot_general3A_5, %add3A : vector<4096x64xf32>
    %max3A = arith.constant 0.000000e+00 : f32
    %max3A_9 = vector.broadcast %max3A : f32 to vector<4096x64xf32>
    %max3A_10 = arith.maximumf %add3A_8, %max3A_9 : vector<4096x64xf32>
    %get3A_11 = arith.constant 0 : index
    %get3A_12 = vector.load %arg3[%get3A_11] : memref<4096xf32, #tpu.memory_space<vmem>>, vector<4096xf32>
    %get3A_13 = arith.constant 0 : index
    %get3A_14 = arith.constant 0 : index
    %get3A_15 = vector.load %arg1[%get3A_13, %get3A_14] : memref<4096x128xf32, #tpu.memory_space<vmem>>, vector<4096x128xf32>
    %get3A_16 = arith.constant 0 : index
    %get3A_17 = arith.constant 0 : index
    %get3A_18 = vector.load %arg2[%get3A_16, %get3A_17] : memref<4096x128xf32, #tpu.memory_space<vmem>>, vector<4096x128xf32>
    %add3A_19 = arith.addf %get3A_15, %get3A_18 : vector<4096x128xf32>
    %broadcast_in_dim3A_20 = vector.shape_cast %get3A_12 : vector<4096xf32> to vector<4096x1xf32>
    %mul3A = vector.broadcast %broadcast_in_dim3A_20 : vector<4096x1xf32> to vector<4096x128xf32>
    %mul3A_21 = arith.mulf %add3A_19, %mul3A : vector<4096x128xf32>
    %get3A_22 = arith.constant 0 : index
    %get3A_23 = arith.constant 0 : index
    %get3A_24 = vector.load %arg6[%get3A_22, %get3A_23] : memref<128x128xf32, #tpu.memory_space<vmem>>, vector<128x128xf32>
    %dot_general3A_25 = arith.constant dense<0.000000e+00> : vector<4096x128xf32>
    %dot_general3A_26 = tpu.matmul %mul3A_21, %get3A_24, %dot_general3A_25 {dimension_numbers = #tpu.dot_dimension_numbers<[1], [0], [0], [1], [0, 0, 1, 1], [], []>, transpose_lhs_hint = false} : vector<4096x128xf32>, vector<128x128xf32>, vector<4096x128xf32> -> vector<4096x128xf32>
    %get3A_27 = arith.constant 0 : index
    %get3A_28 = vector.load %arg7[%get3A_27] : memref<128xf32, #tpu.memory_space<vmem>>, vector<128xf32>
    %broadcast_in_dim3A_29 = vector.shape_cast %get3A_28 : vector<128xf32> to vector<1x128xf32>
    %add3A_30 = vector.broadcast %broadcast_in_dim3A_29 : vector<1x128xf32> to vector<4096x128xf32>
    %add3A_31 = arith.addf %dot_general3A_26, %add3A_30 : vector<4096x128xf32>
    %max3A_32 = arith.constant 0.000000e+00 : f32
    %max3A_33 = vector.broadcast %max3A_32 : f32 to vector<4096x128xf32>
    %max3A_34 = arith.maximumf %add3A_31, %max3A_33 : vector<4096x128xf32>
    %get3A_35 = arith.constant 0 : index
    %get3A_36 = arith.constant 0 : index
    %get3A_37 = vector.load %arg8[%get3A_35, %get3A_36] : memref<192x128xf32, #tpu.memory_space<vmem>>, vector<64x128xf32>
    %dot_general3A_38 = arith.constant dense<0.000000e+00> : vector<4096x128xf32>
    %dot_general3A_39 = tpu.matmul %max3A_10, %get3A_37, %dot_general3A_38 {dimension_numbers = #tpu.dot_dimension_numbers<[1], [0], [0], [1], [0, 0, 1, 1], [], []>, transpose_lhs_hint = false} : vector<4096x64xf32>, vector<64x128xf32>, vector<4096x128xf32> -> vector<4096x128xf32>
    %get3A_40 = arith.constant 64 : index
    %get3A_41 = arith.constant 0 : index
    %get3A_42 = vector.load %arg8[%get3A_40, %get3A_41] : memref<192x128xf32, #tpu.memory_space<vmem>>, vector<128x128xf32>
    %dot_general3A_43 = arith.constant dense<0.000000e+00> : vector<4096x128xf32>
    %dot_general3A_44 = tpu.matmul %max3A_34, %get3A_42, %dot_general3A_43 {dimension_numbers = #tpu.dot_dimension_numbers<[1], [0], [0], [1], [0, 0, 1, 1], [], []>, transpose_lhs_hint = false} : vector<4096x128xf32>, vector<128x128xf32>, vector<4096x128xf32> -> vector<4096x128xf32>
    %add3A_45 = arith.addf %dot_general3A_39, %dot_general3A_44 : vector<4096x128xf32>
    %get3A_46 = arith.constant 0 : index
    %get3A_47 = vector.load %arg9[%get3A_46] : memref<128xf32, #tpu.memory_space<vmem>>, vector<128xf32>
    %broadcast_in_dim3A_48 = vector.shape_cast %get3A_47 : vector<128xf32> to vector<1x128xf32>
    %add3A_49 = vector.broadcast %broadcast_in_dim3A_48 : vector<1x128xf32> to vector<4096x128xf32>
    %add3A_50 = arith.addf %add3A_45, %add3A_49 : vector<4096x128xf32>
    %max3A_51 = arith.constant 0.000000e+00 : f32
    %max3A_52 = vector.broadcast %max3A_51 : f32 to vector<4096x128xf32>
    %max3A_53 = arith.maximumf %add3A_50, %max3A_52 : vector<4096x128xf32>
    %get3A_54 = arith.constant 0 : index
    %get3A_55 = arith.constant 0 : index
    %get3A_56 = vector.load %arg10[%get3A_54, %get3A_55] : memref<128x1xf32, #tpu.memory_space<vmem>>, vector<128x1xf32>
    %dot_general3A_57 = arith.constant dense<0.000000e+00> : vector<4096x1xf32>
    %dot_general3A_58 = tpu.matmul %max3A_53, %get3A_56, %dot_general3A_57 {dimension_numbers = #tpu.dot_dimension_numbers<[1], [0], [0], [1], [0, 0, 1, 1], [], []>, transpose_lhs_hint = false} : vector<4096x128xf32>, vector<128x1xf32>, vector<4096x1xf32> -> vector<4096x1xf32>
    %get3A_59 = arith.constant 0 : index
    %get3A_60 = vector.load %arg11[%get3A_59] : memref<1xf32, #tpu.memory_space<vmem>>, vector<1xf32>
    %broadcast_in_dim3A_61 = vector.shape_cast %get3A_60 : vector<1xf32> to vector<1x1xf32>
    %add3A_62 = vector.broadcast %broadcast_in_dim3A_61 : vector<1x1xf32> to vector<4096x1xf32>
    %add3A_63 = arith.addf %dot_general3A_58, %add3A_62 : vector<4096x1xf32>
    %logistic3A = arith.negf %add3A_63 : vector<4096x1xf32>
    %logistic3A_64 = math.exp %logistic3A : vector<4096x1xf32>
    %logistic3A_65 = arith.constant 1.000000e+00 : f32
    %logistic3A_66 = vector.broadcast %logistic3A_65 : f32 to vector<4096x1xf32>
    %logistic3A_67 = arith.addf %logistic3A_66, %logistic3A_64 : vector<4096x1xf32>
    %logistic3A_68 = arith.divf %logistic3A_66, %logistic3A_67 : vector<4096x1xf32>
    %swap3A = arith.constant 0 : index
    %swap3A_69 = arith.constant 0 : index
    %swap3A_70 = vector.load %arg12[%swap3A, %swap3A_69] : memref<4096x1xf32, #tpu.memory_space<vmem>>, vector<4096x1xf32>
    tpu.vector_store %arg12[%swap3A, %swap3A_69], %logistic3A_68 {strides = array<i32>} : memref<4096x1xf32, #tpu.memory_space<vmem>>, vector<4096x1xf32>,
    return
  }
}

</mosaic_0001>

<sc_bundles>
// kernel: kernel.11.cloned.1.call-start
scs
__scs_entry_jumppad:
0x0: {  	(pc) =	sbr.rel $0x88, $3  }
0x1: {  	(tag) =	ssettag $0x0;
	lr =	simm.s32 $0x1  }
0x2: {  	[smem:$0x3F93] =	sst lr;
	_ =	strace $0xD0000000  }
0x3: {  	_ = 	snop  }
0x4: {  	_ = 	snop  }
0x5: {  	_ = 	snop  }
0x6: {  	_ = 	snop  }
0x7: {  	_ = 	snop  }
__scs_overlays_trampoline_lowered:
0x8: {  	[smem:$0x3FA2] =	sst s0  }
0x9: {  	[smem:$0x3FA3] =	sst s1  }
0xa: {  	[smem:$0x3FA4] =	sst s2  }
0xb: {  	[smem:$0x3FA5] =	sst s3  }
0xc: {  	[smem:$0x3FA6] =	sst s4  }
0xd: {  	[smem:$0x3FA7] =	sst s5  }
0xe: {  	[smem:$0x3FA8] =	sst s6  }
0xf: {  	[smem:$0x3FA9] =	sst s7  }
0x10: {  	[smem:$0x3FAA] =	sst s8  }
0x11: {  	[smem:$0x3FAB] =	sst s9;
	s0 =	simm.s32 @!p0 $0x0  }
0x12: {  	s1 =	sld [smem:$0x3F91];
	s0 =	simm.s32 @p0 $0x1  }
0x13: {  	[smem:$0x3FAC] =	sst s0;
	s0 =	simm.s32 @!p1 $0x0  }
0x14: {  	s2 =	sld [smem:$0x3F90];
	s0 =	simm.s32 @p1 $0x1  }
0x15: {  	[smem:$0x3FAD] =	sst s0;
	s0 =	simm.s32 @!p2 $0x0  }
0x16: {  	s3 =	sld [smem:$0x3FDB];
	s0 =	simm.s32 @p2 $0x1  }
0x17: {  	s4 =	simm.s32 $0x1BF5;
	[smem:$0x3FAF] =	sst s0  }
0x18: {  	s0 =	sld [smem:$0x3F92];
	_ =	swait.ge [sflag:s4], $0x0  }
0x19: {  	s7 =	sld [smem:$0x3F93]  }
0x1a: {  	s8 =	sadd.s32 $0xFFFFE003, lr  }
0x1b: {  	s9 =	sadd.s32 $0xFFFFFEF7, lr;
	s5 =	simm.s32 $0xFFFFFFFF;
	p2 =	slt.u32 s8, $0xFFFFF086  }
0x1c: {  	p1 =	slt.u32 s9, $0xF7A;
	s5 =	simm.s32 @!p2 $0x0  }
0x1d: {  	s5 =	simm.s32 @p1 $0x1;
	p0 =	seq.s32 s7, s2  }
0x1e: {  	s7 =	smul.u32 @!p0 $0xF7A, s2;
	p2 =	seq.s32 @!p0 s5, $0x0  }
0x1f: {  	s9 =	smul.u32 $0xF7A, s1;
	s8 =	simm.s32 @!p0 $0x1BF5;
	p2 =	por !p2, p0  }
0x20: {  	[sflag:s8] =	ssyncset.s32 @!p0 $0xFFFFF086;
	s6 =	sadd.s32 @!p0 s3, s7;
	s7 =	simm.s32 @!p0 $0x108  }
0x21: {  	s3 =	sadd.s32 s3, s9;
	s6 =	sadd.s32 @!p0 $0x88, s6;
	s7 =	simm.s32 @p2 $0x1082  }
0x22: {  	[simem:s7], [sflag:s8] =	dma.local @!p0 [hbm:s6], $0xF7A  }
0x23: {  	s9 =	sor.u32 $0xD0000000, s2;
	s6 =	simm.s32 $0x108;
	_ =	swait.ge @!p0 [sflag:s8], $0x0  }
0x24: {  	s3 =	sadd.s32 $0x88, s3;
	s6 =	simm.s32 @!p1 $0x1082;
	[sflag:s4] =	ssyncset.s32 $0xFFFFF086  }
0x25: {  	[simem:s6], [sflag:s4] =	dma.local [hbm:s3], $0xF7A  }
0x26: {  	[smem:$0x3F93] =	sst s1;
	(tag) =	ssettag s2;
	_ =	strace s9  }
0x27: {  	s1 =	sld [smem:$0x3FA3]  }
0x28: {  	s2 =	sld [smem:$0x3FA4]  }
0x29: {  	s4 =	sld [smem:$0x3FA6]  }
0x2a: {  	p0 =	seq.s32 s5, $0x0;
	s5 =	sld [smem:$0x3FA7]  }
0x2b: {  	s6 =	sld [smem:$0x3FA8]  }
0x2c: {  	s7 =	sld [smem:$0x3FA9]  }
0x2d: {  	s3 =	simm.s32 $0x108;
	s8 =	sld [smem:$0x3FAA]  }
0x2e: {  	s3 =	simm.s32 @!p0 $0x1082;
	s9 =	sld [smem:$0x3FAB]  }
0x2f: {  	lr =	sadd.s32 s0, s3;
	s0 =	sld [smem:$0x3FA2]  }
0x30: {  	s3 =	sld [smem:$0x3FA5]  }
0x31: {  	[smem:$0x3FAE] =	sst s10  }
0x32: {  	s10 =	sld [smem:$0x3FAC];
	_ =	sdelay $0x3  }
0x33: {  	p0 =	seq.s32 s10, $0x1;
	s10 =	sld [smem:$0x3FAE];
	_ =	sdelay $0x3  }
0x34: {  	[smem:$0x3FAE] =	sst s10  }
0x35: {  	s10 =	sld [smem:$0x3FAD];
	_ =	sdelay $0x3  }
0x36: {  	p1 =	seq.s32 s10, $0x1;
	s10 =	sld [smem:$0x3FAE];
	_ =	sdelay $0x3  }
0x37: {  	[smem:$0x3FAE] =	sst s10  }
0x38: {  	s10 =	sld [smem:$0x3FAF]  }
0x39: {  	_ = 	snop;
	(pc) =	sbr.ind lr, $3  }
0x3a: {  	_ = 	snop  }
0x3b: {  	_ = 	snop  }
0x3c: {  	p2 =	seq.s32 s10, $0x1;
	s10 =	sld [smem:$0x3FAE]  }
0x3d: {  	_ =	shalt  }
0x3e: {  	_ =	shalt  }
0x3f: {  	_ =	shalt  }
0x40: {  	_ =	shalt  }
0x41: {  	_ =	shalt  }
0x42: {  	_ =	shalt  }
0x43: {  	_ =	shalt  }
0x44: {  	_ =	shalt  }
0x45: {  	_ =	shalt  }
0x46: {  	_ =	shalt  }
0x47: {  	_ =	shalt  }
0x48: {  	_ =	shalt  }
0x49: {  	_ =	shalt  }
0x4a: {  	_ =	shalt  }
0x4b: {  	_ =	shalt  }
0x4c: {  	_ =	shalt  }
0x4d: {  	_ =	shalt  }
0x4e: {  	_ =	shalt  }
0x4f: {  	_ =	shalt  }
0x50: {  	_ =	shalt  }
0x51: {  	_ =	shalt  }
0x52: {  	_ =	shalt  }
0x53: {  	_ =	shalt  }
0x54: {  	_ =	shalt  }
0x55: {  	_ =	shalt  }
0x56: {  	_ =	shalt  }
0x57: {  	_ =	shalt  }
0x58: {  	_ =	shalt  }
0x59: {  	_ =	shalt  }
0x5a: {  	_ =	shalt  }
0x5b: {  	_ =	shalt  }
0x5c: {  	_ =	shalt  }
0x5d: {  	_ =	shalt  }
0x5e: {  	_ =	shalt  }
0x5f: {  	_ =	shalt  }
0x60: {  	_ =	shalt  }
0x61: {  	_ =	shalt  }
0x62: {  	_ =	shalt  }
0x63: {  	_ =	shalt  }
0x64: {  	_ =	shalt  }
0x65: {  	_ =	shalt  }
0x66: {  	_ =	shalt  }
0x67: {  	_ =	shalt  }
0x68: {  	_ =	shalt  }
0x69: {  	_ =	shalt  }
0x6a: {  	_ =	shalt  }
0x6b: {  	_ =	shalt  }
0x6c: {  	_ =	shalt  }
0x6d: {  	_ =	shalt  }
0x6e: {  	_ =	shalt  }
0x6f: {  	_ =	shalt  }
0x70: {  	_ =	shalt  }
0x71: {  	_ =	shalt  }
0x72: {  	_ =	shalt  }
0x73: {  	_ =	shalt  }
0x74: {  	_ =	shalt  }
0x75: {  	_ =	shalt  }
0x76: {  	_ =	shalt  }
0x77: {  	_ =	shalt  }
0x78: {  	_ =	shalt  }
0x79: {  	_ =	shalt  }
0x7a: {  	_ =	shalt  }
0x7b: {  	_ =	shalt  }
0x7c: {  	_ =	shalt  }
0x7d: {  	_ =	shalt  }
0x7e: {  	_ =	shalt  }
0x7f: {  	_ =	shalt  }
0x80: {  	_ =	shalt  }
0x81: {  	_ =	shalt  }
0x82: {  	_ =	shalt  }
0x83: {  	_ =	shalt  }
0x84: {  	_ =	shalt  }
0x85: {  	_ =	shalt  }
0x86: {  	_ =	shalt  }
0x87: {  	_ =	shalt  }
.Lfunc_end0:
.L_simem_size_0:
called_computation.1_lowered:
.L_overlay_start_0:
0x88: {  	s2 =	sld [smem:$0x3FD9]  }
0x89: {  	s3 =	sld [smem:$0x3FFE];
	_ =	sdelay $0x1  }
0x8a: {  	s1 =	srdreg.scid  }
0x8b: {  	s0 =	sand.u32 $0x1, s1  }
0x8c: {  	s16 =	sshll.u32 s0, $0xA;
	s2 =	sadd.s32 s3, s2  }
0x8d: {  	s2 =	sadd.s32 s2, s16  }
0x8e: {  	[smem:$0x3FBA] =	sst s2  }
0x8f: {  	_ = 	snop  }
0x90: {  	(tm) =	ssettm $0x1  }
0x91: {  	s17 =	sld [smem:$0x3FFB];
	_ =	sdelay $0x3  }
0x92: {  	_ =	strace s17  }
0x93: {  	s2 =	sld [smem:$0x3FFC];
	_ =	sdelay $0x3  }
0x94: {  	_ =	strace s2  }
0x95: {  	s2 =	sld [smem:$0x3FFD];
	_ =	sdelay $0x3  }
0x96: {  	_ =	strace s2  }
0x97: {  	_ =	strace $0x8FFFFFFF  }
0x98: {  	s18 =	sld [smem:$0x3FDB];
	_ =	sdelay $0x1  }
0x99: {  	s19 =	simm.s32 $_scs_section_size  }
0x9a: {  	s4 =	simm.s32 $_size__tile_overlayer_lowered;
	s5 =	simm.s32 $_tile_overlayer_lowered  }
0x9b: {  	s22 =	simm.s32 $0x1BFF;
	s21 =	sshll.u32 s5, $0x1;
	s2 =	sadd.s32 s19, s18  }
0x9c: {  	s6 =	simm.s32 $0x0;
	s20 =	sshll.u32 s4, $0x1;
	s4 =	sadd.s32 s21, s2  }
0x9d: {  	[timem:s6], [sflag:s22] =	dma.local [hbm:s4], s20  }
0x9e: {  	_ =	swait.ge [sflag:s22], s20  }
0x9f: {  	s3 =	ssub.s32 $0x0, s20;
	[sflag:s22] =	ssyncset.done $0x0  }
0xa0: {  	[sflag:s22] =	ssyncadd.s32 s3;
	_ =	sdelay $0x1  }
0xa1: {  	s23 =	simm.s32 $0x1B8B  }
0xa2: {  	_ =	swait.ge [sflag:s23], $0x1  }
0xa3: {  	[sflag:s23] =	ssyncset.done $0x0  }
0xa4: {  	s25 =	simm.s32 $0x1B8E;
	s24 =	sld [smem:$0x3FFE];
	[sflag:s23] =	ssyncadd.s32 $0xFFFFFFFF  }
0xa5: {  	s26 =	simm.s32 $execute0_lowered;
	[smem:$0x3FD2] =	sst s25  }
0xa6: {  	s4 =	sshll.u32 s26, $0x1;
	_ =	strace $0x80000049;
	[dreg:$0x1] =	wrdreg $0xFFFFFFFF  }
0xa7: {  	s28 =	simm.s32 $_size_execute0_lowered;
	s2 =	sadd.s32 s2, s4;
	[dreg:$0x0] =	wrdreg $0x0  }
0xa8: {  	s4 =	sshll.u32 s28, $0x1;
	[dreg:$0x2] =	wrdreg s2  }
0xa9: {  	[dreg:$0x3] =	wrdreg s4  }
0xaa: {  	[dreg:$0x4] =	wrdreg $0xC0  }
0xab: {  	_ =	task [dreg:s6], $0x5FFFF  }
0xac: {  	[dreg:$0x1] =	wrdreg $0xFFFFFFFF  }
0xad: {  	[dreg:$0x0] =	wrdreg $0x60  }
0xae: {  	[dreg:$0x2] =	wrdreg s24  }
0xaf: {  	[dreg:$0x3] =	wrdreg $0xBC000  }
0xb0: {  	[dreg:$0x4] =	wrdreg $0x9  }
0xb1: {  	_ =	task.clear_ibuf [dreg:s6], $0x5FFFF;
	_ =	strace $0x90000049  }
0xb2: {  	s29 =	simm.s32 $0x9;
	_ =	strace $0x8000004B  }
0xb3: {  	_ =	swait.ge [sflag:s29], $0x1  }
0xb4: {  	[sflag:s29] =	ssyncadd.s32 $0xFFFFFFFF  }
0xb5: {  	_ =	strace $0x9000004B  }
0xb6: {  	_ =	sfence  }
0xb7: {  	s30 =	sld [smem:$0x0];
	_ =	sdelay $0x2  }
0xb8: {  	s31 =	sshll.u32 s1, $0xD;
	s1 =	sshrl.u32 s1, $0x2  }
0xb9: {  	s3 =	sand.u32 $0x4000, s31;
	s1 =	sadd.s32 s1, s30  }
0xba: {  	s0 =	sor.u32 s3, s0;
	s1 =	sshll.u32 s1, $0x11  }
0xbb: {  	s0 =	sor.u32 s1, s0  }
0xbc: {  	s0 =	sadd.s32 $0x8F2B, s0  }
0xbd: {  	[sflag:s0] =	ssyncadd.remote.s32 $0x1  }
0xbe: {  	_ =	sfence.sel $0xFFFF  }
0xbf: {  	[dreg:$0x0] =	wrdreg $0xFFFFFFFF;
	(pc) =	sbr.abs _section_cstart, $3  }
0xc0: {  	[dreg:$0x1] =	wrdreg $0xFFFFFFFF  }
0xc1: {  	_ =	task.clear_ibuf [dreg:s6], $0x2FFFF;
	_ =	strace $0x9FFFFFFF  }
0xc2: {  	(tm) =	ssettm $0x7FFFFFFF  }
0xc3: {  	_ =	shalt  }
tec
execute0_lowered:
.L_overlay_start_1:
0x0: {  	(tag) =	ssettag $0x1  }
0x1: {  	s0 =	srdreg.scid  }
0x2: {  	s25 =	stileid.u32;
	s3 =	rddreg [dreg:$0x0]  }
0x3: {  	s2 =	rddreg [dreg:$0x1];
	s5 =	smul.u32 $0xA000, s25  }
0x4: {  	s4 =	simm.s32 $0x0;
	s29 =	simm.s32 $0x7D;
	s14 =	smul.u32 $0x6400, s25  }
0x5: {  	s30 =	simm.s32 $0x80;
	s6 =	sor.u32 $0x10, s25;
	s21 =	smul.u32 $0x19000, s25  }
0x6: {  	s31 =	simm.s32 $0x7C00;
	s18 =	sor.u32 $0x20, s25;
	s8 =	smul.u32 $0xA000, s6  }
0x7: {  	s28 =	simm.s32 $0x2;
	s19 =	sor.u32 $0x30, s25;
	s10 =	smul.u32 $0xA000, s18  }
0x8: {  	s0 =	sand.u32 $0x1, s0;
	[smem:$0x7FF] =	sst s4;
	s11 =	smul.u32 $0xA000, s19  }
0x9: {  	s1 =	sshll.u32 s0, $0x4;
	s7 =	ssub.s32 $0x2, s0;
	s0 =	smul.u32 $0x138800, s0  }
0xa: {  	s4 =	sadd.s32 $0x17C00, s3;
	p0 =	sgt.u32 s25, $0xC;
	s15 =	smul.u32 $0x6400, s6  }
0xb: {  	p1 =	sgt.u32 s25, $0x1;
	_ =	strace $0x8000004A;
	s16 =	smul.u32 $0x6400, s18  }
0xc: {  	s6 =	smul.u32 $0x19000, s6;
	s1 =	sor.u32 s25, s1;
	s9 =	sshrl.u32 s7, $0x1  }
0xd: {  	s5 =	sshrl.u32 s5, $0x2;
	s1 =	smul.u32 $0x2800, s1;
	s8 =	sshrl.u32 s8, $0x2  }
0xe: {  	s20 =	ssub.s32 s7, s9;
	s5 =	sadd.s32 s5, s2;
	s24 =	sshrl.u32 s10, $0x2  }
0xf: {  	s26 =	sshrl.u32 s11, $0x2;
	s17 =	sadd.s32 s14, s0;
	s22 =	sadd.s32 s0, s15  }
0x10: {  	s6 =	sshrl.u32 s6, $0x2;
	s23 =	sadd.s32 s8, s2;
	s7 =	sadd.s32 s24, s2  }
0x11: {  	s8 =	sadd.s32 s26, s2;
	s9 =	sadd.s32 $0xA0000, s5;
	s10 =	sadd.s32 $0xC8000, s5  }
0x12: {  	s11 =	sadd.s32 $0xF0000, s5;
	s12 =	sadd.s32 $0x118000, s5;
	s17 =	sshrl.u32 s17, $0x3  }
0x13: {  	s24 =	sshrl.u32 s21, $0x2;
	s26 =	sshrl.u32 s22, $0x3;
	s6 =	sadd.s32 s6, s2  }
0x14: {  	s20 =	smax.u32 s20, $0x1;
	s21 =	simm.s32 $0x3C00;
	[dreg:$0x3] =	wrdreg s23  }
0x15: {  	s1 =	sshrl.u32 s1, $0x3;
	[dreg:$0x4] =	wrdreg s7;
	s7 =	smul.u32 $0x6400, s19  }
0x16: {  	s23 =	sadd.s32 s0, s16;
	s1 =	sadd.s32 s1, s3;
	s3 =	sadd.s32 $0x3EE00, s3  }
0x17: {  	s22 =	sshrl.u32 s23, $0x3;
	s23 =	smul.u32 $0x19000, s19;
	s13 =	sadd.s32 $0x3200, s1  }
0x18: {  	s0 =	sadd.s32 s0, s7;
	s14 =	sadd.s32 $0xDC00, s1;
	s15 =	sadd.s32 $0xDE80, s1  }
0x19: {  	s16 =	sadd.s32 s3, s17;
	s1 =	sadd.s32 s24, s2;
	s17 =	sadd.s32 s3, s26  }
0x1a: {  	s7 =	smul.u32 $0x19000, s18;
	s18 =	sadd.s32 s3, s22;
	s0 =	sshrl.u32 s0, $0x3  }
0x1b: {  	s26 =	sshrl.u32 s23, $0x2;
	s22 =	sshrl.u32 s1, $0x3;
	s23 =	sshrl.u32 s6, $0x3  }
0x1c: {  	s1 =	simm.s32 $0x1;
	s24 =	sshrl.u32 s7, $0x2;
	s19 =	sadd.s32 s3, s0  }
0x1d: {  	s0 =	sadd.s32 s26, s2;
	s26 =	simm.s32 $0x3;
	s24 =	sadd.s32 s24, s2  }
0x1e: {  	v0 =	vimm.f32 $0.0e+00;
	s25 =	sshrl.u32 @!p1 s0, $0x3;
	s0 =	simm.s32 $0x0;
	s24 =	sshrl.u32 s24, $0x3  }
.LBB2_1:
0x1f: {  	s3 =	simm.s32 $0x0;
	s6 =	simm.s32 $0x200  }
.LBB2_2:
0x20: {  	p2 =	sne.s32 s6, $0xF800;
	[tilespmem:s3+$0x3C70] =	vst v0  }
0x21: {  	[tilespmem:s3+$0x3C00] =	vst v0  }
0x22: {  	[tilespmem:s3+$0x3C10] =	vst v0  }
.Ltmp0:
0x23: {  	[tilespmem:s3+$0x3C20] =	vst v0;
	(pc) =	sbr.rel @p2 .LBB2_2-.Ltmp0, $4  }
0x24: {  	[tilespmem:s3+$0x3C30] =	vst v0  }
0x25: {  	[tilespmem:s3+$0x3C40] =	vst v0  }
0x26: {  	[tilespmem:s3+$0x3C50] =	vst v0  }
0x27: {  	[tilespmem:s3+$0x3C60] =	vst v0;
	s3 =	sshra.s32 s6, $0x2;
	s6 =	sadd.s32 $0x200, s6  }
0x28: {  	[tilespmem:s3+$0x3C70] =	vst v0  }
0x29: {  	[tilespmem:s3+$0x3C00] =	vst v0  }
0x2a: {  	[tilespmem:s3+$0x3C10] =	vst v0  }
0x2b: {  	[tilespmem:s3+$0x3C20] =	vst v0  }
0x2c: {  	[tilespmem:s3+$0x3C30] =	vst v0  }
0x2d: {  	[tilespmem:s3+$0x3C40] =	vst v0  }
0x2e: {  	[tilespmem:s3+$0x3C50] =	vst v0  }
0x2f: {  	[tilespmem:s3+$0x3C60] =	vst v0  }
0x30: {  	[spmem:s5] =	stream.linear.scatter [tilespmem:s21], [sflag:$0x3], $0x2800, $0x38;
	[tilespmem:$0x1F480] =	vst v63  }
0x31: {  	_ =	swait.ge [sflag:s26], $0x2800  }
0x32: {  	[sflag:s26] =	ssyncset.done $0x0  }
0x33: {  	s7 =	rddreg [dreg:$0x3];
	[sflag:s26] =	ssyncadd.s32 $0xFFFFD800  }
0x34: {  	[spmem:s7] =	stream.linear.scatter [tilespmem:s21], [sflag:$0x3], $0x2800, $0x38;
	[tilespmem:$0x1F480] =	vst v63  }
0x35: {  	_ =	swait.ge [sflag:s26], $0x2800  }
0x36: {  	[sflag:s26] =	ssyncset.done $0x0  }
0x37: {  	s6 =	rddreg [dreg:$0x4];
	[sflag:s26] =	ssyncadd.s32 $0xFFFFD800  }
0x38: {  	[spmem:s6] =	stream.linear.scatter [tilespmem:s21], [sflag:$0x3], $0x2800, $0x38;
	[tilespmem:$0x1F480] =	vst v63  }
0x39: {  	_ =	swait.ge [sflag:s26], $0x2800  }
0x3a: {  	[sflag:s26] =	ssyncset.done $0x0  }
0x3b: {  	[sflag:s26] =	ssyncadd.s32 $0xFFFFD800  }
0x3c: {  	[spmem:s8] =	stream.linear.scatter [tilespmem:s21], [sflag:$0x3], $0x2800, $0x38;
	[tilespmem:$0x1F480] =	vst v63  }
0x3d: {  	_ =	swait.ge [sflag:s26], $0x2800  }
0x3e: {  	[sflag:s26] =	ssyncset.done $0x0  }
0x3f: {  	[sflag:s26] =	ssyncadd.s32 $0xFFFFD800  }
0x40: {  	[spmem:s9] =	stream.linear.scatter [tilespmem:s21], [sflag:$0x3], $0x2800, $0x38;
	[tilespmem:$0x1F480] =	vst v63  }
0x41: {  	_ =	swait.ge [sflag:s26], $0x2800  }
0x42: {  	[sflag:s26] =	ssyncset.done $0x0  }
0x43: {  	[sflag:s26] =	ssyncadd.s32 $0xFFFFD800  }
0x44: {  	[spmem:s10] =	stream.linear.scatter [tilespmem:s21], [sflag:$0x3], $0x2800, $0x38;
	[tilespmem:$0x1F480] =	vst v63  }
0x45: {  	_ =	swait.ge [sflag:s26], $0x2800  }
0x46: {  	[sflag:s26] =	ssyncset.done $0x0  }
0x47: {  	[sflag:s26] =	ssyncadd.s32 $0xFFFFD800  }
0x48: {  	[spmem:s11] =	stream.linear.scatter [tilespmem:s21], [sflag:$0x3], $0x2800, $0x38;
	[tilespmem:$0x1F480] =	vst v63  }
0x49: {  	_ =	swait.ge [sflag:s26], $0x2800  }
0x4a: {  	[sflag:s26] =	ssyncset.done $0x0  }
0x4b: {  	s3 =	simm.s32 @!p0 $0x3C00;
	[sflag:s26] =	ssyncadd.s32 $0xFFFFD800  }
0x4c: {  	[spmem:s12] =	stream.linear.scatter @!p0 [tilespmem:s3], [sflag:$0x3], $0x2800, $0x38;
	[tilespmem:$0x1F480] =	vst v63  }
0x4d: {  	s3 =	simm.s32 @!p0 $0x3  }
0x4e: {  	_ =	swait.ge @!p0 [sflag:s3], $0x2800  }
0x4f: {  	[sflag:s3] =	ssyncset.done @!p0 $0x0  }
0x50: {  	s7 =	simm.s32 $0x0;
	s6 =	simm.s32 $0x1400;
	[sflag:s3] =	ssyncadd.s32 @!p0 $0xFFFFD800  }
0x51: {  	[tilespmem:s6], [sflag:$0x3] =	stream.linear.gather [hbm4b:s13+s7], $0x2800, $0x38;
	[tilespmem:$0x1F480] =	vst v63  }
0x52: {  	_ =	swait.ge [sflag:s26], $0x2800  }
0x53: {  	[sflag:s26] =	ssyncset.done $0x0  }
0x54: {  	[sflag:s26] =	ssyncadd.s32 $0xFFFFD800  }
0x55: {  	[tilespmem:s7], [sflag:$0x3] =	stream.linear.gather [hbm4b:s14+s7], $0x1400, $0x38;
	[tilespmem:$0x1F480] =	vst v63  }
0x56: {  	_ =	swait.ge [sflag:s26], $0x1400  }
0x57: {  	[sflag:s26] =	ssyncset.done $0x0  }
0x58: {  	[sflag:s26] =	ssyncadd.s32 $0xFFFFEC00  }
0x59: {  	[bflag:$0x0] =	sbarrier.arrive $0xFFFF  }
0x5a: {  	[tilespmem:s21], [sflag:$0x1] =	stream.indirect.gather [hbm4b:s4+s29], $0x80, s7, s29, $0xb8;
	[tilespmem:$0x1F480] =	vst v63  }
0x5b: {  	_ = 	snop  }
0x5c: {  	[tilespmem:s31], [sflag:$0x2] =	stream.indirect.gather [hbm4b:s4+s29], $0x80, s30, s29, $0xb8;
	[tilespmem:$0x1F480] =	vst v63  }
0x5d: {  	_ =	swait.ge [sflag:s1], $0x3E80  }
0x5e: {  	[sflag:s1] =	ssyncset.done $0x0  }
0x5f: {  	s7 =	simm.s32 $0x1400;
	[sflag:s1] =	ssyncadd.s32 $0xFFFFC180  }
0x60: {  	[spmem:s2] =	stream.indirect.scatter.add.f32 [tilespmem:s21], [sflag:$0x3], $0x80, s7, s29, $0xb8;
	[tilespmem:$0x1F480] =	vst v63  }
0x61: {  	_ =	swait.ge [sflag:s26], $0x3E80  }
0x62: {  	[sflag:s26] =	ssyncset.done $0x0  }
0x63: {  	s6 =	simm.s32 $0x100;
	[sflag:s26] =	ssyncadd.s32 $0xFFFFC180  }
0x64: {  	[tilespmem:s21], [sflag:$0x1] =	stream.indirect.gather [hbm4b:s4+s29], $0x80, s6, s29, $0xb8;
	[tilespmem:$0x1F480] =	vst v63  }
0x65: {  	_ =	swait.ge [sflag:s28], $0x3E80  }
0x66: {  	[sflag:s28] =	ssyncset.done $0x0  }
0x67: {  	s7 =	simm.s32 $0x1480;
	[sflag:s28] =	ssyncadd.s32 $0xFFFFC180  }
0x68: {  	[spmem:s2] =	stream.indirect.scatter.add.f32 [tilespmem:s31], [sflag:$0x3], $0x80, s7, s29, $0xb8;
	[tilespmem:$0x1F480] =	vst v63  }
0x69: {  	_ =	swait.ge [sflag:s26], $0x3E80  }
0x6a: {  	[sflag:s26] =	ssyncset.done $0x0  }
0x6b: {  	s3 =	simm.s32 $0x400;
	s6 =	simm.s32 $0x180;
	[sflag:s26] =	ssyncadd.s32 $0xFFFFC180  }
.LBB2_4:
0x6c: {  	[tilespmem:s31], [sflag:$0x2] =	stream.indirect.gather [hbm4b:s4+s29], $0x80, s6, s29, $0xb8;
	[tilespmem:$0x1F480] =	vst v63  }
0x6d: {  	s6 =	smov.u32 s3  }
0x6e: {  	p2 =	sne.s32 s3, $0x4800;
	s3 =	sadd.s32 $0x400, s3;
	_ =	swait.ge [sflag:s1], $0x3E80  }
0x6f: {  	s6 =	sshra.s32 s6, $0x2;
	[sflag:s1] =	ssyncset.done $0x0  }
0x70: {  	s7 =	sadd.s32 $0x1400, s6;
	[sflag:s1] =	ssyncadd.s32 $0xFFFFC180  }
0x71: {  	[spmem:s2] =	stream.indirect.scatter.add.f32 [tilespmem:s21], [sflag:$0x3], $0x80, s7, s29, $0xb8;
	[tilespmem:$0x1F480] =	vst v63  }
0x72: {  	_ =	swait.ge [sflag:s26], $0x3E80  }
0x73: {  	[sflag:s26] =	ssyncset.done $0x0  }
0x74: {  	s7 =	sadd.s32 $0x100, s6;
	[sflag:s26] =	ssyncadd.s32 $0xFFFFC180  }
0x75: {  	[tilespmem:s21], [sflag:$0x1] =	stream.indirect.gather [hbm4b:s4+s29], $0x80, s7, s29, $0xb8;
	[tilespmem:$0x1F480] =	vst v63  }
0x76: {  	_ =	swait.ge [sflag:s28], $0x3E80  }
0x77: {  	[sflag:s28] =	ssyncset.done $0x0  }
.Ltmp1:
0x78: {  	s7 =	sadd.s32 $0x1480, s6;
	[sflag:s28] =	ssyncadd.s32 $0xFFFFC180;
	(pc) =	sbr.rel @p2 .LBB2_4-.Ltmp1, $4  }
0x79: {  	[spmem:s2] =	stream.indirect.scatter.add.f32 [tilespmem:s31], [sflag:$0x3], $0x80, s7, s29, $0xb8;
	[tilespmem:$0x1F480] =	vst v63  }
0x7a: {  	_ =	swait.ge [sflag:s26], $0x3E80  }
0x7b: {  	[sflag:s26] =	ssyncset.done $0x0  }
0x7c: {  	s6 =	sadd.s32 $0x180, s6;
	[sflag:s26] =	ssyncadd.s32 $0xFFFFC180  }
0x7d: {  	[tilespmem:s31], [sflag:$0x2] =	stream.indirect.gather [hbm4b:s4+s29], $0x80, s6, s29, $0xb8;
	[tilespmem:$0x1F480] =	vst v63  }
0x7e: {  	_ =	swait.ge [sflag:s1], $0x3E80  }
0x7f: {  	[sflag:s1] =	ssyncset.done $0x0  }
0x80: {  	s3 =	simm.s32 $0x2700;
	[sflag:s1] =	ssyncadd.s32 $0xFFFFC180  }
0x81: {  	[spmem:s2] =	stream.indirect.scatter.add.f32 [tilespmem:s21], [sflag:$0x3], $0x80, s3, s29, $0xb8;
	[tilespmem:$0x1F480] =	vst v63  }
0x82: {  	_ =	swait.ge [sflag:s26], $0x3E80  }
0x83: {  	[sflag:s26] =	ssyncset.done $0x0  }
0x84: {  	[sflag:s26] =	ssyncadd.s32 $0xFFFFC180  }
0x85: {  	_ =	swait.ge [sflag:s28], $0x3E80  }
0x86: {  	[sflag:s28] =	ssyncset.done $0x0  }
0x87: {  	s7 =	simm.s32 $0x2780;
	[sflag:s28] =	ssyncadd.s32 $0xFFFFC180  }
0x88: {  	[spmem:s2] =	stream.indirect.scatter.add.f32 [tilespmem:s31], [sflag:$0x3], $0x80, s7, s29, $0xb8;
	[tilespmem:$0x1F480] =	vst v63  }
0x89: {  	_ =	swait.ge [sflag:s26], $0x3E80  }
0x8a: {  	[sflag:s26] =	ssyncset.done $0x0  }
0x8b: {  	s6 =	simm.s32 $0x0;
	[sflag:s26] =	ssyncadd.s32 $0xFFFFC180  }
0x8c: {  	[tilespmem:s6], [sflag:$0x3] =	stream.linear.gather [hbm4b:s15+s6], $0x1400, $0x38;
	[tilespmem:$0x1F480] =	vst v63  }
0x8d: {  	_ =	swait.ge [sflag:s26], $0x1400  }
0x8e: {  	[sflag:s26] =	ssyncset.done $0x0  }
0x8f: {  	[sflag:s26] =	ssyncadd.s32 $0xFFFFEC00  }
0x90: {  	[tilespmem:s21], [sflag:$0x1] =	stream.indirect.gather [hbm4b:s4+s29], $0x80, s6, s29, $0xb8;
	[tilespmem:$0x1F480] =	vst v63  }
0x91: {  	_ = 	snop  }
0x92: {  	[tilespmem:s31], [sflag:$0x2] =	stream.indirect.gather [hbm4b:s4+s29], $0x80, s30, s29, $0xb8;
	[tilespmem:$0x1F480] =	vst v63  }
0x93: {  	_ =	swait.ge [sflag:s1], $0x3E80  }
0x94: {  	[sflag:s1] =	ssyncset.done $0x0  }
0x95: {  	s7 =	simm.s32 $0x2800;
	[sflag:s1] =	ssyncadd.s32 $0xFFFFC180  }
0x96: {  	[spmem:s2] =	stream.indirect.scatter.add.f32 [tilespmem:s21], [sflag:$0x3], $0x80, s7, s29, $0xb8;
	[tilespmem:$0x1F480] =	vst v63  }
0x97: {  	_ =	swait.ge [sflag:s26], $0x3E80  }
0x98: {  	[sflag:s26] =	ssyncset.done $0x0  }
0x99: {  	s6 =	simm.s32 $0x100;
	[sflag:s26] =	ssyncadd.s32 $0xFFFFC180  }
0x9a: {  	[tilespmem:s21], [sflag:$0x1] =	stream.indirect.gather [hbm4b:s4+s29], $0x80, s6, s29, $0xb8;
	[tilespmem:$0x1F480] =	vst v63  }
0x9b: {  	_ =	swait.ge [sflag:s28], $0x3E80  }
0x9c: {  	[sflag:s28] =	ssyncset.done $0x0  }
0x9d: {  	s7 =	simm.s32 $0x2880;
	[sflag:s28] =	ssyncadd.s32 $0xFFFFC180  }
0x9e: {  	[spmem:s2] =	stream.indirect.scatter.add.f32 [tilespmem:s31], [sflag:$0x3], $0x80, s7, s29, $0xb8;
	[tilespmem:$0x1F480] =	vst v63  }
0x9f: {  	_ =	swait.ge [sflag:s26], $0x3E80  }
0xa0: {  	[sflag:s26] =	ssyncset.done $0x0  }
0xa1: {  	s3 =	simm.s32 $0xFFFFB800;
	s6 =	simm.s32 $0x180;
	[sflag:s26] =	ssyncadd.s32 $0xFFFFC180  }
.LBB2_6:
0xa2: {  	[tilespmem:s31], [sflag:$0x2] =	stream.indirect.gather [hbm4b:s4+s29], $0x80, s6, s29, $0xb8;
	[tilespmem:$0x1F480] =	vst v63  }
0xa3: {  	s6 =	smov.u32 s3  }
0xa4: {  	p2 =	sne.s32 s3, $0xFFFFFC00;
	s3 =	sadd.s32 $0x400, s3;
	_ =	swait.ge [sflag:s1], $0x3E80  }
0xa5: {  	s6 =	sshra.s32 s6, $0x2;
	[sflag:s1] =	ssyncset.done $0x0  }
0xa6: {  	s7 =	sadd.s32 $0x3B00, s6;
	[sflag:s1] =	ssyncadd.s32 $0xFFFFC180  }
0xa7: {  	[spmem:s2] =	stream.indirect.scatter.add.f32 [tilespmem:s21], [sflag:$0x3], $0x80, s7, s29, $0xb8;
	[tilespmem:$0x1F480] =	vst v63  }
0xa8: {  	_ =	swait.ge [sflag:s26], $0x3E80  }
0xa9: {  	[sflag:s26] =	ssyncset.done $0x0  }
0xaa: {  	s7 =	sadd.s32 $0x1400, s6;
	[sflag:s26] =	ssyncadd.s32 $0xFFFFC180  }
0xab: {  	[tilespmem:s21], [sflag:$0x1] =	stream.indirect.gather [hbm4b:s4+s29], $0x80, s7, s29, $0xb8;
	[tilespmem:$0x1F480] =	vst v63  }
0xac: {  	_ =	swait.ge [sflag:s28], $0x3E80  }
0xad: {  	[sflag:s28] =	ssyncset.done $0x0  }
.Ltmp2:
0xae: {  	s7 =	sadd.s32 $0x3B80, s6;
	[sflag:s28] =	ssyncadd.s32 $0xFFFFC180;
	(pc) =	sbr.rel @p2 .LBB2_6-.Ltmp2, $4  }
0xaf: {  	[spmem:s2] =	stream.indirect.scatter.add.f32 [tilespmem:s31], [sflag:$0x3], $0x80, s7, s29, $0xb8;
	[tilespmem:$0x1F480] =	vst v63  }
0xb0: {  	_ =	swait.ge [sflag:s26], $0x3E80  }
0xb1: {  	[sflag:s26] =	ssyncset.done $0x0  }
0xb2: {  	s6 =	sadd.s32 $0x1480, s6;
	[sflag:s26] =	ssyncadd.s32 $0xFFFFC180  }
0xb3: {  	[tilespmem:s31], [sflag:$0x2] =	stream.indirect.gather [hbm4b:s4+s29], $0x80, s6, s29, $0xb8;
	[tilespmem:$0x1F480] =	vst v63  }
0xb4: {  	_ =	swait.ge [sflag:s1], $0x3E80  }
0xb5: {  	[sflag:s1] =	ssyncset.done $0x0  }
0xb6: {  	s3 =	simm.s32 $0x3B00;
	[sflag:s1] =	ssyncadd.s32 $0xFFFFC180  }
0xb7: {  	[spmem:s2] =	stream.indirect.scatter.add.f32 [tilespmem:s21], [sflag:$0x3], $0x80, s3, s29, $0xb8;
	[tilespmem:$0x1F480] =	vst v63  }
0xb8: {  	_ =	swait.ge [sflag:s26], $0x3E80  }
0xb9: {  	[sflag:s26] =	ssyncset.done $0x0  }
0xba: {  	[sflag:s26] =	ssyncadd.s32 $0xFFFFC180  }
0xbb: {  	_ =	swait.ge [sflag:s28], $0x3E80  }
0xbc: {  	[sflag:s28] =	ssyncset.done $0x0  }
0xbd: {  	s6 =	simm.s32 $0x3B80;
	[sflag:s28] =	ssyncadd.s32 $0xFFFFC180  }
0xbe: {  	[spmem:s2] =	stream.indirect.scatter.add.f32 [tilespmem:s31], [sflag:$0x3], $0x80, s6, s29, $0xb8;
	[tilespmem:$0x1F480] =	vst v63  }
0xbf: {  	_ =	swait.ge [sflag:s26], $0x3E80  }
0xc0: {  	s7 =	stileid.u32;
	[sflag:s26] =	ssyncset.done $0x0  }
0xc1: {  	s3 =	sshll.u32 s7, $0x6;
	[sflag:s26] =	ssyncadd.s32 $0xFFFFC180  }
0xc2: {  	s3 =	sor.u32 $0x1C03, s3;
	[bflag:$0x0] =	sbarrier.arrive $0xFFFF  }
0xc3: {  	[hbm:s16], [sflag:s3] =	dma.local [spmem:s22], $0xC80  }
0xc4: {  	_ =	swait.ge [sflag:s26], $0xC80  }
0xc5: {  	[sflag:s26] =	ssyncset.done $0x0  }
0xc6: {  	[sflag:s26] =	ssyncadd.s32 $0xFFFFF380  }
0xc7: {  	[hbm:s17], [sflag:s3] =	dma.local [spmem:s23], $0xC80  }
0xc8: {  	_ =	swait.ge [sflag:s26], $0xC80  }
0xc9: {  	[sflag:s26] =	ssyncset.done $0x0  }
0xca: {  	[sflag:s26] =	ssyncadd.s32 $0xFFFFF380  }
0xcb: {  	[hbm:s18], [sflag:s3] =	dma.local [spmem:s24], $0xC80  }
0xcc: {  	_ =	swait.ge [sflag:s26], $0xC80  }
0xcd: {  	s0 =	sadd.s32 $0x1, s0;
	[sflag:s26] =	ssyncset.done $0x0  }
0xce: {  	p2 =	sne.s32 s0, s20;
	[sflag:s26] =	ssyncadd.s32 $0xFFFFF380  }
0xcf: {  	[hbm:s19], [sflag:s3] =	dma.local @!p1 [spmem:s25], $0xC80  }
.Ltmp3:
0xd0: {  	_ = 	snop;
	(pc) =	sbr.rel @p2 .LBB2_1-.Ltmp3, $4  }
0xd1: {  	s3 =	simm.s32 @!p1 $0x3  }
0xd2: {  	_ =	swait.ge @!p1 [sflag:s3], $0xC80  }
0xd3: {  	[sflag:s3] =	ssyncset.done @!p1 $0x0  }
0xd4: {  	[sflag:s3] =	ssyncadd.s32 @!p1 $0xFFFFF380  }
0xd5: {  	_ =	sfence.sel $0x180000  }
0xd6: {  	[bflag:$0x0] =	sbarrier.arrive $0xFFFF  }
0xd7: {  	_ =	strace $0x9000004A  }
0xd8: {  	s0 =	stileid.u32;
	[bflag:$0x2] =	sbarrier.arrive $0xFFFF  }
0xd9: {  	p0 =	sne.s32 s0, $0x0;
	s0 =	rddreg [dreg:$0x2]  }
0xda: {  	s0 =	sadd.s32 @!p0 $0x100000, s0  }
0xdb: {  	[sflag:s0] =	ssyncadd.tile.s32 @!p0 $0x1;
	_ =	shalt  }
.Lfunc_end2:
_tile_overlayer_lowered:
.L_overlay_start_2:
0xdc: {  	(tag) =	ssettag $0x2  }
0xdd: {  	s0 =	rddreg [dreg:$0x0];
	s2 =	stileid.u32  }
0xde: {  	s1 =	rddreg [dreg:$0x1];
	p0 =	sne.s32 s2, $0x0  }
0xdf: {  	s3 =	rddreg [dreg:$0x2];
	[bflag:$0x3] =	sbarrier.arrive $0xFFFF;
	s2 =	simm.s32 @!p0 $0x1C03  }
0xe0: {  	[timem:s3], [sflag:s2] =	dma.local @!p0 [hbm:s0], s1  }
0xe1: {  	s0 =	simm.s32 @!p0 $0x3  }
0xe2: {  	_ =	swait.ge @!p0 [sflag:s0], s1  }
0xe3: {  	s1 =	ssub.s32 @!p0 $0x0, s1;
	[sflag:s0] =	ssyncset.done @!p0 $0x0  }
0xe4: {  	[sflag:s0] =	ssyncadd.s32 @!p0 s1  }
0xe5: {  	[bflag:$0x3] =	sbarrier.arrive $0xFFFF  }
0xe6: {  	_ =	shalt  }

// kernel: kernel.14.cloned.1.call-start
scs
__scs_entry_jumppad:
0x0: {  	(pc) =	sbr.rel $0x88, $3  }
0x1: {  	(tag) =	ssettag $0x0;
	lr =	simm.s32 $0x1  }
0x2: {  	[smem:$0x3F93] =	sst lr;
	_ =	strace $0xD0000000  }
0x3: {  	_ = 	snop  }
0x4: {  	_ = 	snop  }
0x5: {  	_ = 	snop  }
0x6: {  	_ = 	snop  }
0x7: {  	_ = 	snop  }
__scs_overlays_trampoline_lowered:
0x8: {  	[smem:$0x3FA2] =	sst s0  }
0x9: {  	[smem:$0x3FA3] =	sst s1  }
0xa: {  	[smem:$0x3FA4] =	sst s2  }
0xb: {  	[smem:$0x3FA5] =	sst s3  }
0xc: {  	[smem:$0x3FA6] =	sst s4  }
0xd: {  	[smem:$0x3FA7] =	sst s5  }
0xe: {  	[smem:$0x3FA8] =	sst s6  }
0xf: {  	[smem:$0x3FA9] =	sst s7  }
0x10: {  	[smem:$0x3FAA] =	sst s8  }
0x11: {  	[smem:$0x3FAB] =	sst s9;
	s0 =	simm.s32 @!p0 $0x0  }
0x12: {  	s1 =	sld [smem:$0x3F91];
	s0 =	simm.s32 @p0 $0x1  }
0x13: {  	[smem:$0x3FAC] =	sst s0;
	s0 =	simm.s32 @!p1 $0x0  }
0x14: {  	s2 =	sld [smem:$0x3F90];
	s0 =	simm.s32 @p1 $0x1  }
0x15: {  	[smem:$0x3FAD] =	sst s0;
	s0 =	simm.s32 @!p2 $0x0  }
0x16: {  	s3 =	sld [smem:$0x3FDB];
	s0 =	simm.s32 @p2 $0x1  }
0x17: {  	s4 =	simm.s32 $0x1BF5;
	[smem:$0x3FAF] =	sst s0  }
0x18: {  	s0 =	sld [smem:$0x3F92];
	_ =	swait.ge [sflag:s4], $0x0  }
0x19: {  	s7 =	sld [smem:$0x3F93]  }
0x1a: {  	s8 =	sadd.s32 $0xFFFFE003, lr  }
0x1b: {  	s9 =	sadd.s32 $0xFFFFFEF7, lr;
	s5 =	simm.s32 $0xFFFFFFFF;
	p2 =	slt.u32 s8, $0xFFFFF086  }
0x1c: {  	p1 =	slt.u32 s9, $0xF7A;
	s5 =	simm.s32 @!p2 $0x0  }
0x1d: {  	s5 =	simm.s32 @p1 $0x1;
	p0 =	seq.s32 s7, s2  }
0x1e: {  	s7 =	smul.u32 @!p0 $0xF7A, s2;
	p2 =	seq.s32 @!p0 s5, $0x0  }
0x1f: {  	s9 =	smul.u32 $0xF7A, s1;
	s8 =	simm.s32 @!p0 $0x1BF5;
	p2 =	por !p2, p0  }
0x20: {  	[sflag:s8] =	ssyncset.s32 @!p0 $0xFFFFF086;
	s6 =	sadd.s32 @!p0 s3, s7;
	s7 =	simm.s32 @!p0 $0x108  }
0x21: {  	s3 =	sadd.s32 s3, s9;
	s6 =	sadd.s32 @!p0 $0x88, s6;
	s7 =	simm.s32 @p2 $0x1082  }
0x22: {  	[simem:s7], [sflag:s8] =	dma.local @!p0 [hbm:s6], $0xF7A  }
0x23: {  	s9 =	sor.u32 $0xD0000000, s2;
	s6 =	simm.s32 $0x108;
	_ =	swait.ge @!p0 [sflag:s8], $0x0  }
0x24: {  	s3 =	sadd.s32 $0x88, s3;
	s6 =	simm.s32 @!p1 $0x1082;
	[sflag:s4] =	ssyncset.s32 $0xFFFFF086  }
0x25: {  	[simem:s6], [sflag:s4] =	dma.local [hbm:s3], $0xF7A  }
0x26: {  	[smem:$0x3F93] =	sst s1;
	(tag) =	ssettag s2;
	_ =	strace s9  }
0x27: {  	s1 =	sld [smem:$0x3FA3]  }
0x28: {  	s2 =	sld [smem:$0x3FA4]  }
0x29: {  	s4 =	sld [smem:$0x3FA6]  }
0x2a: {  	p0 =	seq.s32 s5, $0x0;
	s5 =	sld [smem:$0x3FA7]  }
0x2b: {  	s6 =	sld [smem:$0x3FA8]  }
0x2c: {  	s7 =	sld [smem:$0x3FA9]  }
0x2d: {  	s3 =	simm.s32 $0x108;
	s8 =	sld [smem:$0x3FAA]  }
0x2e: {  	s3 =	simm.s32 @!p0 $0x1082;
	s9 =	sld [smem:$0x3FAB]  }
0x2f: {  	lr =	sadd.s32 s0, s3;
	s0 =	sld [smem:$0x3FA2]  }
0x30: {  	s3 =	sld [smem:$0x3FA5]  }
0x31: {  	[smem:$0x3FAE] =	sst s10  }
0x32: {  	s10 =	sld [smem:$0x3FAC];
	_ =	sdelay $0x3  }
0x33: {  	p0 =	seq.s32 s10, $0x1;
	s10 =	sld [smem:$0x3FAE];
	_ =	sdelay $0x3  }
0x34: {  	[smem:$0x3FAE] =	sst s10  }
0x35: {  	s10 =	sld [smem:$0x3FAD];
	_ =	sdelay $0x3  }
0x36: {  	p1 =	seq.s32 s10, $0x1;
	s10 =	sld [smem:$0x3FAE];
	_ =	sdelay $0x3  }
0x37: {  	[smem:$0x3FAE] =	sst s10  }
0x38: {  	s10 =	sld [smem:$0x3FAF]  }
0x39: {  	_ = 	snop;
	(pc) =	sbr.ind lr, $3  }
0x3a: {  	_ = 	snop  }
0x3b: {  	_ = 	snop  }
0x3c: {  	p2 =	seq.s32 s10, $0x1;
	s10 =	sld [smem:$0x3FAE]  }
0x3d: {  	_ =	shalt  }
0x3e: {  	_ =	shalt  }
0x3f: {  	_ =	shalt  }
0x40: {  	_ =	shalt  }
0x41: {  	_ =	shalt  }
0x42: {  	_ =	shalt  }
0x43: {  	_ =	shalt  }
0x44: {  	_ =	shalt  }
0x45: {  	_ =	shalt  }
0x46: {  	_ =	shalt  }
0x47: {  	_ =	shalt  }
0x48: {  	_ =	shalt  }
0x49: {  	_ =	shalt  }
0x4a: {  	_ =	shalt  }
0x4b: {  	_ =	shalt  }
0x4c: {  	_ =	shalt  }
0x4d: {  	_ =	shalt  }
0x4e: {  	_ =	shalt  }
0x4f: {  	_ =	shalt  }
0x50: {  	_ =	shalt  }
0x51: {  	_ =	shalt  }
0x52: {  	_ =	shalt  }
0x53: {  	_ =	shalt  }
0x54: {  	_ =	shalt  }
0x55: {  	_ =	shalt  }
0x56: {  	_ =	shalt  }
0x57: {  	_ =	shalt  }
0x58: {  	_ =	shalt  }
0x59: {  	_ =	shalt  }
0x5a: {  	_ =	shalt  }
0x5b: {  	_ =	shalt  }
0x5c: {  	_ =	shalt  }
0x5d: {  	_ =	shalt  }
0x5e: {  	_ =	shalt  }
0x5f: {  	_ =	shalt  }
0x60: {  	_ =	shalt  }
0x61: {  	_ =	shalt  }
0x62: {  	_ =	shalt  }
0x63: {  	_ =	shalt  }
0x64: {  	_ =	shalt  }
0x65: {  	_ =	shalt  }
0x66: {  	_ =	shalt  }
0x67: {  	_ =	shalt  }
0x68: {  	_ =	shalt  }
0x69: {  	_ =	shalt  }
0x6a: {  	_ =	shalt  }
0x6b: {  	_ =	shalt  }
0x6c: {  	_ =	shalt  }
0x6d: {  	_ =	shalt  }
0x6e: {  	_ =	shalt  }
0x6f: {  	_ =	shalt  }
0x70: {  	_ =	shalt  }
0x71: {  	_ =	shalt  }
0x72: {  	_ =	shalt  }
0x73: {  	_ =	shalt  }
0x74: {  	_ =	shalt  }
0x75: {  	_ =	shalt  }
0x76: {  	_ =	shalt  }
0x77: {  	_ =	shalt  }
0x78: {  	_ =	shalt  }
0x79: {  	_ =	shalt  }
0x7a: {  	_ =	shalt  }
0x7b: {  	_ =	shalt  }
0x7c: {  	_ =	shalt  }
0x7d: {  	_ =	shalt  }
0x7e: {  	_ =	shalt  }
0x7f: {  	_ =	shalt  }
0x80: {  	_ =	shalt  }
0x81: {  	_ =	shalt  }
0x82: {  	_ =	shalt  }
0x83: {  	_ =	shalt  }
0x84: {  	_ =	shalt  }
0x85: {  	_ =	shalt  }
0x86: {  	_ =	shalt  }
0x87: {  	_ =	shalt  }
.Lfunc_end0:
.L_simem_size_0:
called_computation.2_lowered:
.L_overlay_start_0:
0x88: {  	s2 =	sld [smem:$0x3FD9]  }
0x89: {  	s3 =	sld [smem:$0x3FFE];
	_ =	sdelay $0x1  }
0x8a: {  	s1 =	srdreg.scid  }
0x8b: {  	s0 =	sand.u32 $0x1, s1  }
0x8c: {  	s17 =	sshll.u32 s0, $0xA;
	s2 =	sadd.s32 s3, s2  }
0x8d: {  	s2 =	sadd.s32 s2, s17  }
0x8e: {  	[smem:$0x3FBA] =	sst s2  }
0x8f: {  	_ = 	snop  }
0x90: {  	s2 =	sld [smem:$0x3FC9]  }
0x91: {  	s18 =	sld [smem:$0x3FD0];
	(tm) =	ssettm $0x1  }
0x92: {  	s4 =	sld [smem:$0x3FFB];
	_ =	sdelay $0x3  }
0x93: {  	_ =	strace s4  }
0x94: {  	s4 =	sld [smem:$0x3FFC];
	_ =	sdelay $0x3  }
0x95: {  	_ =	strace s4  }
0x96: {  	s4 =	sld [smem:$0x3FFD];
	_ =	sdelay $0x3  }
0x97: {  	_ =	strace s4  }
0x98: {  	_ =	strace $0x8FFFFFFF  }
0x99: {  	s19 =	sld [smem:$0x3FDB];
	_ =	sdelay $0x1  }
0x9a: {  	s5 =	simm.s32 $_scs_section_size  }
0x9b: {  	s6 =	simm.s32 $_size__tile_overlayer_lowered;
	s7 =	simm.s32 $_tile_overlayer_lowered  }
0x9c: {  	s22 =	simm.s32 $0x1BFF;
	s21 =	sshll.u32 s7, $0x1;
	s4 =	sadd.s32 s5, s19  }
0x9d: {  	s8 =	simm.s32 $0x0;
	s20 =	sshll.u32 s6, $0x1;
	s6 =	sadd.s32 s21, s4  }
0x9e: {  	[timem:s8], [sflag:s22] =	dma.local [hbm:s6], s20  }
0x9f: {  	_ =	swait.ge [sflag:s22], s20  }
0xa0: {  	s5 =	ssub.s32 $0x0, s20;
	[sflag:s22] =	ssyncset.done $0x0  }
0xa1: {  	[sflag:s22] =	ssyncadd.s32 s5;
	_ =	sdelay $0x1  }
0xa2: {  	s23 =	simm.s32 $0x1B8B  }
0xa3: {  	_ =	swait.ge [sflag:s23], $0x1  }
0xa4: {  	[sflag:s23] =	ssyncset.done $0x0  }
0xa5: {  	s25 =	simm.s32 $0x1B8E;
	s24 =	sld [smem:$0x3FFE];
	[sflag:s23] =	ssyncadd.s32 $0xFFFFFFFF  }
0xa6: {  	s26 =	simm.s32 $execute0_lowered;
	[smem:$0x3FD2] =	sst s25  }
0xa7: {  	s6 =	sshll.u32 s26, $0x1;
	_ =	strace $0x8000004C;
	[dreg:$0x1] =	wrdreg $0xFFFFFFFF  }
0xa8: {  	s28 =	simm.s32 $_size_execute0_lowered;
	s4 =	sadd.s32 s4, s6;
	[dreg:$0x0] =	wrdreg $0x0  }
0xa9: {  	s6 =	sshll.u32 s28, $0x1;
	[dreg:$0x2] =	wrdreg s4  }
0xaa: {  	[dreg:$0x3] =	wrdreg s6  }
0xab: {  	[dreg:$0x4] =	wrdreg $0xC0  }
0xac: {  	_ =	task [dreg:s8], $0x5FFFF  }
0xad: {  	[dreg:$0x1] =	wrdreg $0xFFFFFFFF  }
0xae: {  	[dreg:$0x0] =	wrdreg $0x60  }
0xaf: {  	[dreg:$0x2] =	wrdreg s24  }
0xb0: {  	[dreg:$0x3] =	wrdreg s2  }
0xb1: {  	[dreg:$0x4] =	wrdreg s18  }
0xb2: {  	[dreg:$0x5] =	wrdreg $0xBE800  }
0xb3: {  	[dreg:$0x6] =	wrdreg $0x9  }
0xb4: {  	_ =	task.clear_ibuf [dreg:s8], $0x7FFFF;
	_ =	strace $0x9000004C  }
0xb5: {  	s29 =	simm.s32 $0x9;
	_ =	strace $0x8000004E  }
0xb6: {  	_ =	swait.ge [sflag:s29], $0x1  }
0xb7: {  	[sflag:s29] =	ssyncadd.s32 $0xFFFFFFFF  }
0xb8: {  	_ =	strace $0x9000004E  }
0xb9: {  	_ =	sfence  }
0xba: {  	s30 =	sld [smem:$0x0];
	_ =	sdelay $0x2  }
0xbb: {  	s31 =	sshll.u32 s1, $0xD;
	s1 =	sshrl.u32 s1, $0x2  }
0xbc: {  	s3 =	sand.u32 $0x4000, s31;
	s1 =	sadd.s32 s1, s30  }
0xbd: {  	s0 =	sor.u32 s3, s0;
	s1 =	sshll.u32 s1, $0x11  }
0xbe: {  	s0 =	sor.u32 s1, s0  }
0xbf: {  	s0 =	sadd.s32 $0x8F2B, s0  }
0xc0: {  	[sflag:s0] =	ssyncadd.remote.s32 $0x1  }
0xc1: {  	_ =	sfence.sel $0xFFFF  }
0xc2: {  	[dreg:$0x0] =	wrdreg $0xFFFFFFFF;
	(pc) =	sbr.abs _section_cstart, $3  }
0xc3: {  	[dreg:$0x1] =	wrdreg $0xFFFFFFFF  }
0xc4: {  	_ =	task.clear_ibuf [dreg:s8], $0x2FFFF;
	_ =	strace $0x9FFFFFFF  }
0xc5: {  	(tm) =	ssettm $0x7FFFFFFF  }
tec
execute0_lowered:
.L_overlay_start_1:
0x0: {  	(tag) =	ssettag $0x1  }
0x1: {  	s0 =	rddreg [dreg:$0x0]  }
0x2: {  	s1 =	srdreg.scid;
	s16 =	rddreg [dreg:$0x1]  }
0x3: {  	s21 =	rddreg [dreg:$0x2];
	s9 =	stileid.u32  }
0x4: {  	s2 =	rddreg [dreg:$0x3];
	s28 =	simm.s32 $0x7D;
	s29 =	simm.s32 $0x80  }
0x5: {  	s30 =	simm.s32 $0x7C00;
	s31 =	simm.s32 $0x1;
	s1 =	sand.u32 $0x1, s1  }
0x6: {  	s6 =	smul.u32 $0xA000, s9;
	s15 =	sshll.u32 s9, $0x8;
	s19 =	sshll.u32 s9, $0xF  }
0x7: {  	p0 =	sgt.u32 s9, $0xC;
	s3 =	sshll.u32 s1, $0x4;
	s7 =	ssub.s32 $0x2, s1  }
0x8: {  	s18 =	sshll.u32 s1, $0x13;
	p1 =	sne.s32 s1, $0x0;
	s1 =	simm.s32 $0x2  }
0x9: {  	s4 =	sor.u32 s9, s3;
	s3 =	simm.s32 $0x0;
	s8 =	sshrl.u32 s7, $0x1  }
0xa: {  	s6 =	sshrl.u32 s6, $0x2;
	s19 =	sor.u32 s19, s18;
	s4 =	smul.u32 $0x2800, s4  }
0xb: {  	[smem:$0x7FF] =	sst s3;
	s22 =	ssub.s32 s7, s8;
	s6 =	sadd.s32 s6, s2  }
0xc: {  	s19 =	sshrl.u32 s19, $0x3;
	_ =	strace $0x8000004D;
	s20 =	sadd.s32 $0x28000, s6  }
0xd: {  	s23 =	sadd.s32 $0x50000, s6;
	s24 =	sadd.s32 $0x78000, s6;
	s25 =	sadd.s32 $0xA0000, s6  }
0xe: {  	s11 =	sadd.s32 $0xC8000, s6;
	s12 =	sadd.s32 $0xF0000, s6;
	[dreg:$0x5] =	wrdreg s20  }
0xf: {  	s13 =	sadd.s32 $0x118000, s6;
	s22 =	smax.u32 s22, $0x1;
	[dreg:$0x6] =	wrdreg s23  }
0x10: {  	s5 =	sshrl.u32 s4, $0x3;
	s4 =	sadd.s32 $0x17C00, s0;
	[dreg:$0x7] =	wrdreg s24  }
0x11: {  	[dreg:$0x8] =	wrdreg s25;
	s20 =	sor.u32 $0x80, s15;
	s23 =	sshll.u32 s9, $0x5  }
0x12: {  	s17 =	sadd.s32 s5, s0;
	s5 =	sadd.s32 $0xD200, s0;
	s0 =	sadd.s32 $0x3EE00, s0  }
0x13: {  	s15 =	sshll.u32 s20, $0x7;
	s16 =	sadd.s32 s16, s23;
	s26 =	sshrl.u32 s20, $0x3  }
0x14: {  	s20 =	sadd.s32 s21, s23;
	s23 =	simm.s32 $0x3C00;
	s14 =	sadd.s32 $0x3200, s17  }
0x15: {  	s18 =	sor.u32 s18, s15;
	s15 =	sadd.s32 $0xDC00, s17;
	s17 =	sadd.s32 $0xDE80, s17  }
0x16: {  	s21 =	sadd.s32 s21, s26;
	s24 =	sshrl.u32 s18, $0x3;
	s18 =	sadd.s32 s0, s19  }
0x17: {  	v0 =	vimm.f32 $0.0e+00;
	s19 =	sadd.s32 s0, s24;
	s24 =	simm.s32 $0x3;
	s0 =	simm.s32 $0x0  }
.LBB2_1:
0x18: {  	s25 =	simm.s32 $0x0;
	s26 =	simm.s32 $0x200  }
.LBB2_2:
0x19: {  	p2 =	sne.s32 s26, $0xFE00;
	[tilespmem:s25+$0x3C70] =	vst v0  }
0x1a: {  	[tilespmem:s25+$0x3C00] =	vst v0  }
0x1b: {  	[tilespmem:s25+$0x3C10] =	vst v0  }
.Ltmp0:
0x1c: {  	[tilespmem:s25+$0x3C20] =	vst v0;
	(pc) =	sbr.rel @p2 .LBB2_2-.Ltmp0, $4  }
0x1d: {  	[tilespmem:s25+$0x3C30] =	vst v0  }
0x1e: {  	[tilespmem:s25+$0x3C40] =	vst v0  }
0x1f: {  	[tilespmem:s25+$0x3C50] =	vst v0  }
0x20: {  	[tilespmem:s25+$0x3C60] =	vst v0;
	s25 =	sshra.s32 s26, $0x2;
	s26 =	sadd.s32 $0x200, s26  }
0x21: {  	[tilespmem:s25+$0x3C70] =	vst v0  }
0x22: {  	[tilespmem:s25+$0x3C00] =	vst v0  }
0x23: {  	[tilespmem:s25+$0x3C10] =	vst v0  }
0x24: {  	[tilespmem:s25+$0x3C20] =	vst v0  }
0x25: {  	[tilespmem:s25+$0x3C30] =	vst v0  }
0x26: {  	[tilespmem:s25+$0x3C40] =	vst v0  }
0x27: {  	[tilespmem:s25+$0x3C50] =	vst v0  }
0x28: {  	[tilespmem:s25+$0x3C60] =	vst v0  }
0x29: {  	[spmem:s6] =	stream.linear.scatter [tilespmem:s23], [sflag:$0x3], $0x2800, $0x38;
	[tilespmem:$0x1F700] =	vst v63  }
0x2a: {  	_ =	swait.ge [sflag:s24], $0x2800  }
0x2b: {  	[sflag:s24] =	ssyncset.done $0x0  }
0x2c: {  	s7 =	rddreg [dreg:$0x5];
	[sflag:s24] =	ssyncadd.s32 $0xFFFFD800  }
0x2d: {  	[spmem:s7] =	stream.linear.scatter [tilespmem:s23], [sflag:$0x3], $0x2800, $0x38;
	[tilespmem:$0x1F700] =	vst v63  }
0x2e: {  	_ =	swait.ge [sflag:s24], $0x2800  }
0x2f: {  	[sflag:s24] =	ssyncset.done $0x0  }
0x30: {  	s26 =	rddreg [dreg:$0x6];
	[sflag:s24] =	ssyncadd.s32 $0xFFFFD800  }
0x31: {  	[spmem:s26] =	stream.linear.scatter [tilespmem:s23], [sflag:$0x3], $0x2800, $0x38;
	[tilespmem:$0x1F700] =	vst v63  }
0x32: {  	_ =	swait.ge [sflag:s24], $0x2800  }
0x33: {  	[sflag:s24] =	ssyncset.done $0x0  }
0x34: {  	s8 =	rddreg [dreg:$0x7];
	[sflag:s24] =	ssyncadd.s32 $0xFFFFD800  }
0x35: {  	[spmem:s8] =	stream.linear.scatter [tilespmem:s23], [sflag:$0x3], $0x2800, $0x38;
	[tilespmem:$0x1F700] =	vst v63  }
0x36: {  	_ =	swait.ge [sflag:s24], $0x2800  }
0x37: {  	[sflag:s24] =	ssyncset.done $0x0  }
0x38: {  	s9 =	rddreg [dreg:$0x8];
	[sflag:s24] =	ssyncadd.s32 $0xFFFFD800  }
0x39: {  	[spmem:s9] =	stream.linear.scatter [tilespmem:s23], [sflag:$0x3], $0x2800, $0x38;
	[tilespmem:$0x1F700] =	vst v63  }
0x3a: {  	_ =	swait.ge [sflag:s24], $0x2800  }
0x3b: {  	[sflag:s24] =	ssyncset.done $0x0  }
0x3c: {  	[sflag:s24] =	ssyncadd.s32 $0xFFFFD800  }
0x3d: {  	[spmem:s11] =	stream.linear.scatter [tilespmem:s23], [sflag:$0x3], $0x2800, $0x38;
	[tilespmem:$0x1F700] =	vst v63  }
0x3e: {  	_ =	swait.ge [sflag:s24], $0x2800  }
0x3f: {  	[sflag:s24] =	ssyncset.done $0x0  }
0x40: {  	[sflag:s24] =	ssyncadd.s32 $0xFFFFD800  }
0x41: {  	[spmem:s12] =	stream.linear.scatter [tilespmem:s23], [sflag:$0x3], $0x2800, $0x38;
	[tilespmem:$0x1F700] =	vst v63  }
0x42: {  	_ =	swait.ge [sflag:s24], $0x2800  }
0x43: {  	[sflag:s24] =	ssyncset.done $0x0  }
0x44: {  	s25 =	simm.s32 @!p0 $0x3C00;
	[sflag:s24] =	ssyncadd.s32 $0xFFFFD800  }
0x45: {  	[spmem:s13] =	stream.linear.scatter @!p0 [tilespmem:s25], [sflag:$0x3], $0x2800, $0x38;
	[tilespmem:$0x1F700] =	vst v63  }
0x46: {  	s25 =	simm.s32 @!p0 $0x3  }
0x47: {  	_ =	swait.ge @!p0 [sflag:s25], $0x2800  }
0x48: {  	[sflag:s25] =	ssyncset.done @!p0 $0x0  }
0x49: {  	s10 =	simm.s32 $0x0;
	s26 =	simm.s32 $0x1400;
	[sflag:s25] =	ssyncadd.s32 @!p0 $0xFFFFD800  }
0x4a: {  	[tilespmem:s26], [sflag:$0x3] =	stream.linear.gather [hbm4b:s14+s10], $0x2800, $0x38;
	[tilespmem:$0x1F700] =	vst v63  }
0x4b: {  	_ =	swait.ge [sflag:s24], $0x2800  }
0x4c: {  	[sflag:s24] =	ssyncset.done $0x0  }
0x4d: {  	[sflag:s24] =	ssyncadd.s32 $0xFFFFD800  }
0x4e: {  	[tilespmem:s10], [sflag:$0x3] =	stream.linear.gather [hbm4b:s15+s10], $0x1400, $0x38;
	[tilespmem:$0x1F700] =	vst v63  }
0x4f: {  	_ =	swait.ge [sflag:s24], $0x1400  }
0x50: {  	[sflag:s24] =	ssyncset.done $0x0  }
0x51: {  	s8 =	simm.s32 $0xBC00;
	[sflag:s24] =	ssyncadd.s32 $0xFFFFEC00  }
0x52: {  	[tilespmem:s8], [sflag:$0x3] =	stream.linear.gather [hbm4b:s16+s10], $0x100, $0x38;
	[tilespmem:$0x1F700] =	vst v63  }
0x53: {  	_ =	swait.ge [sflag:s24], $0x100  }
0x54: {  	[sflag:s24] =	ssyncset.done $0x0  }
0x55: {  	[sflag:s24] =	ssyncadd.s32 $0xFFFFFF00  }
0x56: {  	v1 =	vld [tilespmem:$0xBC00]  }
0x57: {  	v2 =	vld [tilespmem:$0xBC10]  }
0x58: {  	v3 =	vld [tilespmem:$0xBC20]  }
0x59: {  	v4 =	vld [tilespmem:$0xBC30]  }
0x5a: {  	v5 =	vld [tilespmem:$0xBC40]  }
0x5b: {  	v6 =	vld [tilespmem:$0xBC50]  }
0x5c: {  	v7 =	vld [tilespmem:$0xBC60]  }
0x5d: {  	v8 =	vld [tilespmem:$0xBC70]  }
0x5e: {  	v9 =	vld [tilespmem:$0xBC80]  }
0x5f: {  	v10 =	vld [tilespmem:$0xBC90]  }
0x60: {  	v11 =	vld [tilespmem:$0xBCA0]  }
0x61: {  	v12 =	vld [tilespmem:$0xBCB0]  }
0x62: {  	v56 =	vld [tilespmem:$0xBCD0];
	v1 =	vmul.f32 $9.999000000e+03, v1  }
0x63: {  	v59 =	vld [tilespmem:$0xBCE0];
	v2 =	vmul.f32 $9.999000000e+03, v2;
	v3 =	vmul.f32 $9.999000000e+03, v3  }
0x64: {  	v60 =	vld [tilespmem:$0xBCF0];
	v4 =	vmul.f32 $9.999000000e+03, v4;
	v5 =	vmul.f32 $9.999000000e+03, v5  }
0x65: {  	v6 =	vmul.f32 $9.999000000e+03, v6;
	v7 =	vmul.f32 $9.999000000e+03, v7  }
0x66: {  	v8 =	vmul.f32 $9.999000000e+03, v8;
	v52 =	vmul.f32 $9.999000000e+03, v9  }
0x67: {  	v54 =	vmul.f32 $9.999000000e+03, v10;
	v55 =	vmul.f32 $9.999000000e+03, v11  }
0x68: {  	v58 =	vmul.f32 $9.999000000e+03, v12;
	v61 =	vmul.f32 $9.999000000e+03, v56  }
0x69: {  	v62 =	vmul.f32 $9.999000000e+03, v59;
	v63 =	vmul.f32 $9.999000000e+03, v60  }
0x6a: {  	v1 =	vtrunc.f32 v1;
	v2 =	vtrunc.f32 v2  }
0x6b: {  	v3 =	vtrunc.f32 v3;
	v1 =	vcvt.f32.s32 v1  }
0x6c: {  	v4 =	vtrunc.f32 v4;
	v2 =	vcvt.f32.s32 v2  }
0x6d: {  	v5 =	vtrunc.f32 v5;
	v3 =	vcvt.f32.s32 v3;
	[tilespmem:$0xBD00] =	vst v1  }
0x6e: {  	v6 =	vtrunc.f32 v6;
	v4 =	vcvt.f32.s32 v4;
	[tilespmem:$0xBD10] =	vst v2  }
0x6f: {  	v53 =	vld [tilespmem:$0xBCC0];
	v7 =	vtrunc.f32 v7;
	v5 =	vcvt.f32.s32 v5;
	[tilespmem:$0xBD20] =	vst v3  }
0x70: {  	v57 =	vtrunc.f32 v54;
	v6 =	vcvt.f32.s32 v6;
	[tilespmem:$0xBD30] =	vst v4  }
0x71: {  	v1 =	vtrunc.f32 v8;
	v2 =	vcvt.f32.s32 v7;
	[tilespmem:$0xBD40] =	vst v5  }
0x72: {  	v3 =	vtrunc.f32 v52;
	[tilespmem:$0xBD50] =	vst v6;
	v5 =	vcvt.f32.s32 v57  }
0x73: {  	v4 =	vtrunc.f32 v55;
	v1 =	vcvt.f32.s32 v1;
	[tilespmem:$0xBD60] =	vst v2  }
0x74: {  	v7 =	vmul.f32 $9.999000000e+03, v53;
	v3 =	vcvt.f32.s32 v3;
	[tilespmem:$0xBD90] =	vst v5  }
0x75: {  	v2 =	vtrunc.f32 v58;
	[tilespmem:$0xBD70] =	vst v1;
	v1 =	vcvt.f32.s32 v4  }
0x76: {  	v2 =	vcvt.f32.s32 v2;
	[tilespmem:$0xBD80] =	vst v3;
	v3 =	vtrunc.f32 v7  }
0x77: {  	v3 =	vcvt.f32.s32 v3;
	[tilespmem:$0xBDA0] =	vst v1;
	v1 =	vtrunc.f32 v61  }
0x78: {  	[tilespmem:$0xBDB0] =	vst v2;
	v2 =	vtrunc.f32 v62;
	v1 =	vcvt.f32.s32 v1  }
0x79: {  	[tilespmem:$0xBDC0] =	vst v3;
	v2 =	vcvt.f32.s32 v2;
	v3 =	vtrunc.f32 v63  }
0x7a: {  	[tilespmem:$0xBDD0] =	vst v1;
	v1 =	vcvt.f32.s32 v3  }
0x7b: {  	[tilespmem:$0xBDE0] =	vst v2  }
0x7c: {  	[tilespmem:$0xBDF0] =	vst v1  }
0x7d: {  	[bflag:$0x0] =	sbarrier.arrive $0xFFFF  }
0x7e: {  	[tilespmem:s23], [sflag:$0x1] =	stream.indirect.gather [hbm4b:s4+s28], $0x80, s10, s28, $0xb8;
	[tilespmem:$0x1F700] =	vst v63  }
0x7f: {  	_ = 	snop  }
0x80: {  	[tilespmem:s30], [sflag:$0x2] =	stream.indirect.gather [hbm4b:s4+s28], $0x80, s29, s28, $0xb8;
	[tilespmem:$0x1F700] =	vst v63  }
0x81: {  	_ =	swait.ge [sflag:s31], $0x3E80  }
0x82: {  	[sflag:s31] =	ssyncset.done $0x0  }
0x83: {  	s9 =	simm.s32 $0x1400;
	[sflag:s31] =	ssyncadd.s32 $0xFFFFC180  }
0x84: {  	[spmem:s2] =	stream.indirect.scatter.add.f32 [tilespmem:s23], [sflag:$0x3], $0x80, s9, s28, $0xb8;
	[tilespmem:$0x1F700] =	vst v63  }
0x85: {  	_ =	swait.ge [sflag:s24], $0x3E80  }
0x86: {  	[sflag:s24] =	ssyncset.done $0x0  }
0x87: {  	s10 =	simm.s32 $0x100;
	[sflag:s24] =	ssyncadd.s32 $0xFFFFC180  }
0x88: {  	[tilespmem:s23], [sflag:$0x1] =	stream.indirect.gather [hbm4b:s4+s28], $0x80, s10, s28, $0xb8;
	[tilespmem:$0x1F700] =	vst v63  }
0x89: {  	_ =	swait.ge [sflag:s1], $0x3E80  }
0x8a: {  	[sflag:s1] =	ssyncset.done $0x0  }
0x8b: {  	s26 =	simm.s32 $0x1480;
	[sflag:s1] =	ssyncadd.s32 $0xFFFFC180  }
0x8c: {  	[spmem:s2] =	stream.indirect.scatter.add.f32 [tilespmem:s30], [sflag:$0x3], $0x80, s26, s28, $0xb8;
	[tilespmem:$0x1F700] =	vst v63  }
0x8d: {  	_ =	swait.ge [sflag:s24], $0x3E80  }
0x8e: {  	[sflag:s24] =	ssyncset.done $0x0  }
0x8f: {  	s25 =	simm.s32 $0x400;
	s26 =	simm.s32 $0x180;
	[sflag:s24] =	ssyncadd.s32 $0xFFFFC180  }
.LBB2_4:
0x90: {  	[tilespmem:s30], [sflag:$0x2] =	stream.indirect.gather [hbm4b:s4+s28], $0x80, s26, s28, $0xb8;
	[tilespmem:$0x1F700] =	vst v63  }
0x91: {  	s26 =	smov.u32 s25  }
0x92: {  	p2 =	sne.s32 s25, $0x4800;
	s25 =	sadd.s32 $0x400, s25;
	_ =	swait.ge [sflag:s31], $0x3E80  }
0x93: {  	s26 =	sshra.s32 s26, $0x2;
	[sflag:s31] =	ssyncset.done $0x0  }
0x94: {  	s7 =	sadd.s32 $0x1400, s26;
	[sflag:s31] =	ssyncadd.s32 $0xFFFFC180  }
0x95: {  	[spmem:s2] =	stream.indirect.scatter.add.f32 [tilespmem:s23], [sflag:$0x3], $0x80, s7, s28, $0xb8;
	[tilespmem:$0x1F700] =	vst v63  }
0x96: {  	_ =	swait.ge [sflag:s24], $0x3E80  }
0x97: {  	[sflag:s24] =	ssyncset.done $0x0  }
0x98: {  	s7 =	sadd.s32 $0x100, s26;
	[sflag:s24] =	ssyncadd.s32 $0xFFFFC180  }
0x99: {  	[tilespmem:s23], [sflag:$0x1] =	stream.indirect.gather [hbm4b:s4+s28], $0x80, s7, s28, $0xb8;
	[tilespmem:$0x1F700] =	vst v63  }
0x9a: {  	_ =	swait.ge [sflag:s1], $0x3E80  }
0x9b: {  	[sflag:s1] =	ssyncset.done $0x0  }
.Ltmp1:
0x9c: {  	s7 =	sadd.s32 $0x1480, s26;
	[sflag:s1] =	ssyncadd.s32 $0xFFFFC180;
	(pc) =	sbr.rel @p2 .LBB2_4-.Ltmp1, $4  }
0x9d: {  	[spmem:s2] =	stream.indirect.scatter.add.f32 [tilespmem:s30], [sflag:$0x3], $0x80, s7, s28, $0xb8;
	[tilespmem:$0x1F700] =	vst v63  }
0x9e: {  	_ =	swait.ge [sflag:s24], $0x3E80  }
0x9f: {  	[sflag:s24] =	ssyncset.done $0x0  }
0xa0: {  	s26 =	sadd.s32 $0x180, s26;
	[sflag:s24] =	ssyncadd.s32 $0xFFFFC180  }
0xa1: {  	[tilespmem:s30], [sflag:$0x2] =	stream.indirect.gather [hbm4b:s4+s28], $0x80, s26, s28, $0xb8;
	[tilespmem:$0x1F700] =	vst v63  }
0xa2: {  	_ =	swait.ge [sflag:s31], $0x3E80  }
0xa3: {  	[sflag:s31] =	ssyncset.done $0x0  }
0xa4: {  	s7 =	simm.s32 $0x2700;
	[sflag:s31] =	ssyncadd.s32 $0xFFFFC180  }
0xa5: {  	[spmem:s2] =	stream.indirect.scatter.add.f32 [tilespmem:s23], [sflag:$0x3], $0x80, s7, s28, $0xb8;
	[tilespmem:$0x1F700] =	vst v63  }
0xa6: {  	_ =	swait.ge [sflag:s24], $0x3E80  }
0xa7: {  	[sflag:s24] =	ssyncset.done $0x0  }
0xa8: {  	[sflag:s24] =	ssyncadd.s32 $0xFFFFC180  }
0xa9: {  	_ =	swait.ge [sflag:s1], $0x3E80  }
0xaa: {  	[sflag:s1] =	ssyncset.done $0x0  }
0xab: {  	s9 =	simm.s32 $0x2780;
	[sflag:s1] =	ssyncadd.s32 $0xFFFFC180  }
0xac: {  	[spmem:s2] =	stream.indirect.scatter.add.f32 [tilespmem:s30], [sflag:$0x3], $0x80, s9, s28, $0xb8;
	[tilespmem:$0x1F700] =	vst v63  }
0xad: {  	_ =	swait.ge [sflag:s24], $0x3E80  }
0xae: {  	[sflag:s24] =	ssyncset.done $0x0  }
0xaf: {  	[sflag:s24] =	ssyncadd.s32 $0xFFFFC180  }
0xb0: {  	[tilespmem:s3], [sflag:$0x3] =	stream.linear.gather [hbm4b:s17+s3], $0x1400, $0x38;
	[tilespmem:$0x1F700] =	vst v63  }
0xb1: {  	_ =	swait.ge [sflag:s24], $0x1400  }
0xb2: {  	[sflag:s24] =	ssyncset.done $0x0  }
0xb3: {  	[sflag:s24] =	ssyncadd.s32 $0xFFFFEC00  }
0xb4: {  	[tilespmem:s23], [sflag:$0x1] =	stream.indirect.gather [hbm4b:s4+s28], $0x80, s3, s28, $0xb8;
	[tilespmem:$0x1F700] =	vst v63  }
0xb5: {  	_ = 	snop  }
0xb6: {  	[tilespmem:s30], [sflag:$0x2] =	stream.indirect.gather [hbm4b:s4+s28], $0x80, s29, s28, $0xb8;
	[tilespmem:$0x1F700] =	vst v63  }
0xb7: {  	_ =	swait.ge [sflag:s31], $0x3E80  }
0xb8: {  	[sflag:s31] =	ssyncset.done $0x0  }
0xb9: {  	s10 =	simm.s32 $0x2800;
	[sflag:s31] =	ssyncadd.s32 $0xFFFFC180  }
0xba: {  	[spmem:s2] =	stream.indirect.scatter.add.f32 [tilespmem:s23], [sflag:$0x3], $0x80, s10, s28, $0xb8;
	[tilespmem:$0x1F700] =	vst v63  }
0xbb: {  	_ =	swait.ge [sflag:s24], $0x3E80  }
0xbc: {  	[sflag:s24] =	ssyncset.done $0x0  }
0xbd: {  	s25 =	simm.s32 $0x100;
	[sflag:s24] =	ssyncadd.s32 $0xFFFFC180  }
0xbe: {  	[tilespmem:s23], [sflag:$0x1] =	stream.indirect.gather [hbm4b:s4+s28], $0x80, s25, s28, $0xb8;
	[tilespmem:$0x1F700] =	vst v63  }
0xbf: {  	_ =	swait.ge [sflag:s1], $0x3E80  }
0xc0: {  	[sflag:s1] =	ssyncset.done $0x0  }
0xc1: {  	s26 =	simm.s32 $0x2880;
	[sflag:s1] =	ssyncadd.s32 $0xFFFFC180  }
0xc2: {  	[spmem:s2] =	stream.indirect.scatter.add.f32 [tilespmem:s30], [sflag:$0x3], $0x80, s26, s28, $0xb8;
	[tilespmem:$0x1F700] =	vst v63  }
0xc3: {  	_ =	swait.ge [sflag:s24], $0x3E80  }
0xc4: {  	[sflag:s24] =	ssyncset.done $0x0  }
0xc5: {  	s25 =	simm.s32 $0xFFFFB800;
	s26 =	simm.s32 $0x180;
	[sflag:s24] =	ssyncadd.s32 $0xFFFFC180  }
.LBB2_6:
0xc6: {  	[tilespmem:s30], [sflag:$0x2] =	stream.indirect.gather [hbm4b:s4+s28], $0x80, s26, s28, $0xb8;
	[tilespmem:$0x1F700] =	vst v63  }
0xc7: {  	s7 =	smov.u32 s25  }
0xc8: {  	p2 =	sne.s32 s25, $0xFFFFFC00;
	s25 =	sadd.s32 $0x400, s25;
	_ =	swait.ge [sflag:s31], $0x3E80  }
0xc9: {  	s7 =	sshra.s32 s7, $0x2;
	[sflag:s31] =	ssyncset.done $0x0  }
0xca: {  	s26 =	sadd.s32 $0x3B00, s7;
	[sflag:s31] =	ssyncadd.s32 $0xFFFFC180  }
0xcb: {  	[spmem:s2] =	stream.indirect.scatter.add.f32 [tilespmem:s23], [sflag:$0x3], $0x80, s26, s28, $0xb8;
	[tilespmem:$0x1F700] =	vst v63  }
0xcc: {  	_ =	swait.ge [sflag:s24], $0x3E80  }
0xcd: {  	[sflag:s24] =	ssyncset.done $0x0  }
0xce: {  	s26 =	sadd.s32 $0x1400, s7;
	[sflag:s24] =	ssyncadd.s32 $0xFFFFC180  }
0xcf: {  	[tilespmem:s23], [sflag:$0x1] =	stream.indirect.gather [hbm4b:s4+s28], $0x80, s26, s28, $0xb8;
	[tilespmem:$0x1F700] =	vst v63  }
0xd0: {  	_ =	swait.ge [sflag:s1], $0x3E80  }
0xd1: {  	[sflag:s1] =	ssyncset.done $0x0  }
.Ltmp2:
0xd2: {  	s26 =	sadd.s32 $0x3B80, s7;
	[sflag:s1] =	ssyncadd.s32 $0xFFFFC180;
	(pc) =	sbr.rel @p2 .LBB2_6-.Ltmp2, $4  }
0xd3: {  	[spmem:s2] =	stream.indirect.scatter.add.f32 [tilespmem:s30], [sflag:$0x3], $0x80, s26, s28, $0xb8;
	[tilespmem:$0x1F700] =	vst v63  }
0xd4: {  	_ =	swait.ge [sflag:s24], $0x3E80  }
0xd5: {  	[sflag:s24] =	ssyncset.done $0x0  }
0xd6: {  	s26 =	sadd.s32 $0x1480, s7;
	[sflag:s24] =	ssyncadd.s32 $0xFFFFC180  }
0xd7: {  	[tilespmem:s30], [sflag:$0x2] =	stream.indirect.gather [hbm4b:s4+s28], $0x80, s26, s28, $0xb8;
	[tilespmem:$0x1F700] =	vst v63  }
0xd8: {  	_ =	swait.ge [sflag:s31], $0x3E80  }
0xd9: {  	[sflag:s31] =	ssyncset.done $0x0  }
0xda: {  	s7 =	simm.s32 $0x3B00;
	[sflag:s31] =	ssyncadd.s32 $0xFFFFC180  }
0xdb: {  	[spmem:s2] =	stream.indirect.scatter.add.f32 [tilespmem:s23], [sflag:$0x3], $0x80, s7, s28, $0xb8;
	[tilespmem:$0x1F700] =	vst v63  }
0xdc: {  	_ =	swait.ge [sflag:s24], $0x3E80  }
0xdd: {  	[sflag:s24] =	ssyncset.done $0x0  }
0xde: {  	[sflag:s24] =	ssyncadd.s32 $0xFFFFC180  }
0xdf: {  	_ =	swait.ge [sflag:s1], $0x3E80  }
0xe0: {  	[sflag:s1] =	ssyncset.done $0x0  }
0xe1: {  	s10 =	simm.s32 $0x3B80;
	[sflag:s1] =	ssyncadd.s32 $0xFFFFC180  }
0xe2: {  	[spmem:s2] =	stream.indirect.scatter.add.f32 [tilespmem:s30], [sflag:$0x3], $0x80, s10, s28, $0xb8;
	[tilespmem:$0x1F700] =	vst v63  }
0xe3: {  	_ =	swait.ge [sflag:s24], $0x3E80  }
0xe4: {  	[sflag:s24] =	ssyncset.done $0x0  }
0xe5: {  	[sflag:s24] =	ssyncadd.s32 $0xFFFFC180  }
0xe6: {  	s25 =	simm.s32 $0xBD00;
	[bflag:$0x0] =	sbarrier.arrive $0xFFFF  }
0xe7: {  	[tilespmem:s23], [sflag:$0x1] =	stream.indirect.gather [spmem:s2], $0x80, s25, s29, $0xb8;
	[tilespmem:$0x1F700] =	vst v63  }
0xe8: {  	_ =	swait.ge [sflag:s31], $0x4000  }
0xe9: {  	[sflag:s31] =	ssyncset.done $0x0  }
0xea: {  	[sflag:s31] =	ssyncadd.s32 $0xFFFFC000  }
0xeb: {  	[hbm4b:s18+s3] =	stream.linear.scatter [tilespmem:s23], [sflag:$0x3], $0x4000, $0x38;
	[tilespmem:$0x1F700] =	vst v63  }
0xec: {  	_ =	swait.ge [sflag:s24], $0x4000  }
0xed: {  	[sflag:s24] =	ssyncset.done $0x0  }
0xee: {  	s26 =	simm.s32 $0xBD80;
	[sflag:s24] =	ssyncadd.s32 $0xFFFFC000  }
0xef: {  	[tilespmem:s23], [sflag:$0x1] =	stream.indirect.gather [spmem:s2], $0x80, s26, s29, $0xb8;
	[tilespmem:$0x1F700] =	vst v63  }
0xf0: {  	_ =	swait.ge [sflag:s31], $0x4000  }
0xf1: {  	[sflag:s31] =	ssyncset.done $0x0  }
0xf2: {  	[sflag:s31] =	ssyncadd.s32 $0xFFFFC000  }
0xf3: {  	[hbm4b:s19+s3] =	stream.linear.scatter [tilespmem:s23], [sflag:$0x3], $0x4000, $0x38;
	[tilespmem:$0x1F700] =	vst v63  }
0xf4: {  	_ =	swait.ge [sflag:s24], $0x4000  }
0xf5: {  	s7 =	simm.s32 @!p1 $0x80;
	[sflag:s24] =	ssyncset.done $0x0  }
0xf6: {  	s25 =	simm.s32 @!p1 $0xBD00;
	s26 =	simm.s32 @!p1 $0xBE00;
	[sflag:s24] =	ssyncadd.s32 $0xFFFFC000  }
0xf7: {  	[tilespmem:s26], [sflag:$0x2] =	stream.indirect.gather @!p1 [hbm4b:s5+s7], $0x1, s25, s7, $0xb8;
	[tilespmem:$0x1F700] =	vst v63  }
0xf8: {  	s25 =	simm.s32 @!p1 $0x2  }
0xf9: {  	_ =	swait.ge @!p1 [sflag:s25], $0x80  }
0xfa: {  	[sflag:s25] =	ssyncset.done @!p1 $0x0  }
0xfb: {  	s8 =	simm.s32 @!p1 $0x0;
	s9 =	simm.s32 @!p1 $0x3;
	[sflag:s25] =	ssyncadd.s32 @!p1 $0xFFFFFF80  }
0xfc: {  	[hbm4b:s20+s8] =	stream.linear.scatter @!p1 [tilespmem:s26], [sflag:$0x3], $0x80, $0x38;
	[tilespmem:$0x1F700] =	vst v63  }
0xfd: {  	_ =	swait.ge @!p1 [sflag:s9], $0x80  }
0xfe: {  	[sflag:s9] =	ssyncset.done @!p1 $0x0  }
0xff: {  	s10 =	simm.s32 @!p1 $0xBD80;
	[sflag:s9] =	ssyncadd.s32 @!p1 $0xFFFFFF80  }
0x100: {  	[tilespmem:s26], [sflag:$0x2] =	stream.indirect.gather @!p1 [hbm4b:s5+s7], $0x1, s10, s7, $0xb8;
	[tilespmem:$0x1F700] =	vst v63  }
0x101: {  	s0 =	sadd.s32 $0x1, s0;
	_ =	swait.ge @!p1 [sflag:s25], $0x80  }
0x102: {  	p2 =	sne.s32 s0, s22;
	[sflag:s25] =	ssyncset.done @!p1 $0x0  }
.Ltmp3:
0x103: {  	[sflag:s25] =	ssyncadd.s32 @!p1 $0xFFFFFF80;
	(pc) =	sbr.rel @p2 .LBB2_1-.Ltmp3, $4  }
0x104: {  	[hbm4b:s21+s8] =	stream.linear.scatter @!p1 [tilespmem:s26], [sflag:$0x3], $0x80, $0x38;
	[tilespmem:$0x1F700] =	vst v63  }
0x105: {  	_ =	swait.ge @!p1 [sflag:s9], $0x80  }
0x106: {  	[sflag:s9] =	ssyncset.done @!p1 $0x0  }
0x107: {  	[sflag:s9] =	ssyncadd.s32 @!p1 $0xFFFFFF80  }
0x108: {  	_ =	sfence.sel $0x180000  }
0x109: {  	[bflag:$0x0] =	sbarrier.arrive $0xFFFF  }
0x10a: {  	_ =	strace $0x9000004D  }
0x10b: {  	s0 =	stileid.u32;
	[bflag:$0x2] =	sbarrier.arrive $0xFFFF  }
0x10c: {  	p0 =	sne.s32 s0, $0x0;
	s0 =	rddreg [dreg:$0x4]  }
0x10d: {  	s0 =	sadd.s32 @!p0 $0x100000, s0  }
0x10e: {  	[sflag:s0] =	ssyncadd.tile.s32 @!p0 $0x1;
	_ =	shalt  }
.Lfunc_end2:
_tile_overlayer_lowered:
.L_overlay_start_2:
0x10f: {  	(tag) =	ssettag $0x2  }
0x110: {  	s0 =	rddreg [dreg:$0x0];
	s2 =	stileid.u32  }
0x111: {  	s1 =	rddreg [dreg:$0x1];
	p0 =	sne.s32 s2, $0x0  }
0x112: {  	s3 =	rddreg [dreg:$0x2];
	[bflag:$0x3] =	sbarrier.arrive $0xFFFF;
	s2 =	simm.s32 @!p0 $0x1C03  }
0x113: {  	[timem:s3], [sflag:s2] =	dma.local @!p0 [hbm:s0], s1  }
0x114: {  	s0 =	simm.s32 @!p0 $0x3  }
0x115: {  	_ =	swait.ge @!p0 [sflag:s0], s1  }
0x116: {  	s1 =	ssub.s32 @!p0 $0x0, s1;
	[sflag:s0] =	ssyncset.done @!p0 $0x0  }
0x117: {  	[sflag:s0] =	ssyncadd.s32 @!p0 s1  }
0x118: {  	[bflag:$0x3] =	sbarrier.arrive $0xFFFF  }
0x119: {  	_ =	shalt  }

// kernel: kernel.8.cloned.1.call-start
scs
__scs_entry_jumppad:
0x0: {  	(pc) =	sbr.rel $0x88, $3  }
0x1: {  	(tag) =	ssettag $0x0;
	lr =	simm.s32 $0x1  }
0x2: {  	[smem:$0x3F93] =	sst lr;
	_ =	strace $0xD0000000  }
0x3: {  	_ = 	snop  }
0x4: {  	_ = 	snop  }
0x5: {  	_ = 	snop  }
0x6: {  	_ = 	snop  }
0x7: {  	_ = 	snop  }
__scs_overlays_trampoline_lowered:
0x8: {  	[smem:$0x3FA2] =	sst s0  }
0x9: {  	[smem:$0x3FA3] =	sst s1  }
0xa: {  	[smem:$0x3FA4] =	sst s2  }
0xb: {  	[smem:$0x3FA5] =	sst s3  }
0xc: {  	[smem:$0x3FA6] =	sst s4  }
0xd: {  	[smem:$0x3FA7] =	sst s5  }
0xe: {  	[smem:$0x3FA8] =	sst s6  }
0xf: {  	[smem:$0x3FA9] =	sst s7  }
0x10: {  	[smem:$0x3FAA] =	sst s8  }
0x11: {  	[smem:$0x3FAB] =	sst s9;
	s0 =	simm.s32 @!p0 $0x0  }
0x12: {  	s1 =	sld [smem:$0x3F91];
	s0 =	simm.s32 @p0 $0x1  }
0x13: {  	[smem:$0x3FAC] =	sst s0;
	s0 =	simm.s32 @!p1 $0x0  }
0x14: {  	s2 =	sld [smem:$0x3F90];
	s0 =	simm.s32 @p1 $0x1  }
0x15: {  	[smem:$0x3FAD] =	sst s0;
	s0 =	simm.s32 @!p2 $0x0  }
0x16: {  	s3 =	sld [smem:$0x3FDB];
	s0 =	simm.s32 @p2 $0x1  }
0x17: {  	s4 =	simm.s32 $0x1BF5;
	[smem:$0x3FAF] =	sst s0  }
0x18: {  	s0 =	sld [smem:$0x3F92];
	_ =	swait.ge [sflag:s4], $0x0  }
0x19: {  	s7 =	sld [smem:$0x3F93]  }
0x1a: {  	s8 =	sadd.s32 $0xFFFFE003, lr  }
0x1b: {  	s9 =	sadd.s32 $0xFFFFFEF7, lr;
	s5 =	simm.s32 $0xFFFFFFFF;
	p2 =	slt.u32 s8, $0xFFFFF086  }
0x1c: {  	p1 =	slt.u32 s9, $0xF7A;
	s5 =	simm.s32 @!p2 $0x0  }
0x1d: {  	s5 =	simm.s32 @p1 $0x1;
	p0 =	seq.s32 s7, s2  }
0x1e: {  	s7 =	smul.u32 @!p0 $0xF7A, s2;
	p2 =	seq.s32 @!p0 s5, $0x0  }
0x1f: {  	s9 =	smul.u32 $0xF7A, s1;
	s8 =	simm.s32 @!p0 $0x1BF5;
	p2 =	por !p2, p0  }
0x20: {  	[sflag:s8] =	ssyncset.s32 @!p0 $0xFFFFF086;
	s6 =	sadd.s32 @!p0 s3, s7;
	s7 =	simm.s32 @!p0 $0x108  }
0x21: {  	s3 =	sadd.s32 s3, s9;
	s6 =	sadd.s32 @!p0 $0x88, s6;
	s7 =	simm.s32 @p2 $0x1082  }
0x22: {  	[simem:s7], [sflag:s8] =	dma.local @!p0 [hbm:s6], $0xF7A  }
0x23: {  	s9 =	sor.u32 $0xD0000000, s2;
	s6 =	simm.s32 $0x108;
	_ =	swait.ge @!p0 [sflag:s8], $0x0  }
0x24: {  	s3 =	sadd.s32 $0x88, s3;
	s6 =	simm.s32 @!p1 $0x1082;
	[sflag:s4] =	ssyncset.s32 $0xFFFFF086  }
0x25: {  	[simem:s6], [sflag:s4] =	dma.local [hbm:s3], $0xF7A  }
0x26: {  	[smem:$0x3F93] =	sst s1;
	(tag) =	ssettag s2;
	_ =	strace s9  }
0x27: {  	s1 =	sld [smem:$0x3FA3]  }
0x28: {  	s2 =	sld [smem:$0x3FA4]  }
0x29: {  	s4 =	sld [smem:$0x3FA6]  }
0x2a: {  	p0 =	seq.s32 s5, $0x0;
	s5 =	sld [smem:$0x3FA7]  }
0x2b: {  	s6 =	sld [smem:$0x3FA8]  }
0x2c: {  	s7 =	sld [smem:$0x3FA9]  }
0x2d: {  	s3 =	simm.s32 $0x108;
	s8 =	sld [smem:$0x3FAA]  }
0x2e: {  	s3 =	simm.s32 @!p0 $0x1082;
	s9 =	sld [smem:$0x3FAB]  }
0x2f: {  	lr =	sadd.s32 s0, s3;
	s0 =	sld [smem:$0x3FA2]  }
0x30: {  	s3 =	sld [smem:$0x3FA5]  }
0x31: {  	[smem:$0x3FAE] =	sst s10  }
0x32: {  	s10 =	sld [smem:$0x3FAC];
	_ =	sdelay $0x3  }
0x33: {  	p0 =	seq.s32 s10, $0x1;
	s10 =	sld [smem:$0x3FAE];
	_ =	sdelay $0x3  }
0x34: {  	[smem:$0x3FAE] =	sst s10  }
0x35: {  	s10 =	sld [smem:$0x3FAD];
	_ =	sdelay $0x3  }
0x36: {  	p1 =	seq.s32 s10, $0x1;
	s10 =	sld [smem:$0x3FAE];
	_ =	sdelay $0x3  }
0x37: {  	[smem:$0x3FAE] =	sst s10  }
0x38: {  	s10 =	sld [smem:$0x3FAF]  }
0x39: {  	_ = 	snop;
	(pc) =	sbr.ind lr, $3  }
0x3a: {  	_ = 	snop  }
0x3b: {  	_ = 	snop  }
0x3c: {  	p2 =	seq.s32 s10, $0x1;
	s10 =	sld [smem:$0x3FAE]  }
0x3d: {  	_ =	shalt  }
0x3e: {  	_ =	shalt  }
0x3f: {  	_ =	shalt  }
0x40: {  	_ =	shalt  }
0x41: {  	_ =	shalt  }
0x42: {  	_ =	shalt  }
0x43: {  	_ =	shalt  }
0x44: {  	_ =	shalt  }
0x45: {  	_ =	shalt  }
0x46: {  	_ =	shalt  }
0x47: {  	_ =	shalt  }
0x48: {  	_ =	shalt  }
0x49: {  	_ =	shalt  }
0x4a: {  	_ =	shalt  }
0x4b: {  	_ =	shalt  }
0x4c: {  	_ =	shalt  }
0x4d: {  	_ =	shalt  }
0x4e: {  	_ =	shalt  }
0x4f: {  	_ =	shalt  }
0x50: {  	_ =	shalt  }
0x51: {  	_ =	shalt  }
0x52: {  	_ =	shalt  }
0x53: {  	_ =	shalt  }
0x54: {  	_ =	shalt  }
0x55: {  	_ =	shalt  }
0x56: {  	_ =	shalt  }
0x57: {  	_ =	shalt  }
0x58: {  	_ =	shalt  }
0x59: {  	_ =	shalt  }
0x5a: {  	_ =	shalt  }
0x5b: {  	_ =	shalt  }
0x5c: {  	_ =	shalt  }
0x5d: {  	_ =	shalt  }
0x5e: {  	_ =	shalt  }
0x5f: {  	_ =	shalt  }
0x60: {  	_ =	shalt  }
0x61: {  	_ =	shalt  }
0x62: {  	_ =	shalt  }
0x63: {  	_ =	shalt  }
0x64: {  	_ =	shalt  }
0x65: {  	_ =	shalt  }
0x66: {  	_ =	shalt  }
0x67: {  	_ =	shalt  }
0x68: {  	_ =	shalt  }
0x69: {  	_ =	shalt  }
0x6a: {  	_ =	shalt  }
0x6b: {  	_ =	shalt  }
0x6c: {  	_ =	shalt  }
0x6d: {  	_ =	shalt  }
0x6e: {  	_ =	shalt  }
0x6f: {  	_ =	shalt  }
0x70: {  	_ =	shalt  }
0x71: {  	_ =	shalt  }
0x72: {  	_ =	shalt  }
0x73: {  	_ =	shalt  }
0x74: {  	_ =	shalt  }
0x75: {  	_ =	shalt  }
0x76: {  	_ =	shalt  }
0x77: {  	_ =	shalt  }
0x78: {  	_ =	shalt  }
0x79: {  	_ =	shalt  }
0x7a: {  	_ =	shalt  }
0x7b: {  	_ =	shalt  }
0x7c: {  	_ =	shalt  }
0x7d: {  	_ =	shalt  }
0x7e: {  	_ =	shalt  }
0x7f: {  	_ =	shalt  }
0x80: {  	_ =	shalt  }
0x81: {  	_ =	shalt  }
0x82: {  	_ =	shalt  }
0x83: {  	_ =	shalt  }
0x84: {  	_ =	shalt  }
0x85: {  	_ =	shalt  }
0x86: {  	_ =	shalt  }
0x87: {  	_ =	shalt  }
.Lfunc_end0:
.L_simem_size_0:
called_computation_lowered:
.L_overlay_start_0:
0x88: {  	s2 =	sld [smem:$0x3FD9]  }
0x89: {  	s3 =	sld [smem:$0x3FFE];
	_ =	sdelay $0x1  }
0x8a: {  	s1 =	srdreg.scid  }
0x8b: {  	s0 =	sand.u32 $0x1, s1  }
0x8c: {  	s16 =	sshll.u32 s0, $0xA;
	s2 =	sadd.s32 s3, s2  }
0x8d: {  	s2 =	sadd.s32 s2, s16  }
0x8e: {  	[smem:$0x3FBA] =	sst s2  }
0x8f: {  	_ = 	snop  }
0x90: {  	(tm) =	ssettm $0x1  }
0x91: {  	s17 =	sld [smem:$0x3FFB];
	_ =	sdelay $0x3  }
0x92: {  	_ =	strace s17  }
0x93: {  	s2 =	sld [smem:$0x3FFC];
	_ =	sdelay $0x3  }
0x94: {  	_ =	strace s2  }
0x95: {  	s2 =	sld [smem:$0x3FFD];
	_ =	sdelay $0x3  }
0x96: {  	_ =	strace s2  }
0x97: {  	_ =	strace $0x8FFFFFFF  }
0x98: {  	s18 =	sld [smem:$0x3FDB];
	_ =	sdelay $0x1  }
0x99: {  	s19 =	simm.s32 $_scs_section_size  }
0x9a: {  	s4 =	simm.s32 $_size__tile_overlayer_lowered;
	s5 =	simm.s32 $_tile_overlayer_lowered  }
0x9b: {  	s22 =	simm.s32 $0x1BFF;
	s21 =	sshll.u32 s5, $0x1;
	s2 =	sadd.s32 s19, s18  }
0x9c: {  	s6 =	simm.s32 $0x0;
	s20 =	sshll.u32 s4, $0x1;
	s4 =	sadd.s32 s21, s2  }
0x9d: {  	[timem:s6], [sflag:s22] =	dma.local [hbm:s4], s20  }
0x9e: {  	_ =	swait.ge [sflag:s22], s20  }
0x9f: {  	s3 =	ssub.s32 $0x0, s20;
	[sflag:s22] =	ssyncset.done $0x0  }
0xa0: {  	[sflag:s22] =	ssyncadd.s32 s3;
	_ =	sdelay $0x1  }
0xa1: {  	s23 =	simm.s32 $0x1B8B  }
0xa2: {  	_ =	swait.ge [sflag:s23], $0x1  }
0xa3: {  	[sflag:s23] =	ssyncset.done $0x0  }
0xa4: {  	s25 =	simm.s32 $0x1B8E;
	s24 =	sld [smem:$0x3FFE];
	[sflag:s23] =	ssyncadd.s32 $0xFFFFFFFF  }
0xa5: {  	s26 =	simm.s32 $execute0_lowered;
	[smem:$0x3FD2] =	sst s25  }
0xa6: {  	s4 =	sshll.u32 s26, $0x1;
	_ =	strace $0x80000046;
	[dreg:$0x1] =	wrdreg $0xFFFFFFFF  }
0xa7: {  	s28 =	simm.s32 $_size_execute0_lowered;
	s2 =	sadd.s32 s2, s4;
	[dreg:$0x0] =	wrdreg $0x0  }
0xa8: {  	s4 =	sshll.u32 s28, $0x1;
	[dreg:$0x2] =	wrdreg s2  }
0xa9: {  	[dreg:$0x3] =	wrdreg s4  }
0xaa: {  	[dreg:$0x4] =	wrdreg $0xC0  }
0xab: {  	_ =	task [dreg:s6], $0x5FFFF  }
0xac: {  	[dreg:$0x1] =	wrdreg $0xFFFFFFFF  }
0xad: {  	[dreg:$0x0] =	wrdreg $0x60  }
0xae: {  	[dreg:$0x2] =	wrdreg s24  }
0xaf: {  	[dreg:$0x3] =	wrdreg $0x30800  }
0xb0: {  	[dreg:$0x4] =	wrdreg $0x9  }
0xb1: {  	_ =	task.clear_ibuf [dreg:s6], $0x5FFFF;
	_ =	strace $0x90000046  }
0xb2: {  	s29 =	simm.s32 $0x9;
	_ =	strace $0x80000048  }
0xb3: {  	_ =	swait.ge [sflag:s29], $0x1  }
0xb4: {  	[sflag:s29] =	ssyncadd.s32 $0xFFFFFFFF  }
0xb5: {  	_ =	strace $0x90000048  }
0xb6: {  	_ =	sfence  }
0xb7: {  	s30 =	sld [smem:$0x0];
	_ =	sdelay $0x2  }
0xb8: {  	s31 =	sshll.u32 s1, $0xD;
	s1 =	sshrl.u32 s1, $0x2  }
0xb9: {  	s3 =	sand.u32 $0x4000, s31;
	s1 =	sadd.s32 s1, s30  }
0xba: {  	s0 =	sor.u32 s3, s0;
	s1 =	sshll.u32 s1, $0x11  }
0xbb: {  	s0 =	sor.u32 s1, s0  }
0xbc: {  	s0 =	sadd.s32 $0x8F2B, s0  }
0xbd: {  	[sflag:s0] =	ssyncadd.remote.s32 $0x1  }
0xbe: {  	_ =	sfence.sel $0xFFFF  }
0xbf: {  	[dreg:$0x0] =	wrdreg $0xFFFFFFFF;
	(pc) =	sbr.abs _section_cstart, $3  }
0xc0: {  	[dreg:$0x1] =	wrdreg $0xFFFFFFFF  }
0xc1: {  	_ =	task.clear_ibuf [dreg:s6], $0x2FFFF;
	_ =	strace $0x9FFFFFFF  }
0xc2: {  	(tm) =	ssettm $0x7FFFFFFF  }
0xc3: {  	_ =	shalt  }
tec
execute0_lowered:
.L_overlay_start_1:
0x0: {  	(tag) =	ssettag $0x1  }
0x1: {  	s4 =	rddreg [dreg:$0x0]  }
0x2: {  	s1 =	rddreg [dreg:$0x1];
	s2 =	srdreg.scid  }
0x3: {  	s0 =	rddreg [dreg:$0x2];
	s3 =	simm.s32 $0x0;
	s10 =	simm.s32 $0x2800  }
0x4: {  	s11 =	simm.s32 $0x1;
	s5 =	sand.u32 $0x1, s2;
	s2 =	stileid.u32  }
0x5: {  	[smem:$0x7FF] =	sst s3;
	s6 =	sshll.u32 s5, $0x4;
	s7 =	smul.u32 $0x2800, s5  }
0x6: {  	s8 =	sshll.u32 s2, $0xB;
	s5 =	ssub.s32 $0x2, s5;
	_ =	strace $0x80000047  }
0x7: {  	p0 =	sgt.u32 s2, $0x4;
	s6 =	sor.u32 s2, s6;
	s9 =	sshrl.u32 s5, $0x1  }
0x8: {  	s12 =	sshll.u32 @!p0 s2, $0x6;
	s6 =	smul.u32 $0x500, s6;
	s7 =	sadd.s32 s8, s7  }
0x9: {  	s9 =	ssub.s32 s5, s9;
	s12 =	sor.u32 @!p0 $0x1C02, s12;
	s7 =	sshrl.u32 s7, $0x3  }
0xa: {  	s6 =	sadd.s32 s6, s4;
	s7 =	sadd.s32 s7, s4;
	s4 =	sadd.s32 s8, s1  }
0xb: {  	s8 =	simm.s32 $0x2;
	s5 =	sadd.s32 $0x3200, s6;
	s6 =	sadd.s32 $0xD200, s7  }
0xc: {  	v0 =	vimm.f32 $1.000000000e+00;
	v1 =	vimm.f32 $0.0e+00;
	s7 =	smax.u32 s9, $0x1;
	s9 =	simm.s32 $0x7D;
	s13 =	sshrl.u32 @!p0 s4, $0x3  }
.LBB2_1:
0xd: {  	[tilespmem:$0x2800] =	vst v0  }
0xe: {  	[tilespmem:$0x2810] =	vst v0  }
0xf: {  	[tilespmem:$0x2820] =	vst v0  }
0x10: {  	[tilespmem:$0x2830] =	vst v0  }
0x11: {  	[tilespmem:$0x2840] =	vst v0  }
0x12: {  	[tilespmem:$0x2850] =	vst v0  }
0x13: {  	[tilespmem:$0x2860] =	vst v0  }
0x14: {  	[tilespmem:$0x2870] =	vst v0;
	s14 =	simm.s32 $0x40;
	s15 =	simm.s32 $0x0  }
.LBB2_2:
0x15: {  	p1 =	sne.s32 s14, $0x1FC0;
	[tilespmem:s15+$0x2880] =	vst v1;
	s15 =	smov.u32 s14;
	s14 =	sadd.s32 $0x40, s14  }
.Ltmp0:
0x16: {  	(pc) =	sbr.rel @p1 .LBB2_2-.Ltmp0, $2  }
0x17: {  	_ =	sdelay $0x2  }
0x18: {  	s15 =	sshra.s32 s15, $0x2  }
0x19: {  	[tilespmem:s15+$0x2880] =	vst v1;
	s14 =	simm.s32 @!p0 $0x2880  }
0x1a: {  	[spmem:s4] =	stream.linear.scatter @!p0 [tilespmem:s14], [sflag:$0x2], $0x800, $0x38;
	[tilespmem:$0x3300] =	vst v63  }
0x1b: {  	s14 =	simm.s32 @!p0 $0x2  }
0x1c: {  	_ =	swait.ge @!p0 [sflag:s14], $0x800  }
0x1d: {  	[sflag:s14] =	ssyncset.done @!p0 $0x0  }
0x1e: {  	[sflag:s14] =	ssyncadd.s32 @!p0 $0xFFFFF800;
	s14 =	simm.s32 $0x0  }
0x1f: {  	[tilespmem:s14], [sflag:$0x2] =	stream.linear.gather [hbm4b:s5+s14], $0x2800, $0x38;
	[tilespmem:$0x3300] =	vst v63  }
0x20: {  	_ =	swait.ge [sflag:s8], $0x2800  }
0x21: {  	[sflag:s8] =	ssyncset.done $0x0  }
0x22: {  	[sflag:s8] =	ssyncadd.s32 $0xFFFFD800  }
0x23: {  	[bflag:$0x0] =	sbarrier.arrive $0xFFFF  }
.LBB2_4:
0x24: {  	p1 =	sne.s32 s14, $0x9E00  }
.Ltmp1:
0x25: {  	_ = 	snop;
	(pc) =	sbr.rel @p1 .LBB2_4-.Ltmp1, $3  }
0x26: {  	_ =	sdelay $0x1  }
0x27: {  	s15 =	sshra.s32 s14, $0x2;
	s14 =	sadd.s32 $0x200, s14  }
0x28: {  	[spmem:s1] =	stream.indirect.scatter.add.f32 [tilespmem:s10], [sflag:$0x1], $0x1, s15, s9, $0xb8;
	[tilespmem:$0x3300] =	vst v63  }
0x29: {  	_ =	swait.ge [sflag:s11], $0x7D  }
0x2a: {  	s14 =	simm.s32 $0x4F;
	[sflag:s11] =	ssyncset.done $0x0  }
.LBB2_6:
0x2b: {  	p1 =	sne.s32 s14, $0x1;
	s14 =	sadd.s32 $0xFFFFFFFF, s14;
	[sflag:s11] =	ssyncadd.s32 $0xFFFFFF83  }
.Ltmp2:
0x2c: {  	(pc) =	sbr.rel @p1 .LBB2_6-.Ltmp2, $3  }
0x2d: {  	_ =	sdelay $0x1  }
0x2e: {  	_ =	swait.ge [sflag:s11], $0x7D  }
0x2f: {  	[sflag:s11] =	ssyncset.done $0x0  }
0x30: {  	s3 =	sadd.s32 $0x1, s3  }
0x31: {  	[sflag:s11] =	ssyncadd.s32 $0xFFFFFF83;
	p1 =	sne.s32 s3, s7  }
.Ltmp3:
0x32: {  	s14 =	simm.s32 @!p0 $0x2;
	[bflag:$0x0] =	sbarrier.arrive $0xFFFF;
	(pc) =	sbr.rel @p1 .LBB2_1-.Ltmp3, $4  }
0x33: {  	[hbm:s6], [sflag:s12] =	dma.local @!p0 [spmem:s13], $0x100  }
0x34: {  	_ =	swait.ge @!p0 [sflag:s14], $0x100  }
0x35: {  	[sflag:s14] =	ssyncset.done @!p0 $0x0  }
0x36: {  	[sflag:s14] =	ssyncadd.s32 @!p0 $0xFFFFFF00  }
0x37: {  	_ =	sfence.sel $0x180000  }
0x38: {  	[bflag:$0x0] =	sbarrier.arrive $0xFFFF  }
0x39: {  	p0 =	sne.s32 s2, $0x0;
	_ =	strace $0x90000047  }
0x3a: {  	s0 =	sadd.s32 @!p0 $0x100000, s0;
	[bflag:$0x2] =	sbarrier.arrive $0xFFFF  }
0x3b: {  	[sflag:s0] =	ssyncadd.tile.s32 @!p0 $0x1;
	_ =	shalt  }
.Lfunc_end2:
_tile_overlayer_lowered:
.L_overlay_start_2:
0x3c: {  	(tag) =	ssettag $0x2  }
0x3d: {  	s0 =	rddreg [dreg:$0x0];
	s2 =	stileid.u32  }
0x3e: {  	s1 =	rddreg [dreg:$0x1];
	p0 =	sne.s32 s2, $0x0  }
0x3f: {  	s3 =	rddreg [dreg:$0x2];
	[bflag:$0x3] =	sbarrier.arrive $0xFFFF;
	s2 =	simm.s32 @!p0 $0x1C02  }
0x40: {  	[timem:s3], [sflag:s2] =	dma.local @!p0 [hbm:s0], s1  }
0x41: {  	s0 =	simm.s32 @!p0 $0x2  }
0x42: {  	_ =	swait.ge @!p0 [sflag:s0], s1  }
0x43: {  	s1 =	ssub.s32 @!p0 $0x0, s1;
	[sflag:s0] =	ssyncset.done @!p0 $0x0  }
0x44: {  	[sflag:s0] =	ssyncadd.s32 @!p0 s1  }
0x45: {  	[bflag:$0x3] =	sbarrier.arrive $0xFFFF  }
0x46: {  	_ =	shalt  }

</sc_bundles>
